<compile_context>
chip_gen: v7x
topology: tpu7x:2x2x1
jax: 0.10.2.dev20260603
libtpu: 0.0.44.dev20260713+nightly
codegen_flags: <defaults>
</compile_context>

<pallas_src>
import functools

import jax
import jax.numpy as jnp
from jax import lax
from jax.experimental import pallas as pl
from jax.experimental.pallas import tpu as pltpu
from jax.experimental.pallas import tpu_sc as plsc

D_MODEL = 256
NUM_PITCHERS = 100000
NUM_BATTERS = 100000
NUM_FIELDERS = 100000
B = 16384

_NC, _NS = 2, 16
_NW = _NC * _NS
_WROWS = B // _NW
_CHUNK = 256
_GW = 384


def _linear16(x):
    from jax.experimental.layout import Layout, with_layout_constraint
    lay = Layout(major_to_minor=tuple(range(x.ndim)), tiling=((16,),))
    return with_layout_constraint(x, lay)


_MESH_CACHE = []


def _mesh():
    if not _MESH_CACHE:
        _MESH_CACHE.append(
            plsc.VectorSubcoreMesh(core_axis_name="c", subcore_axis_name="s"))
    return _MESH_CACHE[0]


def _sc_gather(pidx, bidx, fidx, ptab, btab, ftab):
    nb = pidx.shape[0]
    wrows = nb // _NW
    nsteps = max(1, wrows // _CHUNK)
    step = wrows // nsteps

    @functools.partial(
        pl.kernel,
        mesh=_mesh(),
        out_type=[
            jax.ShapeDtypeStruct((nb, 64), jnp.float32),
            jax.ShapeDtypeStruct((nb, 64), jnp.float32),
            jax.ShapeDtypeStruct((8, nb, 32), jnp.float32),
        ],
        scratch_types=[
            pltpu.VMEM((step,), jnp.int32),
            pltpu.VMEM((step, 64), jnp.float32),
            pltpu.VMEM((step, 32), jnp.float32),
            pltpu.SemaphoreType.DMA,
        ],
    )
    def k(pidx_hbm, bidx_hbm, fidx_hbm, ptab_hbm, btab_hbm, ftab_hbm,
          pe_hbm, be_hbm, fg_hbm, idx_v, rows64_v, rows32_v, sem):
        wid = lax.axis_index("s") * _NC + lax.axis_index("c")

        @pl.loop(0, nsteps)
        def _(h):
            base = wid * wrows + h * step
            rows = pl.ds(base, step)

            pltpu.sync_copy(pidx_hbm.at[rows], idx_v)
            pltpu.async_copy(ptab_hbm.at[idx_v], rows64_v, sem).wait()
            pltpu.sync_copy(rows64_v, pe_hbm.at[rows])

            pltpu.sync_copy(bidx_hbm.at[rows], idx_v)
            pltpu.async_copy(btab_hbm.at[idx_v], rows64_v, sem).wait()
            pltpu.sync_copy(rows64_v, be_hbm.at[rows])

            for j in range(8):
                pltpu.sync_copy(fidx_hbm.at[j, rows], idx_v)
                pltpu.async_copy(ftab_hbm.at[idx_v], rows32_v, sem).wait()
                pltpu.sync_copy(rows32_v, fg_hbm.at[j, rows])

    return k(pidx, bidx, fidx, ptab, btab, ftab)


_TILE = 512
_OFFS = (0, 3, 7, 12, 16, 20, 25, 34)
_MAXV = (2, 3, 4, 3, 3, 4, 8, 24)


def _tc_body(pe, be, fg, sidx, cont, w1, b1, g1, bb1, w2, b2, st, wpe, wbe,
             wff, wsm, wct, bf, gf, bff, out):
    t = pe.shape[0]
    h = jnp.dot(cont[...], w1[...], preferred_element_type=jnp.float32) + b1[...]
    mu = jnp.mean(h, axis=-1, keepdims=True)
    var = jnp.mean((h - mu) ** 2, axis=-1, keepdims=True)
    h = (h - mu) * lax.rsqrt(var + 1e-5) * g1[...] + bb1[...]
    h = h * jax.nn.sigmoid(h)
    cf = jnp.dot(h, w2[...], preferred_element_type=jnp.float32) + b2[...]

    col = lax.broadcasted_iota(jnp.int32, (t, 64), 1)
    oh = jnp.zeros((t, 64), jnp.float32)
    for f in range(8):
        idx = jnp.clip(sidx[f, :], 0, _MAXV[f]).reshape(t, 1)
        oh = oh + (col == idx + _OFFS[f]).astype(jnp.float32)
    msm = jnp.dot(st[...], wsm[...], preferred_element_type=jnp.float32)

    acc = jnp.dot(pe[...], wpe[...], preferred_element_type=jnp.float32)
    acc = acc + jnp.dot(be[...], wbe[...], preferred_element_type=jnp.float32)
    fgv = fg[...]
    wfv = wff[...]
    for j in range(8):
        acc = acc + jnp.dot(fgv[j], wfv[j], preferred_element_type=jnp.float32)
    acc = acc + jnp.dot(oh, msm, preferred_element_type=jnp.float32)
    acc = acc + jnp.dot(cf, wct[...], preferred_element_type=jnp.float32)
    acc = acc + bf[...]

    mu = jnp.mean(acc, axis=-1, keepdims=True)
    var = jnp.mean((acc - mu) ** 2, axis=-1, keepdims=True)
    out[...] = (acc - mu) * lax.rsqrt(var + 1e-5) * gf[...] + bff[...]


def _tc_fuse(pe, be, fg, sidx, cont, w1, b1, g1, bb1, w2, b2, st, wpe, wbe,
             wff, wsm, wct, bf, gf, bff):
    nb = pe.shape[0]
    n_tiles = nb // _TILE
    rep2 = lambda shape: pl.BlockSpec(shape, lambda i: (0, 0))
    return pl.pallas_call(
        _tc_body,
        grid=(n_tiles,),
        in_specs=[
            pl.BlockSpec((_TILE, 64), lambda i: (i, 0)),
            pl.BlockSpec((_TILE, 64), lambda i: (i, 0)),
            pl.BlockSpec((8, _TILE, 32), lambda i: (0, i, 0)),
            pl.BlockSpec((8, _TILE), lambda i: (0, i)),
            pl.BlockSpec((_TILE, 16), lambda i: (i, 0)),
            rep2((16, 128)),
            rep2((1, 128)),
            rep2((1, 128)),
            rep2((1, 128)),
            rep2((128, 128)),
            rep2((1, 128)),
            rep2((64, 80)),
            rep2((64, D_MODEL)),
            rep2((64, D_MODEL)),
            pl.BlockSpec((8, 32, D_MODEL), lambda i: (0, 0, 0)),
            rep2((80, D_MODEL)),
            rep2((128, D_MODEL)),
            rep2((1, D_MODEL)),
            rep2((1, D_MODEL)),
            rep2((1, D_MODEL)),
        ],
        out_specs=pl.BlockSpec((_TILE, D_MODEL), lambda i: (i, 0)),
        out_shape=jax.ShapeDtypeStruct((nb, D_MODEL), jnp.float32),
    )(pe, be, fg, sidx, cont, w1, b1, g1, bb1, w2, b2, st,
      wpe, wbe, wff, wsm, wct, bf, gf, bff)


def kernel(pitcher_id, batter_id, pitcher_age, pitcher_throws, batter_age,
           batter_hits, count_balls, count_strikes, outs, bases_state,
           score_bat, score_fld, inning, pitch_number, number_through_order,
           game_date, fielder_2_id, fielder_3_id, fielder_4_id, fielder_5_id,
           fielder_6_id, fielder_7_id, fielder_8_id, fielder_9_id,
           batter_days_since_prev_game, pitcher_days_since_prev_game,
           strike_zone_top, strike_zone_bottom, pitched_emb, batter_emb,
           fielder_emb, emb_p_throws, emb_b_hits, emb_balls, emb_strikes,
           emb_outs, emb_order, emb_bases, emb_inning, W1, b1, ln1_g, ln1_b,
           W2, b2, Wf, bf, lnf_g, lnf_b):
    f32 = jnp.float32

    pidx = pitcher_id % NUM_PITCHERS + 1
    bidx = batter_id % NUM_BATTERS + 1
    fidx = jnp.stack([fielder_2_id, fielder_3_id, fielder_4_id, fielder_5_id,
                      fielder_6_id, fielder_7_id, fielder_8_id, fielder_9_id]
                     ) % NUM_FIELDERS + 1

    ptab = _linear16(pitched_emb)
    btab = _linear16(batter_emb)
    ftab = _linear16(fielder_emb)

    nh = B // 2
    halves = []
    for h in range(2):
        s = slice(h * nh, (h + 1) * nh)
        halves.append(_sc_gather(pidx[s], bidx[s], fidx[:, s],
                                 ptab, btab, ftab))

    sidx = jnp.stack([pitcher_throws, batter_hits, count_balls, count_strikes,
                      outs, number_through_order, bases_state, inning])

    cont = jnp.stack([pitcher_age, batter_age, score_bat, score_fld,
                      pitch_number, game_date,
                      batter_days_since_prev_game.astype(f32),
                      pitcher_days_since_prev_game.astype(f32),
                      strike_zone_top, strike_zone_bottom], axis=-1)
    cont = jnp.pad(cont, ((0, 0), (0, 6)))
    w1p = jnp.pad(W1, ((0, 6), (0, 0)))

    st = jnp.zeros((64, 80), f32)
    st = st.at[0:3, 0:8].set(emb_p_throws)
    st = st.at[3:7, 8:16].set(emb_b_hits)
    st = st.at[7:12, 16:24].set(emb_balls)
    st = st.at[12:16, 24:32].set(emb_strikes)
    st = st.at[16:20, 32:40].set(emb_outs)
    st = st.at[20:25, 40:48].set(emb_order)
    st = st.at[25:34, 48:64].set(emb_bases)
    st = st.at[34:59, 64:80].set(emb_inning)

    row = lambda v: v.reshape(1, -1)
    outs_h = []
    for h in range(2):
        s = slice(h * nh, (h + 1) * nh)
        pe, be, fg = halves[h]
        outs_h.append(_tc_fuse(
            pe, be, fg, sidx[:, s], cont[s], w1p, row(b1), row(ln1_g),
            row(ln1_b), W2, row(b2), st, Wf[0:64], Wf[64:128],
            Wf[128:_GW].reshape(8, 32, D_MODEL), Wf[_GW:_GW + 80],
            Wf[_GW + 80:592], row(bf), row(lnf_g), row(lnf_b)))
    return jnp.concatenate(outs_h, axis=0)

# --- scband reference (transcript-rebuilt; emitter-appended) ---
"""Pipeline reference for scband-pitch-context-adapter-197568495845 (READ-ONLY COPY).

The authoritative reference and input builder live on the scoring server;
editing this copy changes nothing except your own understanding.
"""

import jax, jax.numpy as jnp
import numpy as np

D_MODEL = 256
NUM_PITCHERS = 100000
NUM_BATTERS = 100000
NUM_FIELDERS = 100000
B = 16384


def _layer_norm(x, g, b, eps=1e-5):
    m = jnp.mean(x, axis=-1, keepdims=True)
    v = jnp.mean((x - m) ** 2, axis=-1, keepdims=True)
    return (x - m) / jnp.sqrt(v + eps) * g + b


def setup_inputs(seed: int = 0):
    key = jax.random.key(seed)
    ks = jax.random.split(key, 60)
    it = iter(ks)

    def nk():
        return next(it)

    def ri(hi):
        return jax.random.randint(nk(), (B,), 0, hi, dtype=jnp.int32)

    def rf():
        return jax.random.uniform(nk(), (B,), dtype=jnp.float32)

    def emb_pad(n, d):
        t = jax.random.normal(nk(), (n, d), dtype=jnp.float32) * 0.02
        return t.at[0].set(0.0)

    def emb(n, d):
        return jax.random.normal(nk(), (n, d), dtype=jnp.float32) * 0.02

    inp = {}
    inp['pitcher_id'] = ri(NUM_PITCHERS)
    inp['batter_id'] = ri(NUM_BATTERS)
    inp['pitcher_age'] = rf()
    inp['pitcher_throws'] = ri(3)
    inp['batter_age'] = rf()
    inp['batter_hits'] = ri(4)
    inp['count_balls'] = ri(5)
    inp['count_strikes'] = ri(4)
    inp['outs'] = ri(4)
    inp['bases_state'] = ri(9)
    inp['score_bat'] = rf()
    inp['score_fld'] = rf()
    inp['inning'] = ri(25)
    inp['pitch_number'] = rf()
    inp['number_through_order'] = ri(5)
    inp['game_date'] = rf()
    for f in ['fielder_2_id', 'fielder_3_id', 'fielder_4_id', 'fielder_5_id', 'fielder_6_id', 'fielder_7_id', 'fielder_8_id', 'fielder_9_id']:
        inp[f] = ri(NUM_FIELDERS)
    inp['batter_days_since_prev_game'] = ri(30)
    inp['pitcher_days_since_prev_game'] = ri(30)
    inp['strike_zone_top'] = rf()
    inp['strike_zone_bottom'] = rf()
    inp['pitched_emb'] = emb_pad(NUM_PITCHERS + 1, 64)
    inp['batter_emb'] = emb_pad(NUM_BATTERS + 1, 64)
    inp['fielder_emb'] = emb_pad(NUM_FIELDERS + 1, 32)
    inp['emb_p_throws'] = emb(3, 8)
    inp['emb_b_hits'] = emb(4, 8)
    inp['emb_balls'] = emb(5, 8)
    inp['emb_strikes'] = emb(4, 8)
    inp['emb_outs'] = emb(4, 8)
    inp['emb_order'] = emb(5, 8)
    inp['emb_bases'] = emb(9, 16)
    inp['emb_inning'] = emb(25, 16)
    inp['W1'] = jax.random.normal(nk(), (10, 128), dtype=jnp.float32) * 0.1
    inp['b1'] = jnp.zeros((128,), dtype=jnp.float32)
    inp['ln1_g'] = jnp.ones((128,), dtype=jnp.float32)
    inp['ln1_b'] = jnp.zeros((128,), dtype=jnp.float32)
    inp['W2'] = jax.random.normal(nk(), (128, 128), dtype=jnp.float32) * 0.05
    inp['b2'] = jnp.zeros((128,), dtype=jnp.float32)
    inp['Wf'] = jax.random.normal(nk(), (592, D_MODEL), dtype=jnp.float32) * 0.04
    inp['bf'] = jnp.zeros((D_MODEL,), dtype=jnp.float32)
    inp['lnf_g'] = jnp.ones((D_MODEL,), dtype=jnp.float32)
    inp['lnf_b'] = jnp.zeros((D_MODEL,), dtype=jnp.float32)
    return inp


def reference(pitcher_id, batter_id, pitcher_age, pitcher_throws, batter_age, batter_hits, count_balls, count_strikes, outs, bases_state, score_bat, score_fld, inning, pitch_number, number_through_order, game_date, fielder_2_id, fielder_3_id, fielder_4_id, fielder_5_id, fielder_6_id, fielder_7_id, fielder_8_id, fielder_9_id, batter_days_since_prev_game, pitcher_days_since_prev_game, strike_zone_top, strike_zone_bottom, pitched_emb, batter_emb, fielder_emb, emb_p_throws, emb_b_hits, emb_balls, emb_strikes, emb_outs, emb_order, emb_bases, emb_inning, W1, b1, ln1_g, ln1_b, W2, b2, Wf, bf, lnf_g, lnf_b):
    pid = pitcher_id % NUM_PITCHERS
    bid = batter_id % NUM_BATTERS
    pe = jnp.take(pitched_emb, pid + 1, axis=0)
    be = jnp.take(batter_emb, bid + 1, axis=0)
    fs = [jnp.take(fielder_emb, f % NUM_FIELDERS + 1, axis=0) for f in [fielder_2_id, fielder_3_id, fielder_4_id, fielder_5_id, fielder_6_id, fielder_7_id, fielder_8_id, fielder_9_id]]
    te = jnp.take(emb_p_throws, jnp.clip(pitcher_throws, 0, 2), axis=0)
    he = jnp.take(emb_b_hits, jnp.clip(batter_hits, 0, 3), axis=0)
    ball_e = jnp.take(emb_balls, jnp.clip(count_balls, 0, 4), axis=0)
    str_e = jnp.take(emb_strikes, jnp.clip(count_strikes, 0, 3), axis=0)
    out_e = jnp.take(emb_outs, jnp.clip(outs, 0, 3), axis=0)
    base_e = jnp.take(emb_bases, jnp.clip(bases_state, 0, 8), axis=0)
    order_e = jnp.take(emb_order, jnp.clip(number_through_order, 0, 4), axis=0)
    inn_e = jnp.take(emb_inning, jnp.clip(inning, 0, 24), axis=0)
    cont_input = jnp.stack([pitcher_age, batter_age, score_bat, score_fld, pitch_number, game_date, batter_days_since_prev_game.astype(jnp.float32), pitcher_days_since_prev_game.astype(jnp.float32), strike_zone_top, strike_zone_bottom], axis=-1)
    h = _layer_norm(cont_input @ W1 + b1, ln1_g, ln1_b)
    h = h * jax.nn.sigmoid(h)
    cont_feats = h @ W2 + b2
    combined = jnp.concatenate([pe, be] + fs + [te, he, ball_e, str_e, out_e, order_e, base_e, inn_e, cont_feats], axis=-1)
    return _layer_norm(combined @ Wf + bf, lnf_g, lnf_b)

if __name__ == "__main__":
    import jax
    _d = setup_inputs()
    print(jax.jit(kernel)(*tuple(_d.values())))

</pallas_src>

<mosaic_0001>
#map = affine_map<(d0, d1) -> (0)>
#map1 = affine_map<(d0, d1) -> (0, 0)>
#map2 = affine_map<(d0, d1) -> (0, 0, 0)>
module attributes {stable_mosaic.version = 14 : i64} {
  func.func @k(%arg0: i32, %arg1: i32, %arg2: memref<8192xi32, #tpu.memory_space<hbm>>, %arg3: memref<8192xi32, #tpu.memory_space<hbm>>, %arg4: memref<8x8192xi32, #tpu.memory_space<hbm>>, %arg5: memref<100001x64xf32, #tpu.memory_space<hbm>>, %arg6: memref<100001x64xf32, #tpu.memory_space<hbm>>, %arg7: memref<100001x32xf32, #tpu.memory_space<hbm>>, %arg8: memref<8192x64xf32, #tpu.memory_space<hbm>>, %arg9: memref<8192x64xf32, #tpu.memory_space<hbm>>, %arg10: memref<8x8192x32xf32, #tpu.memory_space<hbm>>, %arg11: memref<256xi32, #tpu.memory_space<vmem>>, %arg12: memref<256x64xf32, #tpu.memory_space<vmem>>, %arg13: memref<256x32xf32, #tpu.memory_space<vmem>>, %arg14: memref<!tpu.dma_semaphore, #tpu.memory_space<semaphore_mem>>) attributes {dimension_semantics = [#tpu.dimension_semantics<core_parallel>, #tpu.dimension_semantics<subcore_parallel>], iteration_bounds = array<i64: 2, 16>, scalar_prefetch = 0 : i64, scratch_operands = 4 : i64, tpu.core_type = #tpu.core_type<sc_vector_subcore>, window_params = [{transform_indices = #map}, {transform_indices = #map}, {transform_indices = #map1}, {transform_indices = #map1}, {transform_indices = #map1}, {transform_indices = #map1}, {transform_indices = #map1}, {transform_indices = #map1}, {transform_indices = #map2}]} {
    %mul3A = arith.constant 2 : i32
    %mul3A_0 = arith.muli %arg1, %mul3A : i32
    %add3A = arith.addi %mul3A_0, %arg0 : i32
    %scan3A = arith.constant 0 : i32
    %mul3A_1 = arith.constant 1 : i32
    %mul3A_2 = arith.muli %scan3A, %mul3A_1 : i32
    %add3A_3 = arith.constant 0 : i32
    %add3A_4 = arith.addi %add3A_3, %mul3A_2 : i32
    %mul3A_5 = arith.constant 256 : i32
    %mul3A_6 = arith.muli %add3A, %mul3A_5 : i32
    %mul3A_7 = arith.constant 256 : i32
    %mul3A_8 = arith.muli %add3A_4, %mul3A_7 : i32
    %add3A_9 = arith.addi %mul3A_6, %mul3A_8 : i32
    "tpu.region"() ({
      %run_scoped3A_84 = tpu.sem_alloc : memref<!tpu.dma_semaphore, #tpu.memory_space<semaphore_mem>>
      %dma_start3A_85 = tpu.memref_slice %arg2[%add3A_9] : memref<8192xi32, #tpu.memory_space<hbm>> -> memref<256xi32, #tpu.memory_space<hbm>>
      %dma_start3A_86 = tpu.memref_slice %arg2[%add3A_9] : memref<8192xi32, #tpu.memory_space<hbm>> -> memref<256xi32, #tpu.memory_space<hbm>>
      tpu.enqueue_dma source(%dma_start3A_86 : memref<256xi32, #tpu.memory_space<hbm>>) target(%arg11 : memref<256xi32, #tpu.memory_space<vmem>>) target_semaphore(%run_scoped3A_84 : memref<!tpu.dma_semaphore, #tpu.memory_space<semaphore_mem>>)
      %dma_wait3A_87 = tpu.memref_slice %arg2[%add3A_9] : memref<8192xi32, #tpu.memory_space<hbm>> -> memref<256xi32, #tpu.memory_space<hbm>>
      %dma_wait3A_88 = tpu.memref_slice %arg2[%add3A_9] : memref<8192xi32, #tpu.memory_space<hbm>> -> memref<256xi32, #tpu.memory_space<hbm>>
      tpu.wait_dma2 semaphore(%run_scoped3A_84 : memref<!tpu.dma_semaphore, #tpu.memory_space<semaphore_mem>>) src(%dma_wait3A_88 : memref<256xi32, #tpu.memory_space<hbm>>) dst(%arg11 : memref<256xi32, #tpu.memory_space<vmem>>)
      tpu.yield
    }) : () -> ()
    %dma_start3A = arith.constant 0 : i32
    %dma_start3A_10 = arith.constant 0 : i32
    %dma_start3A_11 = tpu.memref_slice %arg5[%dma_start3A, %dma_start3A_10] : memref<100001x64xf32, #tpu.memory_space<hbm>> -> memref<100001x64xf32, #tpu.memory_space<hbm>>
    tpu.enqueue_indirect_dma source(%dma_start3A_11 : memref<100001x64xf32, #tpu.memory_space<hbm>>) target(%arg12 : memref<256x64xf32, #tpu.memory_space<vmem>>) offsets(%arg11 : memref<256xi32, #tpu.memory_space<vmem>>) semaphore(%arg14 : memref<!tpu.dma_semaphore, #tpu.memory_space<semaphore_mem>>)
    %dma_wait3A = arith.constant 0 : i32
    %dma_wait3A_12 = arith.constant 0 : i32
    %dma_wait3A_13 = tpu.memref_slice %arg5[%dma_wait3A, %dma_wait3A_12] : memref<100001x64xf32, #tpu.memory_space<hbm>> -> memref<100001x64xf32, #tpu.memory_space<hbm>>
    tpu.wait_indirect_dma semaphore(%arg14 : memref<!tpu.dma_semaphore, #tpu.memory_space<semaphore_mem>>) src(%dma_wait3A_13 : memref<100001x64xf32, #tpu.memory_space<hbm>>) dst(%arg12 : memref<256x64xf32, #tpu.memory_space<vmem>>)
    "tpu.region"() ({
      %run_scoped3A_84 = tpu.sem_alloc : memref<!tpu.dma_semaphore, #tpu.memory_space<semaphore_mem>>
      %dma_start3A_85 = arith.constant 0 : i32
      %dma_start3A_86 = tpu.memref_slice %arg8[%add3A_9, %dma_start3A_85] : memref<8192x64xf32, #tpu.memory_space<hbm>> -> memref<256x64xf32, #tpu.memory_space<hbm>>
      %dma_start3A_87 = arith.constant 0 : i32
      %dma_start3A_88 = tpu.memref_slice %arg8[%add3A_9, %dma_start3A_87] : memref<8192x64xf32, #tpu.memory_space<hbm>> -> memref<256x64xf32, #tpu.memory_space<hbm>>
      tpu.enqueue_dma source(%arg12 : memref<256x64xf32, #tpu.memory_space<vmem>>) target(%dma_start3A_88 : memref<256x64xf32, #tpu.memory_space<hbm>>) target_semaphore(%run_scoped3A_84 : memref<!tpu.dma_semaphore, #tpu.memory_space<semaphore_mem>>)
      %dma_wait3A_89 = arith.constant 0 : i32
      %dma_wait3A_90 = tpu.memref_slice %arg8[%add3A_9, %dma_wait3A_89] : memref<8192x64xf32, #tpu.memory_space<hbm>> -> memref<256x64xf32, #tpu.memory_space<hbm>>
      %dma_wait3A_91 = arith.constant 0 : i32
      %dma_wait3A_92 = tpu.memref_slice %arg8[%add3A_9, %dma_wait3A_91] : memref<8192x64xf32, #tpu.memory_space<hbm>> -> memref<256x64xf32, #tpu.memory_space<hbm>>
      tpu.wait_dma2 semaphore(%run_scoped3A_84 : memref<!tpu.dma_semaphore, #tpu.memory_space<semaphore_mem>>) src(%arg12 : memref<256x64xf32, #tpu.memory_space<vmem>>) dst(%dma_wait3A_92 : memref<256x64xf32, #tpu.memory_space<hbm>>)
      tpu.yield
    }) : () -> ()
    "tpu.region"() ({
      %run_scoped3A_84 = tpu.sem_alloc : memref<!tpu.dma_semaphore, #tpu.memory_space<semaphore_mem>>
      %dma_start3A_85 = tpu.memref_slice %arg3[%add3A_9] : memref<8192xi32, #tpu.memory_space<hbm>> -> memref<256xi32, #tpu.memory_space<hbm>>
      %dma_start3A_86 = tpu.memref_slice %arg3[%add3A_9] : memref<8192xi32, #tpu.memory_space<hbm>> -> memref<256xi32, #tpu.memory_space<hbm>>
      tpu.enqueue_dma source(%dma_start3A_86 : memref<256xi32, #tpu.memory_space<hbm>>) target(%arg11 : memref<256xi32, #tpu.memory_space<vmem>>) target_semaphore(%run_scoped3A_84 : memref<!tpu.dma_semaphore, #tpu.memory_space<semaphore_mem>>)
      %dma_wait3A_87 = tpu.memref_slice %arg3[%add3A_9] : memref<8192xi32, #tpu.memory_space<hbm>> -> memref<256xi32, #tpu.memory_space<hbm>>
      %dma_wait3A_88 = tpu.memref_slice %arg3[%add3A_9] : memref<8192xi32, #tpu.memory_space<hbm>> -> memref<256xi32, #tpu.memory_space<hbm>>
      tpu.wait_dma2 semaphore(%run_scoped3A_84 : memref<!tpu.dma_semaphore, #tpu.memory_space<semaphore_mem>>) src(%dma_wait3A_88 : memref<256xi32, #tpu.memory_space<hbm>>) dst(%arg11 : memref<256xi32, #tpu.memory_space<vmem>>)
      tpu.yield
    }) : () -> ()
    %dma_start3A_14 = arith.constant 0 : i32
    %dma_start3A_15 = arith.constant 0 : i32
    %dma_start3A_16 = tpu.memref_slice %arg6[%dma_start3A_14, %dma_start3A_15] : memref<100001x64xf32, #tpu.memory_space<hbm>> -> memref<100001x64xf32, #tpu.memory_space<hbm>>
    tpu.enqueue_indirect_dma source(%dma_start3A_16 : memref<100001x64xf32, #tpu.memory_space<hbm>>) target(%arg12 : memref<256x64xf32, #tpu.memory_space<vmem>>) offsets(%arg11 : memref<256xi32, #tpu.memory_space<vmem>>) semaphore(%arg14 : memref<!tpu.dma_semaphore, #tpu.memory_space<semaphore_mem>>)
    %dma_wait3A_17 = arith.constant 0 : i32
    %dma_wait3A_18 = arith.constant 0 : i32
    %dma_wait3A_19 = tpu.memref_slice %arg6[%dma_wait3A_17, %dma_wait3A_18] : memref<100001x64xf32, #tpu.memory_space<hbm>> -> memref<100001x64xf32, #tpu.memory_space<hbm>>
    tpu.wait_indirect_dma semaphore(%arg14 : memref<!tpu.dma_semaphore, #tpu.memory_space<semaphore_mem>>) src(%dma_wait3A_19 : memref<100001x64xf32, #tpu.memory_space<hbm>>) dst(%arg12 : memref<256x64xf32, #tpu.memory_space<vmem>>)
    "tpu.region"() ({
      %run_scoped3A_84 = tpu.sem_alloc : memref<!tpu.dma_semaphore, #tpu.memory_space<semaphore_mem>>
      %dma_start3A_85 = arith.constant 0 : i32
      %dma_start3A_86 = tpu.memref_slice %arg9[%add3A_9, %dma_start3A_85] : memref<8192x64xf32, #tpu.memory_space<hbm>> -> memref<256x64xf32, #tpu.memory_space<hbm>>
      %dma_start3A_87 = arith.constant 0 : i32
      %dma_start3A_88 = tpu.memref_slice %arg9[%add3A_9, %dma_start3A_87] : memref<8192x64xf32, #tpu.memory_space<hbm>> -> memref<256x64xf32, #tpu.memory_space<hbm>>
      tpu.enqueue_dma source(%arg12 : memref<256x64xf32, #tpu.memory_space<vmem>>) target(%dma_start3A_88 : memref<256x64xf32, #tpu.memory_space<hbm>>) target_semaphore(%run_scoped3A_84 : memref<!tpu.dma_semaphore, #tpu.memory_space<semaphore_mem>>)
      %dma_wait3A_89 = arith.constant 0 : i32
      %dma_wait3A_90 = tpu.memref_slice %arg9[%add3A_9, %dma_wait3A_89] : memref<8192x64xf32, #tpu.memory_space<hbm>> -> memref<256x64xf32, #tpu.memory_space<hbm>>
      %dma_wait3A_91 = arith.constant 0 : i32
      %dma_wait3A_92 = tpu.memref_slice %arg9[%add3A_9, %dma_wait3A_91] : memref<8192x64xf32, #tpu.memory_space<hbm>> -> memref<256x64xf32, #tpu.memory_space<hbm>>
      tpu.wait_dma2 semaphore(%run_scoped3A_84 : memref<!tpu.dma_semaphore, #tpu.memory_space<semaphore_mem>>) src(%arg12 : memref<256x64xf32, #tpu.memory_space<vmem>>) dst(%dma_wait3A_92 : memref<256x64xf32, #tpu.memory_space<hbm>>)
      tpu.yield
    }) : () -> ()
    %run_scoped3A = arith.constant 0 : i32
    "tpu.region"() ({
      %run_scoped3A_84 = tpu.sem_alloc : memref<!tpu.dma_semaphore, #tpu.memory_space<semaphore_mem>>
      %dma_start3A_85 = tpu.memref_slice %arg4[%run_scoped3A, %add3A_9] : memref<8x8192xi32, #tpu.memory_space<hbm>> -> memref<1x256xi32, #tpu.memory_space<hbm>>
      %dma_start3A_86 = tpu.memref_squeeze %dma_start3A_85 : memref<1x256xi32, #tpu.memory_space<hbm>> -> memref<256xi32, #tpu.memory_space<hbm>>
      %dma_start3A_87 = tpu.memref_slice %arg4[%run_scoped3A, %add3A_9] : memref<8x8192xi32, #tpu.memory_space<hbm>> -> memref<1x256xi32, #tpu.memory_space<hbm>>
      %dma_start3A_88 = tpu.memref_squeeze %dma_start3A_87 : memref<1x256xi32, #tpu.memory_space<hbm>> -> memref<256xi32, #tpu.memory_space<hbm>>
      tpu.enqueue_dma source(%dma_start3A_88 : memref<256xi32, #tpu.memory_space<hbm>>) target(%arg11 : memref<256xi32, #tpu.memory_space<vmem>>) target_semaphore(%run_scoped3A_84 : memref<!tpu.dma_semaphore, #tpu.memory_space<semaphore_mem>>)
      %dma_wait3A_89 = tpu.memref_slice %arg4[%run_scoped3A, %add3A_9] : memref<8x8192xi32, #tpu.memory_space<hbm>> -> memref<1x256xi32, #tpu.memory_space<hbm>>
      %dma_wait3A_90 = tpu.memref_squeeze %dma_wait3A_89 : memref<1x256xi32, #tpu.memory_space<hbm>> -> memref<256xi32, #tpu.memory_space<hbm>>
      %dma_wait3A_91 = tpu.memref_slice %arg4[%run_scoped3A, %add3A_9] : memref<8x8192xi32, #tpu.memory_space<hbm>> -> memref<1x256xi32, #tpu.memory_space<hbm>>
      %dma_wait3A_92 = tpu.memref_squeeze %dma_wait3A_91 : memref<1x256xi32, #tpu.memory_space<hbm>> -> memref<256xi32, #tpu.memory_space<hbm>>
      tpu.wait_dma2 semaphore(%run_scoped3A_84 : memref<!tpu.dma_semaphore, #tpu.memory_space<semaphore_mem>>) src(%dma_wait3A_92 : memref<256xi32, #tpu.memory_space<hbm>>) dst(%arg11 : memref<256xi32, #tpu.memory_space<vmem>>)
      tpu.yield
    }) : () -> ()
    %dma_start3A_20 = arith.constant 0 : i32
    %dma_start3A_21 = arith.constant 0 : i32
    %dma_start3A_22 = tpu.memref_slice %arg7[%dma_start3A_20, %dma_start3A_21] : memref<100001x32xf32, #tpu.memory_space<hbm>> -> memref<100001x32xf32, #tpu.memory_space<hbm>>
    tpu.enqueue_indirect_dma source(%dma_start3A_22 : memref<100001x32xf32, #tpu.memory_space<hbm>>) target(%arg13 : memref<256x32xf32, #tpu.memory_space<vmem>>) offsets(%arg11 : memref<256xi32, #tpu.memory_space<vmem>>) semaphore(%arg14 : memref<!tpu.dma_semaphore, #tpu.memory_space<semaphore_mem>>)
    %dma_wait3A_23 = arith.constant 0 : i32
    %dma_wait3A_24 = arith.constant 0 : i32
    %dma_wait3A_25 = tpu.memref_slice %arg7[%dma_wait3A_23, %dma_wait3A_24] : memref<100001x32xf32, #tpu.memory_space<hbm>> -> memref<100001x32xf32, #tpu.memory_space<hbm>>
    tpu.wait_indirect_dma semaphore(%arg14 : memref<!tpu.dma_semaphore, #tpu.memory_space<semaphore_mem>>) src(%dma_wait3A_25 : memref<100001x32xf32, #tpu.memory_space<hbm>>) dst(%arg13 : memref<256x32xf32, #tpu.memory_space<vmem>>)
    %run_scoped3A_26 = arith.constant 0 : i32
    "tpu.region"() ({
      %run_scoped3A_84 = tpu.sem_alloc : memref<!tpu.dma_semaphore, #tpu.memory_space<semaphore_mem>>
      %dma_start3A_85 = arith.constant 0 : i32
      %dma_start3A_86 = tpu.memref_slice %arg10[%run_scoped3A_26, %add3A_9, %dma_start3A_85] : memref<8x8192x32xf32, #tpu.memory_space<hbm>> -> memref<1x256x32xf32, #tpu.memory_space<hbm>>
      %dma_start3A_87 = tpu.memref_squeeze %dma_start3A_86 : memref<1x256x32xf32, #tpu.memory_space<hbm>> -> memref<256x32xf32, #tpu.memory_space<hbm>>
      %dma_start3A_88 = arith.constant 0 : i32
      %dma_start3A_89 = tpu.memref_slice %arg10[%run_scoped3A_26, %add3A_9, %dma_start3A_88] : memref<8x8192x32xf32, #tpu.memory_space<hbm>> -> memref<1x256x32xf32, #tpu.memory_space<hbm>>
      %dma_start3A_90 = tpu.memref_squeeze %dma_start3A_89 : memref<1x256x32xf32, #tpu.memory_space<hbm>> -> memref<256x32xf32, #tpu.memory_space<hbm>>
      tpu.enqueue_dma source(%arg13 : memref<256x32xf32, #tpu.memory_space<vmem>>) target(%dma_start3A_90 : memref<256x32xf32, #tpu.memory_space<hbm>>) target_semaphore(%run_scoped3A_84 : memref<!tpu.dma_semaphore, #tpu.memory_space<semaphore_mem>>)
      %dma_wait3A_91 = arith.constant 0 : i32
      %dma_wait3A_92 = tpu.memref_slice %arg10[%run_scoped3A_26, %add3A_9, %dma_wait3A_91] : memref<8x8192x32xf32, #tpu.memory_space<hbm>> -> memref<1x256x32xf32, #tpu.memory_space<hbm>>
      %dma_wait3A_93 = tpu.memref_squeeze %dma_wait3A_92 : memref<1x256x32xf32, #tpu.memory_space<hbm>> -> memref<256x32xf32, #tpu.memory_space<hbm>>
      %dma_wait3A_94 = arith.constant 0 : i32
      %dma_wait3A_95 = tpu.memref_slice %arg10[%run_scoped3A_26, %add3A_9, %dma_wait3A_94] : memref<8x8192x32xf32, #tpu.memory_space<hbm>> -> memref<1x256x32xf32, #tpu.memory_space<hbm>>
      %dma_wait3A_96 = tpu.memref_squeeze %dma_wait3A_95 : memref<1x256x32xf32, #tpu.memory_space<hbm>> -> memref<256x32xf32, #tpu.memory_space<hbm>>
      tpu.wait_dma2 semaphore(%run_scoped3A_84 : memref<!tpu.dma_semaphore, #tpu.memory_space<semaphore_mem>>) src(%arg13 : memref<256x32xf32, #tpu.memory_space<vmem>>) dst(%dma_wait3A_96 : memref<256x32xf32, #tpu.memory_space<hbm>>)
      tpu.yield
    }) : () -> ()
    %run_scoped3A_27 = arith.constant 1 : i32
    "tpu.region"() ({
      %run_scoped3A_84 = tpu.sem_alloc : memref<!tpu.dma_semaphore, #tpu.memory_space<semaphore_mem>>
      %dma_start3A_85 = tpu.memref_slice %arg4[%run_scoped3A_27, %add3A_9] : memref<8x8192xi32, #tpu.memory_space<hbm>> -> memref<1x256xi32, #tpu.memory_space<hbm>>
      %dma_start3A_86 = tpu.memref_squeeze %dma_start3A_85 : memref<1x256xi32, #tpu.memory_space<hbm>> -> memref<256xi32, #tpu.memory_space<hbm>>
      %dma_start3A_87 = tpu.memref_slice %arg4[%run_scoped3A_27, %add3A_9] : memref<8x8192xi32, #tpu.memory_space<hbm>> -> memref<1x256xi32, #tpu.memory_space<hbm>>
      %dma_start3A_88 = tpu.memref_squeeze %dma_start3A_87 : memref<1x256xi32, #tpu.memory_space<hbm>> -> memref<256xi32, #tpu.memory_space<hbm>>
      tpu.enqueue_dma source(%dma_start3A_88 : memref<256xi32, #tpu.memory_space<hbm>>) target(%arg11 : memref<256xi32, #tpu.memory_space<vmem>>) target_semaphore(%run_scoped3A_84 : memref<!tpu.dma_semaphore, #tpu.memory_space<semaphore_mem>>)
      %dma_wait3A_89 = tpu.memref_slice %arg4[%run_scoped3A_27, %add3A_9] : memref<8x8192xi32, #tpu.memory_space<hbm>> -> memref<1x256xi32, #tpu.memory_space<hbm>>
      %dma_wait3A_90 = tpu.memref_squeeze %dma_wait3A_89 : memref<1x256xi32, #tpu.memory_space<hbm>> -> memref<256xi32, #tpu.memory_space<hbm>>
      %dma_wait3A_91 = tpu.memref_slice %arg4[%run_scoped3A_27, %add3A_9] : memref<8x8192xi32, #tpu.memory_space<hbm>> -> memref<1x256xi32, #tpu.memory_space<hbm>>
      %dma_wait3A_92 = tpu.memref_squeeze %dma_wait3A_91 : memref<1x256xi32, #tpu.memory_space<hbm>> -> memref<256xi32, #tpu.memory_space<hbm>>
      tpu.wait_dma2 semaphore(%run_scoped3A_84 : memref<!tpu.dma_semaphore, #tpu.memory_space<semaphore_mem>>) src(%dma_wait3A_92 : memref<256xi32, #tpu.memory_space<hbm>>) dst(%arg11 : memref<256xi32, #tpu.memory_space<vmem>>)
      tpu.yield
    }) : () -> ()
    %dma_start3A_28 = arith.constant 0 : i32
    %dma_start3A_29 = arith.constant 0 : i32
    %dma_start3A_30 = tpu.memref_slice %arg7[%dma_start3A_28, %dma_start3A_29] : memref<100001x32xf32, #tpu.memory_space<hbm>> -> memref<100001x32xf32, #tpu.memory_space<hbm>>
    tpu.enqueue_indirect_dma source(%dma_start3A_30 : memref<100001x32xf32, #tpu.memory_space<hbm>>) target(%arg13 : memref<256x32xf32, #tpu.memory_space<vmem>>) offsets(%arg11 : memref<256xi32, #tpu.memory_space<vmem>>) semaphore(%arg14 : memref<!tpu.dma_semaphore, #tpu.memory_space<semaphore_mem>>)
    %dma_wait3A_31 = arith.constant 0 : i32
    %dma_wait3A_32 = arith.constant 0 : i32
    %dma_wait3A_33 = tpu.memref_slice %arg7[%dma_wait3A_31, %dma_wait3A_32] : memref<100001x32xf32, #tpu.memory_space<hbm>> -> memref<100001x32xf32, #tpu.memory_space<hbm>>
    tpu.wait_indirect_dma semaphore(%arg14 : memref<!tpu.dma_semaphore, #tpu.memory_space<semaphore_mem>>) src(%dma_wait3A_33 : memref<100001x32xf32, #tpu.memory_space<hbm>>) dst(%arg13 : memref<256x32xf32, #tpu.memory_space<vmem>>)
    %run_scoped3A_34 = arith.constant 1 : i32
    "tpu.region"() ({
      %run_scoped3A_84 = tpu.sem_alloc : memref<!tpu.dma_semaphore, #tpu.memory_space<semaphore_mem>>
      %dma_start3A_85 = arith.constant 0 : i32
      %dma_start3A_86 = tpu.memref_slice %arg10[%run_scoped3A_34, %add3A_9, %dma_start3A_85] : memref<8x8192x32xf32, #tpu.memory_space<hbm>> -> memref<1x256x32xf32, #tpu.memory_space<hbm>>
      %dma_start3A_87 = tpu.memref_squeeze %dma_start3A_86 : memref<1x256x32xf32, #tpu.memory_space<hbm>> -> memref<256x32xf32, #tpu.memory_space<hbm>>
      %dma_start3A_88 = arith.constant 0 : i32
      %dma_start3A_89 = tpu.memref_slice %arg10[%run_scoped3A_34, %add3A_9, %dma_start3A_88] : memref<8x8192x32xf32, #tpu.memory_space<hbm>> -> memref<1x256x32xf32, #tpu.memory_space<hbm>>
      %dma_start3A_90 = tpu.memref_squeeze %dma_start3A_89 : memref<1x256x32xf32, #tpu.memory_space<hbm>> -> memref<256x32xf32, #tpu.memory_space<hbm>>
      tpu.enqueue_dma source(%arg13 : memref<256x32xf32, #tpu.memory_space<vmem>>) target(%dma_start3A_90 : memref<256x32xf32, #tpu.memory_space<hbm>>) target_semaphore(%run_scoped3A_84 : memref<!tpu.dma_semaphore, #tpu.memory_space<semaphore_mem>>)
      %dma_wait3A_91 = arith.constant 0 : i32
      %dma_wait3A_92 = tpu.memref_slice %arg10[%run_scoped3A_34, %add3A_9, %dma_wait3A_91] : memref<8x8192x32xf32, #tpu.memory_space<hbm>> -> memref<1x256x32xf32, #tpu.memory_space<hbm>>
      %dma_wait3A_93 = tpu.memref_squeeze %dma_wait3A_92 : memref<1x256x32xf32, #tpu.memory_space<hbm>> -> memref<256x32xf32, #tpu.memory_space<hbm>>
      %dma_wait3A_94 = arith.constant 0 : i32
      %dma_wait3A_95 = tpu.memref_slice %arg10[%run_scoped3A_34, %add3A_9, %dma_wait3A_94] : memref<8x8192x32xf32, #tpu.memory_space<hbm>> -> memref<1x256x32xf32, #tpu.memory_space<hbm>>
      %dma_wait3A_96 = tpu.memref_squeeze %dma_wait3A_95 : memref<1x256x32xf32, #tpu.memory_space<hbm>> -> memref<256x32xf32, #tpu.memory_space<hbm>>
      tpu.wait_dma2 semaphore(%run_scoped3A_84 : memref<!tpu.dma_semaphore, #tpu.memory_space<semaphore_mem>>) src(%arg13 : memref<256x32xf32, #tpu.memory_space<vmem>>) dst(%dma_wait3A_96 : memref<256x32xf32, #tpu.memory_space<hbm>>)
      tpu.yield
    }) : () -> ()
    %run_scoped3A_35 = arith.constant 2 : i32
    "tpu.region"() ({
      %run_scoped3A_84 = tpu.sem_alloc : memref<!tpu.dma_semaphore, #tpu.memory_space<semaphore_mem>>
      %dma_start3A_85 = tpu.memref_slice %arg4[%run_scoped3A_35, %add3A_9] : memref<8x8192xi32, #tpu.memory_space<hbm>> -> memref<1x256xi32, #tpu.memory_space<hbm>>
      %dma_start3A_86 = tpu.memref_squeeze %dma_start3A_85 : memref<1x256xi32, #tpu.memory_space<hbm>> -> memref<256xi32, #tpu.memory_space<hbm>>
      %dma_start3A_87 = tpu.memref_slice %arg4[%run_scoped3A_35, %add3A_9] : memref<8x8192xi32, #tpu.memory_space<hbm>> -> memref<1x256xi32, #tpu.memory_space<hbm>>
      %dma_start3A_88 = tpu.memref_squeeze %dma_start3A_87 : memref<1x256xi32, #tpu.memory_space<hbm>> -> memref<256xi32, #tpu.memory_space<hbm>>
      tpu.enqueue_dma source(%dma_start3A_88 : memref<256xi32, #tpu.memory_space<hbm>>) target(%arg11 : memref<256xi32, #tpu.memory_space<vmem>>) target_semaphore(%run_scoped3A_84 : memref<!tpu.dma_semaphore, #tpu.memory_space<semaphore_mem>>)
      %dma_wait3A_89 = tpu.memref_slice %arg4[%run_scoped3A_35, %add3A_9] : memref<8x8192xi32, #tpu.memory_space<hbm>> -> memref<1x256xi32, #tpu.memory_space<hbm>>
      %dma_wait3A_90 = tpu.memref_squeeze %dma_wait3A_89 : memref<1x256xi32, #tpu.memory_space<hbm>> -> memref<256xi32, #tpu.memory_space<hbm>>
      %dma_wait3A_91 = tpu.memref_slice %arg4[%run_scoped3A_35, %add3A_9] : memref<8x8192xi32, #tpu.memory_space<hbm>> -> memref<1x256xi32, #tpu.memory_space<hbm>>
      %dma_wait3A_92 = tpu.memref_squeeze %dma_wait3A_91 : memref<1x256xi32, #tpu.memory_space<hbm>> -> memref<256xi32, #tpu.memory_space<hbm>>
      tpu.wait_dma2 semaphore(%run_scoped3A_84 : memref<!tpu.dma_semaphore, #tpu.memory_space<semaphore_mem>>) src(%dma_wait3A_92 : memref<256xi32, #tpu.memory_space<hbm>>) dst(%arg11 : memref<256xi32, #tpu.memory_space<vmem>>)
      tpu.yield
    }) : () -> ()
    %dma_start3A_36 = arith.constant 0 : i32
    %dma_start3A_37 = arith.constant 0 : i32
    %dma_start3A_38 = tpu.memref_slice %arg7[%dma_start3A_36, %dma_start3A_37] : memref<100001x32xf32, #tpu.memory_space<hbm>> -> memref<100001x32xf32, #tpu.memory_space<hbm>>
    tpu.enqueue_indirect_dma source(%dma_start3A_38 : memref<100001x32xf32, #tpu.memory_space<hbm>>) target(%arg13 : memref<256x32xf32, #tpu.memory_space<vmem>>) offsets(%arg11 : memref<256xi32, #tpu.memory_space<vmem>>) semaphore(%arg14 : memref<!tpu.dma_semaphore, #tpu.memory_space<semaphore_mem>>)
    %dma_wait3A_39 = arith.constant 0 : i32
    %dma_wait3A_40 = arith.constant 0 : i32
    %dma_wait3A_41 = tpu.memref_slice %arg7[%dma_wait3A_39, %dma_wait3A_40] : memref<100001x32xf32, #tpu.memory_space<hbm>> -> memref<100001x32xf32, #tpu.memory_space<hbm>>
    tpu.wait_indirect_dma semaphore(%arg14 : memref<!tpu.dma_semaphore, #tpu.memory_space<semaphore_mem>>) src(%dma_wait3A_41 : memref<100001x32xf32, #tpu.memory_space<hbm>>) dst(%arg13 : memref<256x32xf32, #tpu.memory_space<vmem>>)
    %run_scoped3A_42 = arith.constant 2 : i32
    "tpu.region"() ({
      %run_scoped3A_84 = tpu.sem_alloc : memref<!tpu.dma_semaphore, #tpu.memory_space<semaphore_mem>>
      %dma_start3A_85 = arith.constant 0 : i32
      %dma_start3A_86 = tpu.memref_slice %arg10[%run_scoped3A_42, %add3A_9, %dma_start3A_85] : memref<8x8192x32xf32, #tpu.memory_space<hbm>> -> memref<1x256x32xf32, #tpu.memory_space<hbm>>
      %dma_start3A_87 = tpu.memref_squeeze %dma_start3A_86 : memref<1x256x32xf32, #tpu.memory_space<hbm>> -> memref<256x32xf32, #tpu.memory_space<hbm>>
      %dma_start3A_88 = arith.constant 0 : i32
      %dma_start3A_89 = tpu.memref_slice %arg10[%run_scoped3A_42, %add3A_9, %dma_start3A_88] : memref<8x8192x32xf32, #tpu.memory_space<hbm>> -> memref<1x256x32xf32, #tpu.memory_space<hbm>>
      %dma_start3A_90 = tpu.memref_squeeze %dma_start3A_89 : memref<1x256x32xf32, #tpu.memory_space<hbm>> -> memref<256x32xf32, #tpu.memory_space<hbm>>
      tpu.enqueue_dma source(%arg13 : memref<256x32xf32, #tpu.memory_space<vmem>>) target(%dma_start3A_90 : memref<256x32xf32, #tpu.memory_space<hbm>>) target_semaphore(%run_scoped3A_84 : memref<!tpu.dma_semaphore, #tpu.memory_space<semaphore_mem>>)
      %dma_wait3A_91 = arith.constant 0 : i32
      %dma_wait3A_92 = tpu.memref_slice %arg10[%run_scoped3A_42, %add3A_9, %dma_wait3A_91] : memref<8x8192x32xf32, #tpu.memory_space<hbm>> -> memref<1x256x32xf32, #tpu.memory_space<hbm>>
      %dma_wait3A_93 = tpu.memref_squeeze %dma_wait3A_92 : memref<1x256x32xf32, #tpu.memory_space<hbm>> -> memref<256x32xf32, #tpu.memory_space<hbm>>
      %dma_wait3A_94 = arith.constant 0 : i32
      %dma_wait3A_95 = tpu.memref_slice %arg10[%run_scoped3A_42, %add3A_9, %dma_wait3A_94] : memref<8x8192x32xf32, #tpu.memory_space<hbm>> -> memref<1x256x32xf32, #tpu.memory_space<hbm>>
      %dma_wait3A_96 = tpu.memref_squeeze %dma_wait3A_95 : memref<1x256x32xf32, #tpu.memory_space<hbm>> -> memref<256x32xf32, #tpu.memory_space<hbm>>
      tpu.wait_dma2 semaphore(%run_scoped3A_84 : memref<!tpu.dma_semaphore, #tpu.memory_space<semaphore_mem>>) src(%arg13 : memref<256x32xf32, #tpu.memory_space<vmem>>) dst(%dma_wait3A_96 : memref<256x32xf32, #tpu.memory_space<hbm>>)
      tpu.yield
    }) : () -> ()
    %run_scoped3A_43 = arith.constant 3 : i32
    "tpu.region"() ({
      %run_scoped3A_84 = tpu.sem_alloc : memref<!tpu.dma_semaphore, #tpu.memory_space<semaphore_mem>>
      %dma_start3A_85 = tpu.memref_slice %arg4[%run_scoped3A_43, %add3A_9] : memref<8x8192xi32, #tpu.memory_space<hbm>> -> memref<1x256xi32, #tpu.memory_space<hbm>>
      %dma_start3A_86 = tpu.memref_squeeze %dma_start3A_85 : memref<1x256xi32, #tpu.memory_space<hbm>> -> memref<256xi32, #tpu.memory_space<hbm>>
      %dma_start3A_87 = tpu.memref_slice %arg4[%run_scoped3A_43, %add3A_9] : memref<8x8192xi32, #tpu.memory_space<hbm>> -> memref<1x256xi32, #tpu.memory_space<hbm>>
      %dma_start3A_88 = tpu.memref_squeeze %dma_start3A_87 : memref<1x256xi32, #tpu.memory_space<hbm>> -> memref<256xi32, #tpu.memory_space<hbm>>
      tpu.enqueue_dma source(%dma_start3A_88 : memref<256xi32, #tpu.memory_space<hbm>>) target(%arg11 : memref<256xi32, #tpu.memory_space<vmem>>) target_semaphore(%run_scoped3A_84 : memref<!tpu.dma_semaphore, #tpu.memory_space<semaphore_mem>>)
      %dma_wait3A_89 = tpu.memref_slice %arg4[%run_scoped3A_43, %add3A_9] : memref<8x8192xi32, #tpu.memory_space<hbm>> -> memref<1x256xi32, #tpu.memory_space<hbm>>
      %dma_wait3A_90 = tpu.memref_squeeze %dma_wait3A_89 : memref<1x256xi32, #tpu.memory_space<hbm>> -> memref<256xi32, #tpu.memory_space<hbm>>
      %dma_wait3A_91 = tpu.memref_slice %arg4[%run_scoped3A_43, %add3A_9] : memref<8x8192xi32, #tpu.memory_space<hbm>> -> memref<1x256xi32, #tpu.memory_space<hbm>>
      %dma_wait3A_92 = tpu.memref_squeeze %dma_wait3A_91 : memref<1x256xi32, #tpu.memory_space<hbm>> -> memref<256xi32, #tpu.memory_space<hbm>>
      tpu.wait_dma2 semaphore(%run_scoped3A_84 : memref<!tpu.dma_semaphore, #tpu.memory_space<semaphore_mem>>) src(%dma_wait3A_92 : memref<256xi32, #tpu.memory_space<hbm>>) dst(%arg11 : memref<256xi32, #tpu.memory_space<vmem>>)
      tpu.yield
    }) : () -> ()
    %dma_start3A_44 = arith.constant 0 : i32
    %dma_start3A_45 = arith.constant 0 : i32
    %dma_start3A_46 = tpu.memref_slice %arg7[%dma_start3A_44, %dma_start3A_45] : memref<100001x32xf32, #tpu.memory_space<hbm>> -> memref<100001x32xf32, #tpu.memory_space<hbm>>
    tpu.enqueue_indirect_dma source(%dma_start3A_46 : memref<100001x32xf32, #tpu.memory_space<hbm>>) target(%arg13 : memref<256x32xf32, #tpu.memory_space<vmem>>) offsets(%arg11 : memref<256xi32, #tpu.memory_space<vmem>>) semaphore(%arg14 : memref<!tpu.dma_semaphore, #tpu.memory_space<semaphore_mem>>)
    %dma_wait3A_47 = arith.constant 0 : i32
    %dma_wait3A_48 = arith.constant 0 : i32
    %dma_wait3A_49 = tpu.memref_slice %arg7[%dma_wait3A_47, %dma_wait3A_48] : memref<100001x32xf32, #tpu.memory_space<hbm>> -> memref<100001x32xf32, #tpu.memory_space<hbm>>
    tpu.wait_indirect_dma semaphore(%arg14 : memref<!tpu.dma_semaphore, #tpu.memory_space<semaphore_mem>>) src(%dma_wait3A_49 : memref<100001x32xf32, #tpu.memory_space<hbm>>) dst(%arg13 : memref<256x32xf32, #tpu.memory_space<vmem>>)
    %run_scoped3A_50 = arith.constant 3 : i32
    "tpu.region"() ({
      %run_scoped3A_84 = tpu.sem_alloc : memref<!tpu.dma_semaphore, #tpu.memory_space<semaphore_mem>>
      %dma_start3A_85 = arith.constant 0 : i32
      %dma_start3A_86 = tpu.memref_slice %arg10[%run_scoped3A_50, %add3A_9, %dma_start3A_85] : memref<8x8192x32xf32, #tpu.memory_space<hbm>> -> memref<1x256x32xf32, #tpu.memory_space<hbm>>
      %dma_start3A_87 = tpu.memref_squeeze %dma_start3A_86 : memref<1x256x32xf32, #tpu.memory_space<hbm>> -> memref<256x32xf32, #tpu.memory_space<hbm>>
      %dma_start3A_88 = arith.constant 0 : i32
      %dma_start3A_89 = tpu.memref_slice %arg10[%run_scoped3A_50, %add3A_9, %dma_start3A_88] : memref<8x8192x32xf32, #tpu.memory_space<hbm>> -> memref<1x256x32xf32, #tpu.memory_space<hbm>>
      %dma_start3A_90 = tpu.memref_squeeze %dma_start3A_89 : memref<1x256x32xf32, #tpu.memory_space<hbm>> -> memref<256x32xf32, #tpu.memory_space<hbm>>
      tpu.enqueue_dma source(%arg13 : memref<256x32xf32, #tpu.memory_space<vmem>>) target(%dma_start3A_90 : memref<256x32xf32, #tpu.memory_space<hbm>>) target_semaphore(%run_scoped3A_84 : memref<!tpu.dma_semaphore, #tpu.memory_space<semaphore_mem>>)
      %dma_wait3A_91 = arith.constant 0 : i32
      %dma_wait3A_92 = tpu.memref_slice %arg10[%run_scoped3A_50, %add3A_9, %dma_wait3A_91] : memref<8x8192x32xf32, #tpu.memory_space<hbm>> -> memref<1x256x32xf32, #tpu.memory_space<hbm>>
      %dma_wait3A_93 = tpu.memref_squeeze %dma_wait3A_92 : memref<1x256x32xf32, #tpu.memory_space<hbm>> -> memref<256x32xf32, #tpu.memory_space<hbm>>
      %dma_wait3A_94 = arith.constant 0 : i32
      %dma_wait3A_95 = tpu.memref_slice %arg10[%run_scoped3A_50, %add3A_9, %dma_wait3A_94] : memref<8x8192x32xf32, #tpu.memory_space<hbm>> -> memref<1x256x32xf32, #tpu.memory_space<hbm>>
      %dma_wait3A_96 = tpu.memref_squeeze %dma_wait3A_95 : memref<1x256x32xf32, #tpu.memory_space<hbm>> -> memref<256x32xf32, #tpu.memory_space<hbm>>
      tpu.wait_dma2 semaphore(%run_scoped3A_84 : memref<!tpu.dma_semaphore, #tpu.memory_space<semaphore_mem>>) src(%arg13 : memref<256x32xf32, #tpu.memory_space<vmem>>) dst(%dma_wait3A_96 : memref<256x32xf32, #tpu.memory_space<hbm>>)
      tpu.yield
    }) : () -> ()
    %run_scoped3A_51 = arith.constant 4 : i32
    "tpu.region"() ({
      %run_scoped3A_84 = tpu.sem_alloc : memref<!tpu.dma_semaphore, #tpu.memory_space<semaphore_mem>>
      %dma_start3A_85 = tpu.memref_slice %arg4[%run_scoped3A_51, %add3A_9] : memref<8x8192xi32, #tpu.memory_space<hbm>> -> memref<1x256xi32, #tpu.memory_space<hbm>>
      %dma_start3A_86 = tpu.memref_squeeze %dma_start3A_85 : memref<1x256xi32, #tpu.memory_space<hbm>> -> memref<256xi32, #tpu.memory_space<hbm>>
      %dma_start3A_87 = tpu.memref_slice %arg4[%run_scoped3A_51, %add3A_9] : memref<8x8192xi32, #tpu.memory_space<hbm>> -> memref<1x256xi32, #tpu.memory_space<hbm>>
      %dma_start3A_88 = tpu.memref_squeeze %dma_start3A_87 : memref<1x256xi32, #tpu.memory_space<hbm>> -> memref<256xi32, #tpu.memory_space<hbm>>
      tpu.enqueue_dma source(%dma_start3A_88 : memref<256xi32, #tpu.memory_space<hbm>>) target(%arg11 : memref<256xi32, #tpu.memory_space<vmem>>) target_semaphore(%run_scoped3A_84 : memref<!tpu.dma_semaphore, #tpu.memory_space<semaphore_mem>>)
      %dma_wait3A_89 = tpu.memref_slice %arg4[%run_scoped3A_51, %add3A_9] : memref<8x8192xi32, #tpu.memory_space<hbm>> -> memref<1x256xi32, #tpu.memory_space<hbm>>
      %dma_wait3A_90 = tpu.memref_squeeze %dma_wait3A_89 : memref<1x256xi32, #tpu.memory_space<hbm>> -> memref<256xi32, #tpu.memory_space<hbm>>
      %dma_wait3A_91 = tpu.memref_slice %arg4[%run_scoped3A_51, %add3A_9] : memref<8x8192xi32, #tpu.memory_space<hbm>> -> memref<1x256xi32, #tpu.memory_space<hbm>>
      %dma_wait3A_92 = tpu.memref_squeeze %dma_wait3A_91 : memref<1x256xi32, #tpu.memory_space<hbm>> -> memref<256xi32, #tpu.memory_space<hbm>>
      tpu.wait_dma2 semaphore(%run_scoped3A_84 : memref<!tpu.dma_semaphore, #tpu.memory_space<semaphore_mem>>) src(%dma_wait3A_92 : memref<256xi32, #tpu.memory_space<hbm>>) dst(%arg11 : memref<256xi32, #tpu.memory_space<vmem>>)
      tpu.yield
    }) : () -> ()
    %dma_start3A_52 = arith.constant 0 : i32
    %dma_start3A_53 = arith.constant 0 : i32
    %dma_start3A_54 = tpu.memref_slice %arg7[%dma_start3A_52, %dma_start3A_53] : memref<100001x32xf32, #tpu.memory_space<hbm>> -> memref<100001x32xf32, #tpu.memory_space<hbm>>
    tpu.enqueue_indirect_dma source(%dma_start3A_54 : memref<100001x32xf32, #tpu.memory_space<hbm>>) target(%arg13 : memref<256x32xf32, #tpu.memory_space<vmem>>) offsets(%arg11 : memref<256xi32, #tpu.memory_space<vmem>>) semaphore(%arg14 : memref<!tpu.dma_semaphore, #tpu.memory_space<semaphore_mem>>)
    %dma_wait3A_55 = arith.constant 0 : i32
    %dma_wait3A_56 = arith.constant 0 : i32
    %dma_wait3A_57 = tpu.memref_slice %arg7[%dma_wait3A_55, %dma_wait3A_56] : memref<100001x32xf32, #tpu.memory_space<hbm>> -> memref<100001x32xf32, #tpu.memory_space<hbm>>
    tpu.wait_indirect_dma semaphore(%arg14 : memref<!tpu.dma_semaphore, #tpu.memory_space<semaphore_mem>>) src(%dma_wait3A_57 : memref<100001x32xf32, #tpu.memory_space<hbm>>) dst(%arg13 : memref<256x32xf32, #tpu.memory_space<vmem>>)
    %run_scoped3A_58 = arith.constant 4 : i32
    "tpu.region"() ({
      %run_scoped3A_84 = tpu.sem_alloc : memref<!tpu.dma_semaphore, #tpu.memory_space<semaphore_mem>>
      %dma_start3A_85 = arith.constant 0 : i32
      %dma_start3A_86 = tpu.memref_slice %arg10[%run_scoped3A_58, %add3A_9, %dma_start3A_85] : memref<8x8192x32xf32, #tpu.memory_space<hbm>> -> memref<1x256x32xf32, #tpu.memory_space<hbm>>
      %dma_start3A_87 = tpu.memref_squeeze %dma_start3A_86 : memref<1x256x32xf32, #tpu.memory_space<hbm>> -> memref<256x32xf32, #tpu.memory_space<hbm>>
      %dma_start3A_88 = arith.constant 0 : i32
      %dma_start3A_89 = tpu.memref_slice %arg10[%run_scoped3A_58, %add3A_9, %dma_start3A_88] : memref<8x8192x32xf32, #tpu.memory_space<hbm>> -> memref<1x256x32xf32, #tpu.memory_space<hbm>>
      %dma_start3A_90 = tpu.memref_squeeze %dma_start3A_89 : memref<1x256x32xf32, #tpu.memory_space<hbm>> -> memref<256x32xf32, #tpu.memory_space<hbm>>
      tpu.enqueue_dma source(%arg13 : memref<256x32xf32, #tpu.memory_space<vmem>>) target(%dma_start3A_90 : memref<256x32xf32, #tpu.memory_space<hbm>>) target_semaphore(%run_scoped3A_84 : memref<!tpu.dma_semaphore, #tpu.memory_space<semaphore_mem>>)
      %dma_wait3A_91 = arith.constant 0 : i32
      %dma_wait3A_92 = tpu.memref_slice %arg10[%run_scoped3A_58, %add3A_9, %dma_wait3A_91] : memref<8x8192x32xf32, #tpu.memory_space<hbm>> -> memref<1x256x32xf32, #tpu.memory_space<hbm>>
      %dma_wait3A_93 = tpu.memref_squeeze %dma_wait3A_92 : memref<1x256x32xf32, #tpu.memory_space<hbm>> -> memref<256x32xf32, #tpu.memory_space<hbm>>
      %dma_wait3A_94 = arith.constant 0 : i32
      %dma_wait3A_95 = tpu.memref_slice %arg10[%run_scoped3A_58, %add3A_9, %dma_wait3A_94] : memref<8x8192x32xf32, #tpu.memory_space<hbm>> -> memref<1x256x32xf32, #tpu.memory_space<hbm>>
      %dma_wait3A_96 = tpu.memref_squeeze %dma_wait3A_95 : memref<1x256x32xf32, #tpu.memory_space<hbm>> -> memref<256x32xf32, #tpu.memory_space<hbm>>
      tpu.wait_dma2 semaphore(%run_scoped3A_84 : memref<!tpu.dma_semaphore, #tpu.memory_space<semaphore_mem>>) src(%arg13 : memref<256x32xf32, #tpu.memory_space<vmem>>) dst(%dma_wait3A_96 : memref<256x32xf32, #tpu.memory_space<hbm>>)
      tpu.yield
    }) : () -> ()
    %run_scoped3A_59 = arith.constant 5 : i32
    "tpu.region"() ({
      %run_scoped3A_84 = tpu.sem_alloc : memref<!tpu.dma_semaphore, #tpu.memory_space<semaphore_mem>>
      %dma_start3A_85 = tpu.memref_slice %arg4[%run_scoped3A_59, %add3A_9] : memref<8x8192xi32, #tpu.memory_space<hbm>> -> memref<1x256xi32, #tpu.memory_space<hbm>>
      %dma_start3A_86 = tpu.memref_squeeze %dma_start3A_85 : memref<1x256xi32, #tpu.memory_space<hbm>> -> memref<256xi32, #tpu.memory_space<hbm>>
      %dma_start3A_87 = tpu.memref_slice %arg4[%run_scoped3A_59, %add3A_9] : memref<8x8192xi32, #tpu.memory_space<hbm>> -> memref<1x256xi32, #tpu.memory_space<hbm>>
      %dma_start3A_88 = tpu.memref_squeeze %dma_start3A_87 : memref<1x256xi32, #tpu.memory_space<hbm>> -> memref<256xi32, #tpu.memory_space<hbm>>
      tpu.enqueue_dma source(%dma_start3A_88 : memref<256xi32, #tpu.memory_space<hbm>>) target(%arg11 : memref<256xi32, #tpu.memory_space<vmem>>) target_semaphore(%run_scoped3A_84 : memref<!tpu.dma_semaphore, #tpu.memory_space<semaphore_mem>>)
      %dma_wait3A_89 = tpu.memref_slice %arg4[%run_scoped3A_59, %add3A_9] : memref<8x8192xi32, #tpu.memory_space<hbm>> -> memref<1x256xi32, #tpu.memory_space<hbm>>
      %dma_wait3A_90 = tpu.memref_squeeze %dma_wait3A_89 : memref<1x256xi32, #tpu.memory_space<hbm>> -> memref<256xi32, #tpu.memory_space<hbm>>
      %dma_wait3A_91 = tpu.memref_slice %arg4[%run_scoped3A_59, %add3A_9] : memref<8x8192xi32, #tpu.memory_space<hbm>> -> memref<1x256xi32, #tpu.memory_space<hbm>>
      %dma_wait3A_92 = tpu.memref_squeeze %dma_wait3A_91 : memref<1x256xi32, #tpu.memory_space<hbm>> -> memref<256xi32, #tpu.memory_space<hbm>>
      tpu.wait_dma2 semaphore(%run_scoped3A_84 : memref<!tpu.dma_semaphore, #tpu.memory_space<semaphore_mem>>) src(%dma_wait3A_92 : memref<256xi32, #tpu.memory_space<hbm>>) dst(%arg11 : memref<256xi32, #tpu.memory_space<vmem>>)
      tpu.yield
    }) : () -> ()
    %dma_start3A_60 = arith.constant 0 : i32
    %dma_start3A_61 = arith.constant 0 : i32
    %dma_start3A_62 = tpu.memref_slice %arg7[%dma_start3A_60, %dma_start3A_61] : memref<100001x32xf32, #tpu.memory_space<hbm>> -> memref<100001x32xf32, #tpu.memory_space<hbm>>
    tpu.enqueue_indirect_dma source(%dma_start3A_62 : memref<100001x32xf32, #tpu.memory_space<hbm>>) target(%arg13 : memref<256x32xf32, #tpu.memory_space<vmem>>) offsets(%arg11 : memref<256xi32, #tpu.memory_space<vmem>>) semaphore(%arg14 : memref<!tpu.dma_semaphore, #tpu.memory_space<semaphore_mem>>)
    %dma_wait3A_63 = arith.constant 0 : i32
    %dma_wait3A_64 = arith.constant 0 : i32
    %dma_wait3A_65 = tpu.memref_slice %arg7[%dma_wait3A_63, %dma_wait3A_64] : memref<100001x32xf32, #tpu.memory_space<hbm>> -> memref<100001x32xf32, #tpu.memory_space<hbm>>
    tpu.wait_indirect_dma semaphore(%arg14 : memref<!tpu.dma_semaphore, #tpu.memory_space<semaphore_mem>>) src(%dma_wait3A_65 : memref<100001x32xf32, #tpu.memory_space<hbm>>) dst(%arg13 : memref<256x32xf32, #tpu.memory_space<vmem>>)
    %run_scoped3A_66 = arith.constant 5 : i32
    "tpu.region"() ({
      %run_scoped3A_84 = tpu.sem_alloc : memref<!tpu.dma_semaphore, #tpu.memory_space<semaphore_mem>>
      %dma_start3A_85 = arith.constant 0 : i32
      %dma_start3A_86 = tpu.memref_slice %arg10[%run_scoped3A_66, %add3A_9, %dma_start3A_85] : memref<8x8192x32xf32, #tpu.memory_space<hbm>> -> memref<1x256x32xf32, #tpu.memory_space<hbm>>
      %dma_start3A_87 = tpu.memref_squeeze %dma_start3A_86 : memref<1x256x32xf32, #tpu.memory_space<hbm>> -> memref<256x32xf32, #tpu.memory_space<hbm>>
      %dma_start3A_88 = arith.constant 0 : i32
      %dma_start3A_89 = tpu.memref_slice %arg10[%run_scoped3A_66, %add3A_9, %dma_start3A_88] : memref<8x8192x32xf32, #tpu.memory_space<hbm>> -> memref<1x256x32xf32, #tpu.memory_space<hbm>>
      %dma_start3A_90 = tpu.memref_squeeze %dma_start3A_89 : memref<1x256x32xf32, #tpu.memory_space<hbm>> -> memref<256x32xf32, #tpu.memory_space<hbm>>
      tpu.enqueue_dma source(%arg13 : memref<256x32xf32, #tpu.memory_space<vmem>>) target(%dma_start3A_90 : memref<256x32xf32, #tpu.memory_space<hbm>>) target_semaphore(%run_scoped3A_84 : memref<!tpu.dma_semaphore, #tpu.memory_space<semaphore_mem>>)
      %dma_wait3A_91 = arith.constant 0 : i32
      %dma_wait3A_92 = tpu.memref_slice %arg10[%run_scoped3A_66, %add3A_9, %dma_wait3A_91] : memref<8x8192x32xf32, #tpu.memory_space<hbm>> -> memref<1x256x32xf32, #tpu.memory_space<hbm>>
      %dma_wait3A_93 = tpu.memref_squeeze %dma_wait3A_92 : memref<1x256x32xf32, #tpu.memory_space<hbm>> -> memref<256x32xf32, #tpu.memory_space<hbm>>
      %dma_wait3A_94 = arith.constant 0 : i32
      %dma_wait3A_95 = tpu.memref_slice %arg10[%run_scoped3A_66, %add3A_9, %dma_wait3A_94] : memref<8x8192x32xf32, #tpu.memory_space<hbm>> -> memref<1x256x32xf32, #tpu.memory_space<hbm>>
      %dma_wait3A_96 = tpu.memref_squeeze %dma_wait3A_95 : memref<1x256x32xf32, #tpu.memory_space<hbm>> -> memref<256x32xf32, #tpu.memory_space<hbm>>
      tpu.wait_dma2 semaphore(%run_scoped3A_84 : memref<!tpu.dma_semaphore, #tpu.memory_space<semaphore_mem>>) src(%arg13 : memref<256x32xf32, #tpu.memory_space<vmem>>) dst(%dma_wait3A_96 : memref<256x32xf32, #tpu.memory_space<hbm>>)
      tpu.yield
    }) : () -> ()
    %run_scoped3A_67 = arith.constant 6 : i32
    "tpu.region"() ({
      %run_scoped3A_84 = tpu.sem_alloc : memref<!tpu.dma_semaphore, #tpu.memory_space<semaphore_mem>>
      %dma_start3A_85 = tpu.memref_slice %arg4[%run_scoped3A_67, %add3A_9] : memref<8x8192xi32, #tpu.memory_space<hbm>> -> memref<1x256xi32, #tpu.memory_space<hbm>>
      %dma_start3A_86 = tpu.memref_squeeze %dma_start3A_85 : memref<1x256xi32, #tpu.memory_space<hbm>> -> memref<256xi32, #tpu.memory_space<hbm>>
      %dma_start3A_87 = tpu.memref_slice %arg4[%run_scoped3A_67, %add3A_9] : memref<8x8192xi32, #tpu.memory_space<hbm>> -> memref<1x256xi32, #tpu.memory_space<hbm>>
      %dma_start3A_88 = tpu.memref_squeeze %dma_start3A_87 : memref<1x256xi32, #tpu.memory_space<hbm>> -> memref<256xi32, #tpu.memory_space<hbm>>
      tpu.enqueue_dma source(%dma_start3A_88 : memref<256xi32, #tpu.memory_space<hbm>>) target(%arg11 : memref<256xi32, #tpu.memory_space<vmem>>) target_semaphore(%run_scoped3A_84 : memref<!tpu.dma_semaphore, #tpu.memory_space<semaphore_mem>>)
      %dma_wait3A_89 = tpu.memref_slice %arg4[%run_scoped3A_67, %add3A_9] : memref<8x8192xi32, #tpu.memory_space<hbm>> -> memref<1x256xi32, #tpu.memory_space<hbm>>
      %dma_wait3A_90 = tpu.memref_squeeze %dma_wait3A_89 : memref<1x256xi32, #tpu.memory_space<hbm>> -> memref<256xi32, #tpu.memory_space<hbm>>
      %dma_wait3A_91 = tpu.memref_slice %arg4[%run_scoped3A_67, %add3A_9] : memref<8x8192xi32, #tpu.memory_space<hbm>> -> memref<1x256xi32, #tpu.memory_space<hbm>>
      %dma_wait3A_92 = tpu.memref_squeeze %dma_wait3A_91 : memref<1x256xi32, #tpu.memory_space<hbm>> -> memref<256xi32, #tpu.memory_space<hbm>>
      tpu.wait_dma2 semaphore(%run_scoped3A_84 : memref<!tpu.dma_semaphore, #tpu.memory_space<semaphore_mem>>) src(%dma_wait3A_92 : memref<256xi32, #tpu.memory_space<hbm>>) dst(%arg11 : memref<256xi32, #tpu.memory_space<vmem>>)
      tpu.yield
    }) : () -> ()
    %dma_start3A_68 = arith.constant 0 : i32
    %dma_start3A_69 = arith.constant 0 : i32
    %dma_start3A_70 = tpu.memref_slice %arg7[%dma_start3A_68, %dma_start3A_69] : memref<100001x32xf32, #tpu.memory_space<hbm>> -> memref<100001x32xf32, #tpu.memory_space<hbm>>
    tpu.enqueue_indirect_dma source(%dma_start3A_70 : memref<100001x32xf32, #tpu.memory_space<hbm>>) target(%arg13 : memref<256x32xf32, #tpu.memory_space<vmem>>) offsets(%arg11 : memref<256xi32, #tpu.memory_space<vmem>>) semaphore(%arg14 : memref<!tpu.dma_semaphore, #tpu.memory_space<semaphore_mem>>)
    %dma_wait3A_71 = arith.constant 0 : i32
    %dma_wait3A_72 = arith.constant 0 : i32
    %dma_wait3A_73 = tpu.memref_slice %arg7[%dma_wait3A_71, %dma_wait3A_72] : memref<100001x32xf32, #tpu.memory_space<hbm>> -> memref<100001x32xf32, #tpu.memory_space<hbm>>
    tpu.wait_indirect_dma semaphore(%arg14 : memref<!tpu.dma_semaphore, #tpu.memory_space<semaphore_mem>>) src(%dma_wait3A_73 : memref<100001x32xf32, #tpu.memory_space<hbm>>) dst(%arg13 : memref<256x32xf32, #tpu.memory_space<vmem>>)
    %run_scoped3A_74 = arith.constant 6 : i32
    "tpu.region"() ({
      %run_scoped3A_84 = tpu.sem_alloc : memref<!tpu.dma_semaphore, #tpu.memory_space<semaphore_mem>>
      %dma_start3A_85 = arith.constant 0 : i32
      %dma_start3A_86 = tpu.memref_slice %arg10[%run_scoped3A_74, %add3A_9, %dma_start3A_85] : memref<8x8192x32xf32, #tpu.memory_space<hbm>> -> memref<1x256x32xf32, #tpu.memory_space<hbm>>
      %dma_start3A_87 = tpu.memref_squeeze %dma_start3A_86 : memref<1x256x32xf32, #tpu.memory_space<hbm>> -> memref<256x32xf32, #tpu.memory_space<hbm>>
      %dma_start3A_88 = arith.constant 0 : i32
      %dma_start3A_89 = tpu.memref_slice %arg10[%run_scoped3A_74, %add3A_9, %dma_start3A_88] : memref<8x8192x32xf32, #tpu.memory_space<hbm>> -> memref<1x256x32xf32, #tpu.memory_space<hbm>>
      %dma_start3A_90 = tpu.memref_squeeze %dma_start3A_89 : memref<1x256x32xf32, #tpu.memory_space<hbm>> -> memref<256x32xf32, #tpu.memory_space<hbm>>
      tpu.enqueue_dma source(%arg13 : memref<256x32xf32, #tpu.memory_space<vmem>>) target(%dma_start3A_90 : memref<256x32xf32, #tpu.memory_space<hbm>>) target_semaphore(%run_scoped3A_84 : memref<!tpu.dma_semaphore, #tpu.memory_space<semaphore_mem>>)
      %dma_wait3A_91 = arith.constant 0 : i32
      %dma_wait3A_92 = tpu.memref_slice %arg10[%run_scoped3A_74, %add3A_9, %dma_wait3A_91] : memref<8x8192x32xf32, #tpu.memory_space<hbm>> -> memref<1x256x32xf32, #tpu.memory_space<hbm>>
      %dma_wait3A_93 = tpu.memref_squeeze %dma_wait3A_92 : memref<1x256x32xf32, #tpu.memory_space<hbm>> -> memref<256x32xf32, #tpu.memory_space<hbm>>
      %dma_wait3A_94 = arith.constant 0 : i32
      %dma_wait3A_95 = tpu.memref_slice %arg10[%run_scoped3A_74, %add3A_9, %dma_wait3A_94] : memref<8x8192x32xf32, #tpu.memory_space<hbm>> -> memref<1x256x32xf32, #tpu.memory_space<hbm>>
      %dma_wait3A_96 = tpu.memref_squeeze %dma_wait3A_95 : memref<1x256x32xf32, #tpu.memory_space<hbm>> -> memref<256x32xf32, #tpu.memory_space<hbm>>
      tpu.wait_dma2 semaphore(%run_scoped3A_84 : memref<!tpu.dma_semaphore, #tpu.memory_space<semaphore_mem>>) src(%arg13 : memref<256x32xf32, #tpu.memory_space<vmem>>) dst(%dma_wait3A_96 : memref<256x32xf32, #tpu.memory_space<hbm>>)
      tpu.yield
    }) : () -> ()
    %run_scoped3A_75 = arith.constant 7 : i32
    "tpu.region"() ({
      %run_scoped3A_84 = tpu.sem_alloc : memref<!tpu.dma_semaphore, #tpu.memory_space<semaphore_mem>>
      %dma_start3A_85 = tpu.memref_slice %arg4[%run_scoped3A_75, %add3A_9] : memref<8x8192xi32, #tpu.memory_space<hbm>> -> memref<1x256xi32, #tpu.memory_space<hbm>>
      %dma_start3A_86 = tpu.memref_squeeze %dma_start3A_85 : memref<1x256xi32, #tpu.memory_space<hbm>> -> memref<256xi32, #tpu.memory_space<hbm>>
      %dma_start3A_87 = tpu.memref_slice %arg4[%run_scoped3A_75, %add3A_9] : memref<8x8192xi32, #tpu.memory_space<hbm>> -> memref<1x256xi32, #tpu.memory_space<hbm>>
      %dma_start3A_88 = tpu.memref_squeeze %dma_start3A_87 : memref<1x256xi32, #tpu.memory_space<hbm>> -> memref<256xi32, #tpu.memory_space<hbm>>
      tpu.enqueue_dma source(%dma_start3A_88 : memref<256xi32, #tpu.memory_space<hbm>>) target(%arg11 : memref<256xi32, #tpu.memory_space<vmem>>) target_semaphore(%run_scoped3A_84 : memref<!tpu.dma_semaphore, #tpu.memory_space<semaphore_mem>>)
      %dma_wait3A_89 = tpu.memref_slice %arg4[%run_scoped3A_75, %add3A_9] : memref<8x8192xi32, #tpu.memory_space<hbm>> -> memref<1x256xi32, #tpu.memory_space<hbm>>
      %dma_wait3A_90 = tpu.memref_squeeze %dma_wait3A_89 : memref<1x256xi32, #tpu.memory_space<hbm>> -> memref<256xi32, #tpu.memory_space<hbm>>
      %dma_wait3A_91 = tpu.memref_slice %arg4[%run_scoped3A_75, %add3A_9] : memref<8x8192xi32, #tpu.memory_space<hbm>> -> memref<1x256xi32, #tpu.memory_space<hbm>>
      %dma_wait3A_92 = tpu.memref_squeeze %dma_wait3A_91 : memref<1x256xi32, #tpu.memory_space<hbm>> -> memref<256xi32, #tpu.memory_space<hbm>>
      tpu.wait_dma2 semaphore(%run_scoped3A_84 : memref<!tpu.dma_semaphore, #tpu.memory_space<semaphore_mem>>) src(%dma_wait3A_92 : memref<256xi32, #tpu.memory_space<hbm>>) dst(%arg11 : memref<256xi32, #tpu.memory_space<vmem>>)
      tpu.yield
    }) : () -> ()
    %dma_start3A_76 = arith.constant 0 : i32
    %dma_start3A_77 = arith.constant 0 : i32
    %dma_start3A_78 = tpu.memref_slice %arg7[%dma_start3A_76, %dma_start3A_77] : memref<100001x32xf32, #tpu.memory_space<hbm>> -> memref<100001x32xf32, #tpu.memory_space<hbm>>
    tpu.enqueue_indirect_dma source(%dma_start3A_78 : memref<100001x32xf32, #tpu.memory_space<hbm>>) target(%arg13 : memref<256x32xf32, #tpu.memory_space<vmem>>) offsets(%arg11 : memref<256xi32, #tpu.memory_space<vmem>>) semaphore(%arg14 : memref<!tpu.dma_semaphore, #tpu.memory_space<semaphore_mem>>)
    %dma_wait3A_79 = arith.constant 0 : i32
    %dma_wait3A_80 = arith.constant 0 : i32
    %dma_wait3A_81 = tpu.memref_slice %arg7[%dma_wait3A_79, %dma_wait3A_80] : memref<100001x32xf32, #tpu.memory_space<hbm>> -> memref<100001x32xf32, #tpu.memory_space<hbm>>
    tpu.wait_indirect_dma semaphore(%arg14 : memref<!tpu.dma_semaphore, #tpu.memory_space<semaphore_mem>>) src(%dma_wait3A_81 : memref<100001x32xf32, #tpu.memory_space<hbm>>) dst(%arg13 : memref<256x32xf32, #tpu.memory_space<vmem>>)
    %run_scoped3A_82 = arith.constant 7 : i32
    "tpu.region"() ({
      %run_scoped3A_84 = tpu.sem_alloc : memref<!tpu.dma_semaphore, #tpu.memory_space<semaphore_mem>>
      %dma_start3A_85 = arith.constant 0 : i32
      %dma_start3A_86 = tpu.memref_slice %arg10[%run_scoped3A_82, %add3A_9, %dma_start3A_85] : memref<8x8192x32xf32, #tpu.memory_space<hbm>> -> memref<1x256x32xf32, #tpu.memory_space<hbm>>
      %dma_start3A_87 = tpu.memref_squeeze %dma_start3A_86 : memref<1x256x32xf32, #tpu.memory_space<hbm>> -> memref<256x32xf32, #tpu.memory_space<hbm>>
      %dma_start3A_88 = arith.constant 0 : i32
      %dma_start3A_89 = tpu.memref_slice %arg10[%run_scoped3A_82, %add3A_9, %dma_start3A_88] : memref<8x8192x32xf32, #tpu.memory_space<hbm>> -> memref<1x256x32xf32, #tpu.memory_space<hbm>>
      %dma_start3A_90 = tpu.memref_squeeze %dma_start3A_89 : memref<1x256x32xf32, #tpu.memory_space<hbm>> -> memref<256x32xf32, #tpu.memory_space<hbm>>
      tpu.enqueue_dma source(%arg13 : memref<256x32xf32, #tpu.memory_space<vmem>>) target(%dma_start3A_90 : memref<256x32xf32, #tpu.memory_space<hbm>>) target_semaphore(%run_scoped3A_84 : memref<!tpu.dma_semaphore, #tpu.memory_space<semaphore_mem>>)
      %dma_wait3A_91 = arith.constant 0 : i32
      %dma_wait3A_92 = tpu.memref_slice %arg10[%run_scoped3A_82, %add3A_9, %dma_wait3A_91] : memref<8x8192x32xf32, #tpu.memory_space<hbm>> -> memref<1x256x32xf32, #tpu.memory_space<hbm>>
      %dma_wait3A_93 = tpu.memref_squeeze %dma_wait3A_92 : memref<1x256x32xf32, #tpu.memory_space<hbm>> -> memref<256x32xf32, #tpu.memory_space<hbm>>
      %dma_wait3A_94 = arith.constant 0 : i32
      %dma_wait3A_95 = tpu.memref_slice %arg10[%run_scoped3A_82, %add3A_9, %dma_wait3A_94] : memref<8x8192x32xf32, #tpu.memory_space<hbm>> -> memref<1x256x32xf32, #tpu.memory_space<hbm>>
      %dma_wait3A_96 = tpu.memref_squeeze %dma_wait3A_95 : memref<1x256x32xf32, #tpu.memory_space<hbm>> -> memref<256x32xf32, #tpu.memory_space<hbm>>
      tpu.wait_dma2 semaphore(%run_scoped3A_84 : memref<!tpu.dma_semaphore, #tpu.memory_space<semaphore_mem>>) src(%arg13 : memref<256x32xf32, #tpu.memory_space<vmem>>) dst(%dma_wait3A_96 : memref<256x32xf32, #tpu.memory_space<hbm>>)
      tpu.yield
    }) : () -> ()
    %scan3A_83 = arith.constant 1 : i32
    return
  }
}

#map = affine_map<(d0, d1) -> (0)>
#map1 = affine_map<(d0, d1) -> (0, 0)>
#map2 = affine_map<(d0, d1) -> (0, 0, 0)>
module attributes {stable_mosaic.version = 14 : i64} {
  func.func @k(%arg0: i32, %arg1: i32, %arg2: memref<8192xi32, #tpu.memory_space<hbm>>, %arg3: memref<8192xi32, #tpu.memory_space<hbm>>, %arg4: memref<8x8192xi32, #tpu.memory_space<hbm>>, %arg5: memref<100001x64xf32, #tpu.memory_space<hbm>>, %arg6: memref<100001x64xf32, #tpu.memory_space<hbm>>, %arg7: memref<100001x32xf32, #tpu.memory_space<hbm>>, %arg8: memref<8192x64xf32, #tpu.memory_space<hbm>>, %arg9: memref<8192x64xf32, #tpu.memory_space<hbm>>, %arg10: memref<8x8192x32xf32, #tpu.memory_space<hbm>>, %arg11: memref<256xi32, #tpu.memory_space<vmem>>, %arg12: memref<256x64xf32, #tpu.memory_space<vmem>>, %arg13: memref<256x32xf32, #tpu.memory_space<vmem>>, %arg14: memref<!tpu.dma_semaphore, #tpu.memory_space<semaphore_mem>>) attributes {dimension_semantics = [#tpu.dimension_semantics<core_parallel>, #tpu.dimension_semantics<subcore_parallel>], iteration_bounds = array<i64: 2, 16>, scalar_prefetch = 0 : i64, scratch_operands = 4 : i64, tpu.core_type = #tpu.core_type<sc_vector_subcore>, window_params = [{transform_indices = #map}, {transform_indices = #map}, {transform_indices = #map1}, {transform_indices = #map1}, {transform_indices = #map1}, {transform_indices = #map1}, {transform_indices = #map1}, {transform_indices = #map1}, {transform_indices = #map2}]} {
    %mul3A = arith.constant 2 : i32
    %mul3A_0 = arith.muli %arg1, %mul3A : i32
    %add3A = arith.addi %mul3A_0, %arg0 : i32
    %scan3A = arith.constant 0 : i32
    %mul3A_1 = arith.constant 1 : i32
    %mul3A_2 = arith.muli %scan3A, %mul3A_1 : i32
    %add3A_3 = arith.constant 0 : i32
    %add3A_4 = arith.addi %add3A_3, %mul3A_2 : i32
    %mul3A_5 = arith.constant 256 : i32
    %mul3A_6 = arith.muli %add3A, %mul3A_5 : i32
    %mul3A_7 = arith.constant 256 : i32
    %mul3A_8 = arith.muli %add3A_4, %mul3A_7 : i32
    %add3A_9 = arith.addi %mul3A_6, %mul3A_8 : i32
    "tpu.region"() ({
      %run_scoped3A_84 = tpu.sem_alloc : memref<!tpu.dma_semaphore, #tpu.memory_space<semaphore_mem>>
      %dma_start3A_85 = tpu.memref_slice %arg2[%add3A_9] : memref<8192xi32, #tpu.memory_space<hbm>> -> memref<256xi32, #tpu.memory_space<hbm>>
      %dma_start3A_86 = tpu.memref_slice %arg2[%add3A_9] : memref<8192xi32, #tpu.memory_space<hbm>> -> memref<256xi32, #tpu.memory_space<hbm>>
      tpu.enqueue_dma source(%dma_start3A_86 : memref<256xi32, #tpu.memory_space<hbm>>) target(%arg11 : memref<256xi32, #tpu.memory_space<vmem>>) target_semaphore(%run_scoped3A_84 : memref<!tpu.dma_semaphore, #tpu.memory_space<semaphore_mem>>)
      %dma_wait3A_87 = tpu.memref_slice %arg2[%add3A_9] : memref<8192xi32, #tpu.memory_space<hbm>> -> memref<256xi32, #tpu.memory_space<hbm>>
      %dma_wait3A_88 = tpu.memref_slice %arg2[%add3A_9] : memref<8192xi32, #tpu.memory_space<hbm>> -> memref<256xi32, #tpu.memory_space<hbm>>
      tpu.wait_dma2 semaphore(%run_scoped3A_84 : memref<!tpu.dma_semaphore, #tpu.memory_space<semaphore_mem>>) src(%dma_wait3A_88 : memref<256xi32, #tpu.memory_space<hbm>>) dst(%arg11 : memref<256xi32, #tpu.memory_space<vmem>>)
      tpu.yield
    }) : () -> ()
    %dma_start3A = arith.constant 0 : i32
    %dma_start3A_10 = arith.constant 0 : i32
    %dma_start3A_11 = tpu.memref_slice %arg5[%dma_start3A, %dma_start3A_10] : memref<100001x64xf32, #tpu.memory_space<hbm>> -> memref<100001x64xf32, #tpu.memory_space<hbm>>
    tpu.enqueue_indirect_dma source(%dma_start3A_11 : memref<100001x64xf32, #tpu.memory_space<hbm>>) target(%arg12 : memref<256x64xf32, #tpu.memory_space<vmem>>) offsets(%arg11 : memref<256xi32, #tpu.memory_space<vmem>>) semaphore(%arg14 : memref<!tpu.dma_semaphore, #tpu.memory_space<semaphore_mem>>)
    %dma_wait3A = arith.constant 0 : i32
    %dma_wait3A_12 = arith.constant 0 : i32
    %dma_wait3A_13 = tpu.memref_slice %arg5[%dma_wait3A, %dma_wait3A_12] : memref<100001x64xf32, #tpu.memory_space<hbm>> -> memref<100001x64xf32, #tpu.memory_space<hbm>>
    tpu.wait_indirect_dma semaphore(%arg14 : memref<!tpu.dma_semaphore, #tpu.memory_space<semaphore_mem>>) src(%dma_wait3A_13 : memref<100001x64xf32, #tpu.memory_space<hbm>>) dst(%arg12 : memref<256x64xf32, #tpu.memory_space<vmem>>)
    "tpu.region"() ({
      %run_scoped3A_84 = tpu.sem_alloc : memref<!tpu.dma_semaphore, #tpu.memory_space<semaphore_mem>>
      %dma_start3A_85 = arith.constant 0 : i32
      %dma_start3A_86 = tpu.memref_slice %arg8[%add3A_9, %dma_start3A_85] : memref<8192x64xf32, #tpu.memory_space<hbm>> -> memref<256x64xf32, #tpu.memory_space<hbm>>
      %dma_start3A_87 = arith.constant 0 : i32
      %dma_start3A_88 = tpu.memref_slice %arg8[%add3A_9, %dma_start3A_87] : memref<8192x64xf32, #tpu.memory_space<hbm>> -> memref<256x64xf32, #tpu.memory_space<hbm>>
      tpu.enqueue_dma source(%arg12 : memref<256x64xf32, #tpu.memory_space<vmem>>) target(%dma_start3A_88 : memref<256x64xf32, #tpu.memory_space<hbm>>) target_semaphore(%run_scoped3A_84 : memref<!tpu.dma_semaphore, #tpu.memory_space<semaphore_mem>>)
      %dma_wait3A_89 = arith.constant 0 : i32
      %dma_wait3A_90 = tpu.memref_slice %arg8[%add3A_9, %dma_wait3A_89] : memref<8192x64xf32, #tpu.memory_space<hbm>> -> memref<256x64xf32, #tpu.memory_space<hbm>>
      %dma_wait3A_91 = arith.constant 0 : i32
      %dma_wait3A_92 = tpu.memref_slice %arg8[%add3A_9, %dma_wait3A_91] : memref<8192x64xf32, #tpu.memory_space<hbm>> -> memref<256x64xf32, #tpu.memory_space<hbm>>
      tpu.wait_dma2 semaphore(%run_scoped3A_84 : memref<!tpu.dma_semaphore, #tpu.memory_space<semaphore_mem>>) src(%arg12 : memref<256x64xf32, #tpu.memory_space<vmem>>) dst(%dma_wait3A_92 : memref<256x64xf32, #tpu.memory_space<hbm>>)
      tpu.yield
    }) : () -> ()
    "tpu.region"() ({
      %run_scoped3A_84 = tpu.sem_alloc : memref<!tpu.dma_semaphore, #tpu.memory_space<semaphore_mem>>
      %dma_start3A_85 = tpu.memref_slice %arg3[%add3A_9] : memref<8192xi32, #tpu.memory_space<hbm>> -> memref<256xi32, #tpu.memory_space<hbm>>
      %dma_start3A_86 = tpu.memref_slice %arg3[%add3A_9] : memref<8192xi32, #tpu.memory_space<hbm>> -> memref<256xi32, #tpu.memory_space<hbm>>
      tpu.enqueue_dma source(%dma_start3A_86 : memref<256xi32, #tpu.memory_space<hbm>>) target(%arg11 : memref<256xi32, #tpu.memory_space<vmem>>) target_semaphore(%run_scoped3A_84 : memref<!tpu.dma_semaphore, #tpu.memory_space<semaphore_mem>>)
      %dma_wait3A_87 = tpu.memref_slice %arg3[%add3A_9] : memref<8192xi32, #tpu.memory_space<hbm>> -> memref<256xi32, #tpu.memory_space<hbm>>
      %dma_wait3A_88 = tpu.memref_slice %arg3[%add3A_9] : memref<8192xi32, #tpu.memory_space<hbm>> -> memref<256xi32, #tpu.memory_space<hbm>>
      tpu.wait_dma2 semaphore(%run_scoped3A_84 : memref<!tpu.dma_semaphore, #tpu.memory_space<semaphore_mem>>) src(%dma_wait3A_88 : memref<256xi32, #tpu.memory_space<hbm>>) dst(%arg11 : memref<256xi32, #tpu.memory_space<vmem>>)
      tpu.yield
    }) : () -> ()
    %dma_start3A_14 = arith.constant 0 : i32
    %dma_start3A_15 = arith.constant 0 : i32
    %dma_start3A_16 = tpu.memref_slice %arg6[%dma_start3A_14, %dma_start3A_15] : memref<100001x64xf32, #tpu.memory_space<hbm>> -> memref<100001x64xf32, #tpu.memory_space<hbm>>
    tpu.enqueue_indirect_dma source(%dma_start3A_16 : memref<100001x64xf32, #tpu.memory_space<hbm>>) target(%arg12 : memref<256x64xf32, #tpu.memory_space<vmem>>) offsets(%arg11 : memref<256xi32, #tpu.memory_space<vmem>>) semaphore(%arg14 : memref<!tpu.dma_semaphore, #tpu.memory_space<semaphore_mem>>)
    %dma_wait3A_17 = arith.constant 0 : i32
    %dma_wait3A_18 = arith.constant 0 : i32
    %dma_wait3A_19 = tpu.memref_slice %arg6[%dma_wait3A_17, %dma_wait3A_18] : memref<100001x64xf32, #tpu.memory_space<hbm>> -> memref<100001x64xf32, #tpu.memory_space<hbm>>
    tpu.wait_indirect_dma semaphore(%arg14 : memref<!tpu.dma_semaphore, #tpu.memory_space<semaphore_mem>>) src(%dma_wait3A_19 : memref<100001x64xf32, #tpu.memory_space<hbm>>) dst(%arg12 : memref<256x64xf32, #tpu.memory_space<vmem>>)
    "tpu.region"() ({
      %run_scoped3A_84 = tpu.sem_alloc : memref<!tpu.dma_semaphore, #tpu.memory_space<semaphore_mem>>
      %dma_start3A_85 = arith.constant 0 : i32
      %dma_start3A_86 = tpu.memref_slice %arg9[%add3A_9, %dma_start3A_85] : memref<8192x64xf32, #tpu.memory_space<hbm>> -> memref<256x64xf32, #tpu.memory_space<hbm>>
      %dma_start3A_87 = arith.constant 0 : i32
      %dma_start3A_88 = tpu.memref_slice %arg9[%add3A_9, %dma_start3A_87] : memref<8192x64xf32, #tpu.memory_space<hbm>> -> memref<256x64xf32, #tpu.memory_space<hbm>>
      tpu.enqueue_dma source(%arg12 : memref<256x64xf32, #tpu.memory_space<vmem>>) target(%dma_start3A_88 : memref<256x64xf32, #tpu.memory_space<hbm>>) target_semaphore(%run_scoped3A_84 : memref<!tpu.dma_semaphore, #tpu.memory_space<semaphore_mem>>)
      %dma_wait3A_89 = arith.constant 0 : i32
      %dma_wait3A_90 = tpu.memref_slice %arg9[%add3A_9, %dma_wait3A_89] : memref<8192x64xf32, #tpu.memory_space<hbm>> -> memref<256x64xf32, #tpu.memory_space<hbm>>
      %dma_wait3A_91 = arith.constant 0 : i32
      %dma_wait3A_92 = tpu.memref_slice %arg9[%add3A_9, %dma_wait3A_91] : memref<8192x64xf32, #tpu.memory_space<hbm>> -> memref<256x64xf32, #tpu.memory_space<hbm>>
      tpu.wait_dma2 semaphore(%run_scoped3A_84 : memref<!tpu.dma_semaphore, #tpu.memory_space<semaphore_mem>>) src(%arg12 : memref<256x64xf32, #tpu.memory_space<vmem>>) dst(%dma_wait3A_92 : memref<256x64xf32, #tpu.memory_space<hbm>>)
      tpu.yield
    }) : () -> ()
    %run_scoped3A = arith.constant 0 : i32
    "tpu.region"() ({
      %run_scoped3A_84 = tpu.sem_alloc : memref<!tpu.dma_semaphore, #tpu.memory_space<semaphore_mem>>
      %dma_start3A_85 = tpu.memref_slice %arg4[%run_scoped3A, %add3A_9] : memref<8x8192xi32, #tpu.memory_space<hbm>> -> memref<1x256xi32, #tpu.memory_space<hbm>>
      %dma_start3A_86 = tpu.memref_squeeze %dma_start3A_85 : memref<1x256xi32, #tpu.memory_space<hbm>> -> memref<256xi32, #tpu.memory_space<hbm>>
      %dma_start3A_87 = tpu.memref_slice %arg4[%run_scoped3A, %add3A_9] : memref<8x8192xi32, #tpu.memory_space<hbm>> -> memref<1x256xi32, #tpu.memory_space<hbm>>
      %dma_start3A_88 = tpu.memref_squeeze %dma_start3A_87 : memref<1x256xi32, #tpu.memory_space<hbm>> -> memref<256xi32, #tpu.memory_space<hbm>>
      tpu.enqueue_dma source(%dma_start3A_88 : memref<256xi32, #tpu.memory_space<hbm>>) target(%arg11 : memref<256xi32, #tpu.memory_space<vmem>>) target_semaphore(%run_scoped3A_84 : memref<!tpu.dma_semaphore, #tpu.memory_space<semaphore_mem>>)
      %dma_wait3A_89 = tpu.memref_slice %arg4[%run_scoped3A, %add3A_9] : memref<8x8192xi32, #tpu.memory_space<hbm>> -> memref<1x256xi32, #tpu.memory_space<hbm>>
      %dma_wait3A_90 = tpu.memref_squeeze %dma_wait3A_89 : memref<1x256xi32, #tpu.memory_space<hbm>> -> memref<256xi32, #tpu.memory_space<hbm>>
      %dma_wait3A_91 = tpu.memref_slice %arg4[%run_scoped3A, %add3A_9] : memref<8x8192xi32, #tpu.memory_space<hbm>> -> memref<1x256xi32, #tpu.memory_space<hbm>>
      %dma_wait3A_92 = tpu.memref_squeeze %dma_wait3A_91 : memref<1x256xi32, #tpu.memory_space<hbm>> -> memref<256xi32, #tpu.memory_space<hbm>>
      tpu.wait_dma2 semaphore(%run_scoped3A_84 : memref<!tpu.dma_semaphore, #tpu.memory_space<semaphore_mem>>) src(%dma_wait3A_92 : memref<256xi32, #tpu.memory_space<hbm>>) dst(%arg11 : memref<256xi32, #tpu.memory_space<vmem>>)
      tpu.yield
    }) : () -> ()
    %dma_start3A_20 = arith.constant 0 : i32
    %dma_start3A_21 = arith.constant 0 : i32
    %dma_start3A_22 = tpu.memref_slice %arg7[%dma_start3A_20, %dma_start3A_21] : memref<100001x32xf32, #tpu.memory_space<hbm>> -> memref<100001x32xf32, #tpu.memory_space<hbm>>
    tpu.enqueue_indirect_dma source(%dma_start3A_22 : memref<100001x32xf32, #tpu.memory_space<hbm>>) target(%arg13 : memref<256x32xf32, #tpu.memory_space<vmem>>) offsets(%arg11 : memref<256xi32, #tpu.memory_space<vmem>>) semaphore(%arg14 : memref<!tpu.dma_semaphore, #tpu.memory_space<semaphore_mem>>)
    %dma_wait3A_23 = arith.constant 0 : i32
    %dma_wait3A_24 = arith.constant 0 : i32
    %dma_wait3A_25 = tpu.memref_slice %arg7[%dma_wait3A_23, %dma_wait3A_24] : memref<100001x32xf32, #tpu.memory_space<hbm>> -> memref<100001x32xf32, #tpu.memory_space<hbm>>
    tpu.wait_indirect_dma semaphore(%arg14 : memref<!tpu.dma_semaphore, #tpu.memory_space<semaphore_mem>>) src(%dma_wait3A_25 : memref<100001x32xf32, #tpu.memory_space<hbm>>) dst(%arg13 : memref<256x32xf32, #tpu.memory_space<vmem>>)
    %run_scoped3A_26 = arith.constant 0 : i32
    "tpu.region"() ({
      %run_scoped3A_84 = tpu.sem_alloc : memref<!tpu.dma_semaphore, #tpu.memory_space<semaphore_mem>>
      %dma_start3A_85 = arith.constant 0 : i32
      %dma_start3A_86 = tpu.memref_slice %arg10[%run_scoped3A_26, %add3A_9, %dma_start3A_85] : memref<8x8192x32xf32, #tpu.memory_space<hbm>> -> memref<1x256x32xf32, #tpu.memory_space<hbm>>
      %dma_start3A_87 = tpu.memref_squeeze %dma_start3A_86 : memref<1x256x32xf32, #tpu.memory_space<hbm>> -> memref<256x32xf32, #tpu.memory_space<hbm>>
      %dma_start3A_88 = arith.constant 0 : i32
      %dma_start3A_89 = tpu.memref_slice %arg10[%run_scoped3A_26, %add3A_9, %dma_start3A_88] : memref<8x8192x32xf32, #tpu.memory_space<hbm>> -> memref<1x256x32xf32, #tpu.memory_space<hbm>>
      %dma_start3A_90 = tpu.memref_squeeze %dma_start3A_89 : memref<1x256x32xf32, #tpu.memory_space<hbm>> -> memref<256x32xf32, #tpu.memory_space<hbm>>
      tpu.enqueue_dma source(%arg13 : memref<256x32xf32, #tpu.memory_space<vmem>>) target(%dma_start3A_90 : memref<256x32xf32, #tpu.memory_space<hbm>>) target_semaphore(%run_scoped3A_84 : memref<!tpu.dma_semaphore, #tpu.memory_space<semaphore_mem>>)
      %dma_wait3A_91 = arith.constant 0 : i32
      %dma_wait3A_92 = tpu.memref_slice %arg10[%run_scoped3A_26, %add3A_9, %dma_wait3A_91] : memref<8x8192x32xf32, #tpu.memory_space<hbm>> -> memref<1x256x32xf32, #tpu.memory_space<hbm>>
      %dma_wait3A_93 = tpu.memref_squeeze %dma_wait3A_92 : memref<1x256x32xf32, #tpu.memory_space<hbm>> -> memref<256x32xf32, #tpu.memory_space<hbm>>
      %dma_wait3A_94 = arith.constant 0 : i32
      %dma_wait3A_95 = tpu.memref_slice %arg10[%run_scoped3A_26, %add3A_9, %dma_wait3A_94] : memref<8x8192x32xf32, #tpu.memory_space<hbm>> -> memref<1x256x32xf32, #tpu.memory_space<hbm>>
      %dma_wait3A_96 = tpu.memref_squeeze %dma_wait3A_95 : memref<1x256x32xf32, #tpu.memory_space<hbm>> -> memref<256x32xf32, #tpu.memory_space<hbm>>
      tpu.wait_dma2 semaphore(%run_scoped3A_84 : memref<!tpu.dma_semaphore, #tpu.memory_space<semaphore_mem>>) src(%arg13 : memref<256x32xf32, #tpu.memory_space<vmem>>) dst(%dma_wait3A_96 : memref<256x32xf32, #tpu.memory_space<hbm>>)
      tpu.yield
    }) : () -> ()
    %run_scoped3A_27 = arith.constant 1 : i32
    "tpu.region"() ({
      %run_scoped3A_84 = tpu.sem_alloc : memref<!tpu.dma_semaphore, #tpu.memory_space<semaphore_mem>>
      %dma_start3A_85 = tpu.memref_slice %arg4[%run_scoped3A_27, %add3A_9] : memref<8x8192xi32, #tpu.memory_space<hbm>> -> memref<1x256xi32, #tpu.memory_space<hbm>>
      %dma_start3A_86 = tpu.memref_squeeze %dma_start3A_85 : memref<1x256xi32, #tpu.memory_space<hbm>> -> memref<256xi32, #tpu.memory_space<hbm>>
      %dma_start3A_87 = tpu.memref_slice %arg4[%run_scoped3A_27, %add3A_9] : memref<8x8192xi32, #tpu.memory_space<hbm>> -> memref<1x256xi32, #tpu.memory_space<hbm>>
      %dma_start3A_88 = tpu.memref_squeeze %dma_start3A_87 : memref<1x256xi32, #tpu.memory_space<hbm>> -> memref<256xi32, #tpu.memory_space<hbm>>
      tpu.enqueue_dma source(%dma_start3A_88 : memref<256xi32, #tpu.memory_space<hbm>>) target(%arg11 : memref<256xi32, #tpu.memory_space<vmem>>) target_semaphore(%run_scoped3A_84 : memref<!tpu.dma_semaphore, #tpu.memory_space<semaphore_mem>>)
      %dma_wait3A_89 = tpu.memref_slice %arg4[%run_scoped3A_27, %add3A_9] : memref<8x8192xi32, #tpu.memory_space<hbm>> -> memref<1x256xi32, #tpu.memory_space<hbm>>
      %dma_wait3A_90 = tpu.memref_squeeze %dma_wait3A_89 : memref<1x256xi32, #tpu.memory_space<hbm>> -> memref<256xi32, #tpu.memory_space<hbm>>
      %dma_wait3A_91 = tpu.memref_slice %arg4[%run_scoped3A_27, %add3A_9] : memref<8x8192xi32, #tpu.memory_space<hbm>> -> memref<1x256xi32, #tpu.memory_space<hbm>>
      %dma_wait3A_92 = tpu.memref_squeeze %dma_wait3A_91 : memref<1x256xi32, #tpu.memory_space<hbm>> -> memref<256xi32, #tpu.memory_space<hbm>>
      tpu.wait_dma2 semaphore(%run_scoped3A_84 : memref<!tpu.dma_semaphore, #tpu.memory_space<semaphore_mem>>) src(%dma_wait3A_92 : memref<256xi32, #tpu.memory_space<hbm>>) dst(%arg11 : memref<256xi32, #tpu.memory_space<vmem>>)
      tpu.yield
    }) : () -> ()
    %dma_start3A_28 = arith.constant 0 : i32
    %dma_start3A_29 = arith.constant 0 : i32
    %dma_start3A_30 = tpu.memref_slice %arg7[%dma_start3A_28, %dma_start3A_29] : memref<100001x32xf32, #tpu.memory_space<hbm>> -> memref<100001x32xf32, #tpu.memory_space<hbm>>
    tpu.enqueue_indirect_dma source(%dma_start3A_30 : memref<100001x32xf32, #tpu.memory_space<hbm>>) target(%arg13 : memref<256x32xf32, #tpu.memory_space<vmem>>) offsets(%arg11 : memref<256xi32, #tpu.memory_space<vmem>>) semaphore(%arg14 : memref<!tpu.dma_semaphore, #tpu.memory_space<semaphore_mem>>)
    %dma_wait3A_31 = arith.constant 0 : i32
    %dma_wait3A_32 = arith.constant 0 : i32
    %dma_wait3A_33 = tpu.memref_slice %arg7[%dma_wait3A_31, %dma_wait3A_32] : memref<100001x32xf32, #tpu.memory_space<hbm>> -> memref<100001x32xf32, #tpu.memory_space<hbm>>
    tpu.wait_indirect_dma semaphore(%arg14 : memref<!tpu.dma_semaphore, #tpu.memory_space<semaphore_mem>>) src(%dma_wait3A_33 : memref<100001x32xf32, #tpu.memory_space<hbm>>) dst(%arg13 : memref<256x32xf32, #tpu.memory_space<vmem>>)
    %run_scoped3A_34 = arith.constant 1 : i32
    "tpu.region"() ({
      %run_scoped3A_84 = tpu.sem_alloc : memref<!tpu.dma_semaphore, #tpu.memory_space<semaphore_mem>>
      %dma_start3A_85 = arith.constant 0 : i32
      %dma_start3A_86 = tpu.memref_slice %arg10[%run_scoped3A_34, %add3A_9, %dma_start3A_85] : memref<8x8192x32xf32, #tpu.memory_space<hbm>> -> memref<1x256x32xf32, #tpu.memory_space<hbm>>
      %dma_start3A_87 = tpu.memref_squeeze %dma_start3A_86 : memref<1x256x32xf32, #tpu.memory_space<hbm>> -> memref<256x32xf32, #tpu.memory_space<hbm>>
      %dma_start3A_88 = arith.constant 0 : i32
      %dma_start3A_89 = tpu.memref_slice %arg10[%run_scoped3A_34, %add3A_9, %dma_start3A_88] : memref<8x8192x32xf32, #tpu.memory_space<hbm>> -> memref<1x256x32xf32, #tpu.memory_space<hbm>>
      %dma_start3A_90 = tpu.memref_squeeze %dma_start3A_89 : memref<1x256x32xf32, #tpu.memory_space<hbm>> -> memref<256x32xf32, #tpu.memory_space<hbm>>
      tpu.enqueue_dma source(%arg13 : memref<256x32xf32, #tpu.memory_space<vmem>>) target(%dma_start3A_90 : memref<256x32xf32, #tpu.memory_space<hbm>>) target_semaphore(%run_scoped3A_84 : memref<!tpu.dma_semaphore, #tpu.memory_space<semaphore_mem>>)
      %dma_wait3A_91 = arith.constant 0 : i32
      %dma_wait3A_92 = tpu.memref_slice %arg10[%run_scoped3A_34, %add3A_9, %dma_wait3A_91] : memref<8x8192x32xf32, #tpu.memory_space<hbm>> -> memref<1x256x32xf32, #tpu.memory_space<hbm>>
      %dma_wait3A_93 = tpu.memref_squeeze %dma_wait3A_92 : memref<1x256x32xf32, #tpu.memory_space<hbm>> -> memref<256x32xf32, #tpu.memory_space<hbm>>
      %dma_wait3A_94 = arith.constant 0 : i32
      %dma_wait3A_95 = tpu.memref_slice %arg10[%run_scoped3A_34, %add3A_9, %dma_wait3A_94] : memref<8x8192x32xf32, #tpu.memory_space<hbm>> -> memref<1x256x32xf32, #tpu.memory_space<hbm>>
      %dma_wait3A_96 = tpu.memref_squeeze %dma_wait3A_95 : memref<1x256x32xf32, #tpu.memory_space<hbm>> -> memref<256x32xf32, #tpu.memory_space<hbm>>
      tpu.wait_dma2 semaphore(%run_scoped3A_84 : memref<!tpu.dma_semaphore, #tpu.memory_space<semaphore_mem>>) src(%arg13 : memref<256x32xf32, #tpu.memory_space<vmem>>) dst(%dma_wait3A_96 : memref<256x32xf32, #tpu.memory_space<hbm>>)
      tpu.yield
    }) : () -> ()
    %run_scoped3A_35 = arith.constant 2 : i32
    "tpu.region"() ({
      %run_scoped3A_84 = tpu.sem_alloc : memref<!tpu.dma_semaphore, #tpu.memory_space<semaphore_mem>>
      %dma_start3A_85 = tpu.memref_slice %arg4[%run_scoped3A_35, %add3A_9] : memref<8x8192xi32, #tpu.memory_space<hbm>> -> memref<1x256xi32, #tpu.memory_space<hbm>>
      %dma_start3A_86 = tpu.memref_squeeze %dma_start3A_85 : memref<1x256xi32, #tpu.memory_space<hbm>> -> memref<256xi32, #tpu.memory_space<hbm>>
      %dma_start3A_87 = tpu.memref_slice %arg4[%run_scoped3A_35, %add3A_9] : memref<8x8192xi32, #tpu.memory_space<hbm>> -> memref<1x256xi32, #tpu.memory_space<hbm>>
      %dma_start3A_88 = tpu.memref_squeeze %dma_start3A_87 : memref<1x256xi32, #tpu.memory_space<hbm>> -> memref<256xi32, #tpu.memory_space<hbm>>
      tpu.enqueue_dma source(%dma_start3A_88 : memref<256xi32, #tpu.memory_space<hbm>>) target(%arg11 : memref<256xi32, #tpu.memory_space<vmem>>) target_semaphore(%run_scoped3A_84 : memref<!tpu.dma_semaphore, #tpu.memory_space<semaphore_mem>>)
      %dma_wait3A_89 = tpu.memref_slice %arg4[%run_scoped3A_35, %add3A_9] : memref<8x8192xi32, #tpu.memory_space<hbm>> -> memref<1x256xi32, #tpu.memory_space<hbm>>
      %dma_wait3A_90 = tpu.memref_squeeze %dma_wait3A_89 : memref<1x256xi32, #tpu.memory_space<hbm>> -> memref<256xi32, #tpu.memory_space<hbm>>
      %dma_wait3A_91 = tpu.memref_slice %arg4[%run_scoped3A_35, %add3A_9] : memref<8x8192xi32, #tpu.memory_space<hbm>> -> memref<1x256xi32, #tpu.memory_space<hbm>>
      %dma_wait3A_92 = tpu.memref_squeeze %dma_wait3A_91 : memref<1x256xi32, #tpu.memory_space<hbm>> -> memref<256xi32, #tpu.memory_space<hbm>>
      tpu.wait_dma2 semaphore(%run_scoped3A_84 : memref<!tpu.dma_semaphore, #tpu.memory_space<semaphore_mem>>) src(%dma_wait3A_92 : memref<256xi32, #tpu.memory_space<hbm>>) dst(%arg11 : memref<256xi32, #tpu.memory_space<vmem>>)
      tpu.yield
    }) : () -> ()
    %dma_start3A_36 = arith.constant 0 : i32
    %dma_start3A_37 = arith.constant 0 : i32
    %dma_start3A_38 = tpu.memref_slice %arg7[%dma_start3A_36, %dma_start3A_37] : memref<100001x32xf32, #tpu.memory_space<hbm>> -> memref<100001x32xf32, #tpu.memory_space<hbm>>
    tpu.enqueue_indirect_dma source(%dma_start3A_38 : memref<100001x32xf32, #tpu.memory_space<hbm>>) target(%arg13 : memref<256x32xf32, #tpu.memory_space<vmem>>) offsets(%arg11 : memref<256xi32, #tpu.memory_space<vmem>>) semaphore(%arg14 : memref<!tpu.dma_semaphore, #tpu.memory_space<semaphore_mem>>)
    %dma_wait3A_39 = arith.constant 0 : i32
    %dma_wait3A_40 = arith.constant 0 : i32
    %dma_wait3A_41 = tpu.memref_slice %arg7[%dma_wait3A_39, %dma_wait3A_40] : memref<100001x32xf32, #tpu.memory_space<hbm>> -> memref<100001x32xf32, #tpu.memory_space<hbm>>
    tpu.wait_indirect_dma semaphore(%arg14 : memref<!tpu.dma_semaphore, #tpu.memory_space<semaphore_mem>>) src(%dma_wait3A_41 : memref<100001x32xf32, #tpu.memory_space<hbm>>) dst(%arg13 : memref<256x32xf32, #tpu.memory_space<vmem>>)
    %run_scoped3A_42 = arith.constant 2 : i32
    "tpu.region"() ({
      %run_scoped3A_84 = tpu.sem_alloc : memref<!tpu.dma_semaphore, #tpu.memory_space<semaphore_mem>>
      %dma_start3A_85 = arith.constant 0 : i32
      %dma_start3A_86 = tpu.memref_slice %arg10[%run_scoped3A_42, %add3A_9, %dma_start3A_85] : memref<8x8192x32xf32, #tpu.memory_space<hbm>> -> memref<1x256x32xf32, #tpu.memory_space<hbm>>
      %dma_start3A_87 = tpu.memref_squeeze %dma_start3A_86 : memref<1x256x32xf32, #tpu.memory_space<hbm>> -> memref<256x32xf32, #tpu.memory_space<hbm>>
      %dma_start3A_88 = arith.constant 0 : i32
      %dma_start3A_89 = tpu.memref_slice %arg10[%run_scoped3A_42, %add3A_9, %dma_start3A_88] : memref<8x8192x32xf32, #tpu.memory_space<hbm>> -> memref<1x256x32xf32, #tpu.memory_space<hbm>>
      %dma_start3A_90 = tpu.memref_squeeze %dma_start3A_89 : memref<1x256x32xf32, #tpu.memory_space<hbm>> -> memref<256x32xf32, #tpu.memory_space<hbm>>
      tpu.enqueue_dma source(%arg13 : memref<256x32xf32, #tpu.memory_space<vmem>>) target(%dma_start3A_90 : memref<256x32xf32, #tpu.memory_space<hbm>>) target_semaphore(%run_scoped3A_84 : memref<!tpu.dma_semaphore, #tpu.memory_space<semaphore_mem>>)
      %dma_wait3A_91 = arith.constant 0 : i32
      %dma_wait3A_92 = tpu.memref_slice %arg10[%run_scoped3A_42, %add3A_9, %dma_wait3A_91] : memref<8x8192x32xf32, #tpu.memory_space<hbm>> -> memref<1x256x32xf32, #tpu.memory_space<hbm>>
      %dma_wait3A_93 = tpu.memref_squeeze %dma_wait3A_92 : memref<1x256x32xf32, #tpu.memory_space<hbm>> -> memref<256x32xf32, #tpu.memory_space<hbm>>
      %dma_wait3A_94 = arith.constant 0 : i32
      %dma_wait3A_95 = tpu.memref_slice %arg10[%run_scoped3A_42, %add3A_9, %dma_wait3A_94] : memref<8x8192x32xf32, #tpu.memory_space<hbm>> -> memref<1x256x32xf32, #tpu.memory_space<hbm>>
      %dma_wait3A_96 = tpu.memref_squeeze %dma_wait3A_95 : memref<1x256x32xf32, #tpu.memory_space<hbm>> -> memref<256x32xf32, #tpu.memory_space<hbm>>
      tpu.wait_dma2 semaphore(%run_scoped3A_84 : memref<!tpu.dma_semaphore, #tpu.memory_space<semaphore_mem>>) src(%arg13 : memref<256x32xf32, #tpu.memory_space<vmem>>) dst(%dma_wait3A_96 : memref<256x32xf32, #tpu.memory_space<hbm>>)
      tpu.yield
    }) : () -> ()
    %run_scoped3A_43 = arith.constant 3 : i32
    "tpu.region"() ({
      %run_scoped3A_84 = tpu.sem_alloc : memref<!tpu.dma_semaphore, #tpu.memory_space<semaphore_mem>>
      %dma_start3A_85 = tpu.memref_slice %arg4[%run_scoped3A_43, %add3A_9] : memref<8x8192xi32, #tpu.memory_space<hbm>> -> memref<1x256xi32, #tpu.memory_space<hbm>>
      %dma_start3A_86 = tpu.memref_squeeze %dma_start3A_85 : memref<1x256xi32, #tpu.memory_space<hbm>> -> memref<256xi32, #tpu.memory_space<hbm>>
      %dma_start3A_87 = tpu.memref_slice %arg4[%run_scoped3A_43, %add3A_9] : memref<8x8192xi32, #tpu.memory_space<hbm>> -> memref<1x256xi32, #tpu.memory_space<hbm>>
      %dma_start3A_88 = tpu.memref_squeeze %dma_start3A_87 : memref<1x256xi32, #tpu.memory_space<hbm>> -> memref<256xi32, #tpu.memory_space<hbm>>
      tpu.enqueue_dma source(%dma_start3A_88 : memref<256xi32, #tpu.memory_space<hbm>>) target(%arg11 : memref<256xi32, #tpu.memory_space<vmem>>) target_semaphore(%run_scoped3A_84 : memref<!tpu.dma_semaphore, #tpu.memory_space<semaphore_mem>>)
      %dma_wait3A_89 = tpu.memref_slice %arg4[%run_scoped3A_43, %add3A_9] : memref<8x8192xi32, #tpu.memory_space<hbm>> -> memref<1x256xi32, #tpu.memory_space<hbm>>
      %dma_wait3A_90 = tpu.memref_squeeze %dma_wait3A_89 : memref<1x256xi32, #tpu.memory_space<hbm>> -> memref<256xi32, #tpu.memory_space<hbm>>
      %dma_wait3A_91 = tpu.memref_slice %arg4[%run_scoped3A_43, %add3A_9] : memref<8x8192xi32, #tpu.memory_space<hbm>> -> memref<1x256xi32, #tpu.memory_space<hbm>>
      %dma_wait3A_92 = tpu.memref_squeeze %dma_wait3A_91 : memref<1x256xi32, #tpu.memory_space<hbm>> -> memref<256xi32, #tpu.memory_space<hbm>>
      tpu.wait_dma2 semaphore(%run_scoped3A_84 : memref<!tpu.dma_semaphore, #tpu.memory_space<semaphore_mem>>) src(%dma_wait3A_92 : memref<256xi32, #tpu.memory_space<hbm>>) dst(%arg11 : memref<256xi32, #tpu.memory_space<vmem>>)
      tpu.yield
    }) : () -> ()
    %dma_start3A_44 = arith.constant 0 : i32
    %dma_start3A_45 = arith.constant 0 : i32
    %dma_start3A_46 = tpu.memref_slice %arg7[%dma_start3A_44, %dma_start3A_45] : memref<100001x32xf32, #tpu.memory_space<hbm>> -> memref<100001x32xf32, #tpu.memory_space<hbm>>
    tpu.enqueue_indirect_dma source(%dma_start3A_46 : memref<100001x32xf32, #tpu.memory_space<hbm>>) target(%arg13 : memref<256x32xf32, #tpu.memory_space<vmem>>) offsets(%arg11 : memref<256xi32, #tpu.memory_space<vmem>>) semaphore(%arg14 : memref<!tpu.dma_semaphore, #tpu.memory_space<semaphore_mem>>)
    %dma_wait3A_47 = arith.constant 0 : i32
    %dma_wait3A_48 = arith.constant 0 : i32
    %dma_wait3A_49 = tpu.memref_slice %arg7[%dma_wait3A_47, %dma_wait3A_48] : memref<100001x32xf32, #tpu.memory_space<hbm>> -> memref<100001x32xf32, #tpu.memory_space<hbm>>
    tpu.wait_indirect_dma semaphore(%arg14 : memref<!tpu.dma_semaphore, #tpu.memory_space<semaphore_mem>>) src(%dma_wait3A_49 : memref<100001x32xf32, #tpu.memory_space<hbm>>) dst(%arg13 : memref<256x32xf32, #tpu.memory_space<vmem>>)
    %run_scoped3A_50 = arith.constant 3 : i32
    "tpu.region"() ({
      %run_scoped3A_84 = tpu.sem_alloc : memref<!tpu.dma_semaphore, #tpu.memory_space<semaphore_mem>>
      %dma_start3A_85 = arith.constant 0 : i32
      %dma_start3A_86 = tpu.memref_slice %arg10[%run_scoped3A_50, %add3A_9, %dma_start3A_85] : memref<8x8192x32xf32, #tpu.memory_space<hbm>> -> memref<1x256x32xf32, #tpu.memory_space<hbm>>
      %dma_start3A_87 = tpu.memref_squeeze %dma_start3A_86 : memref<1x256x32xf32, #tpu.memory_space<hbm>> -> memref<256x32xf32, #tpu.memory_space<hbm>>
      %dma_start3A_88 = arith.constant 0 : i32
      %dma_start3A_89 = tpu.memref_slice %arg10[%run_scoped3A_50, %add3A_9, %dma_start3A_88] : memref<8x8192x32xf32, #tpu.memory_space<hbm>> -> memref<1x256x32xf32, #tpu.memory_space<hbm>>
      %dma_start3A_90 = tpu.memref_squeeze %dma_start3A_89 : memref<1x256x32xf32, #tpu.memory_space<hbm>> -> memref<256x32xf32, #tpu.memory_space<hbm>>
      tpu.enqueue_dma source(%arg13 : memref<256x32xf32, #tpu.memory_space<vmem>>) target(%dma_start3A_90 : memref<256x32xf32, #tpu.memory_space<hbm>>) target_semaphore(%run_scoped3A_84 : memref<!tpu.dma_semaphore, #tpu.memory_space<semaphore_mem>>)
      %dma_wait3A_91 = arith.constant 0 : i32
      %dma_wait3A_92 = tpu.memref_slice %arg10[%run_scoped3A_50, %add3A_9, %dma_wait3A_91] : memref<8x8192x32xf32, #tpu.memory_space<hbm>> -> memref<1x256x32xf32, #tpu.memory_space<hbm>>
      %dma_wait3A_93 = tpu.memref_squeeze %dma_wait3A_92 : memref<1x256x32xf32, #tpu.memory_space<hbm>> -> memref<256x32xf32, #tpu.memory_space<hbm>>
      %dma_wait3A_94 = arith.constant 0 : i32
      %dma_wait3A_95 = tpu.memref_slice %arg10[%run_scoped3A_50, %add3A_9, %dma_wait3A_94] : memref<8x8192x32xf32, #tpu.memory_space<hbm>> -> memref<1x256x32xf32, #tpu.memory_space<hbm>>
      %dma_wait3A_96 = tpu.memref_squeeze %dma_wait3A_95 : memref<1x256x32xf32, #tpu.memory_space<hbm>> -> memref<256x32xf32, #tpu.memory_space<hbm>>
      tpu.wait_dma2 semaphore(%run_scoped3A_84 : memref<!tpu.dma_semaphore, #tpu.memory_space<semaphore_mem>>) src(%arg13 : memref<256x32xf32, #tpu.memory_space<vmem>>) dst(%dma_wait3A_96 : memref<256x32xf32, #tpu.memory_space<hbm>>)
      tpu.yield
    }) : () -> ()
    %run_scoped3A_51 = arith.constant 4 : i32
    "tpu.region"() ({
      %run_scoped3A_84 = tpu.sem_alloc : memref<!tpu.dma_semaphore, #tpu.memory_space<semaphore_mem>>
      %dma_start3A_85 = tpu.memref_slice %arg4[%run_scoped3A_51, %add3A_9] : memref<8x8192xi32, #tpu.memory_space<hbm>> -> memref<1x256xi32, #tpu.memory_space<hbm>>
      %dma_start3A_86 = tpu.memref_squeeze %dma_start3A_85 : memref<1x256xi32, #tpu.memory_space<hbm>> -> memref<256xi32, #tpu.memory_space<hbm>>
      %dma_start3A_87 = tpu.memref_slice %arg4[%run_scoped3A_51, %add3A_9] : memref<8x8192xi32, #tpu.memory_space<hbm>> -> memref<1x256xi32, #tpu.memory_space<hbm>>
      %dma_start3A_88 = tpu.memref_squeeze %dma_start3A_87 : memref<1x256xi32, #tpu.memory_space<hbm>> -> memref<256xi32, #tpu.memory_space<hbm>>
      tpu.enqueue_dma source(%dma_start3A_88 : memref<256xi32, #tpu.memory_space<hbm>>) target(%arg11 : memref<256xi32, #tpu.memory_space<vmem>>) target_semaphore(%run_scoped3A_84 : memref<!tpu.dma_semaphore, #tpu.memory_space<semaphore_mem>>)
      %dma_wait3A_89 = tpu.memref_slice %arg4[%run_scoped3A_51, %add3A_9] : memref<8x8192xi32, #tpu.memory_space<hbm>> -> memref<1x256xi32, #tpu.memory_space<hbm>>
      %dma_wait3A_90 = tpu.memref_squeeze %dma_wait3A_89 : memref<1x256xi32, #tpu.memory_space<hbm>> -> memref<256xi32, #tpu.memory_space<hbm>>
      %dma_wait3A_91 = tpu.memref_slice %arg4[%run_scoped3A_51, %add3A_9] : memref<8x8192xi32, #tpu.memory_space<hbm>> -> memref<1x256xi32, #tpu.memory_space<hbm>>
      %dma_wait3A_92 = tpu.memref_squeeze %dma_wait3A_91 : memref<1x256xi32, #tpu.memory_space<hbm>> -> memref<256xi32, #tpu.memory_space<hbm>>
      tpu.wait_dma2 semaphore(%run_scoped3A_84 : memref<!tpu.dma_semaphore, #tpu.memory_space<semaphore_mem>>) src(%dma_wait3A_92 : memref<256xi32, #tpu.memory_space<hbm>>) dst(%arg11 : memref<256xi32, #tpu.memory_space<vmem>>)
      tpu.yield
    }) : () -> ()
    %dma_start3A_52 = arith.constant 0 : i32
    %dma_start3A_53 = arith.constant 0 : i32
    %dma_start3A_54 = tpu.memref_slice %arg7[%dma_start3A_52, %dma_start3A_53] : memref<100001x32xf32, #tpu.memory_space<hbm>> -> memref<100001x32xf32, #tpu.memory_space<hbm>>
    tpu.enqueue_indirect_dma source(%dma_start3A_54 : memref<100001x32xf32, #tpu.memory_space<hbm>>) target(%arg13 : memref<256x32xf32, #tpu.memory_space<vmem>>) offsets(%arg11 : memref<256xi32, #tpu.memory_space<vmem>>) semaphore(%arg14 : memref<!tpu.dma_semaphore, #tpu.memory_space<semaphore_mem>>)
    %dma_wait3A_55 = arith.constant 0 : i32
    %dma_wait3A_56 = arith.constant 0 : i32
    %dma_wait3A_57 = tpu.memref_slice %arg7[%dma_wait3A_55, %dma_wait3A_56] : memref<100001x32xf32, #tpu.memory_space<hbm>> -> memref<100001x32xf32, #tpu.memory_space<hbm>>
    tpu.wait_indirect_dma semaphore(%arg14 : memref<!tpu.dma_semaphore, #tpu.memory_space<semaphore_mem>>) src(%dma_wait3A_57 : memref<100001x32xf32, #tpu.memory_space<hbm>>) dst(%arg13 : memref<256x32xf32, #tpu.memory_space<vmem>>)
    %run_scoped3A_58 = arith.constant 4 : i32
    "tpu.region"() ({
      %run_scoped3A_84 = tpu.sem_alloc : memref<!tpu.dma_semaphore, #tpu.memory_space<semaphore_mem>>
      %dma_start3A_85 = arith.constant 0 : i32
      %dma_start3A_86 = tpu.memref_slice %arg10[%run_scoped3A_58, %add3A_9, %dma_start3A_85] : memref<8x8192x32xf32, #tpu.memory_space<hbm>> -> memref<1x256x32xf32, #tpu.memory_space<hbm>>
      %dma_start3A_87 = tpu.memref_squeeze %dma_start3A_86 : memref<1x256x32xf32, #tpu.memory_space<hbm>> -> memref<256x32xf32, #tpu.memory_space<hbm>>
      %dma_start3A_88 = arith.constant 0 : i32
      %dma_start3A_89 = tpu.memref_slice %arg10[%run_scoped3A_58, %add3A_9, %dma_start3A_88] : memref<8x8192x32xf32, #tpu.memory_space<hbm>> -> memref<1x256x32xf32, #tpu.memory_space<hbm>>
      %dma_start3A_90 = tpu.memref_squeeze %dma_start3A_89 : memref<1x256x32xf32, #tpu.memory_space<hbm>> -> memref<256x32xf32, #tpu.memory_space<hbm>>
      tpu.enqueue_dma source(%arg13 : memref<256x32xf32, #tpu.memory_space<vmem>>) target(%dma_start3A_90 : memref<256x32xf32, #tpu.memory_space<hbm>>) target_semaphore(%run_scoped3A_84 : memref<!tpu.dma_semaphore, #tpu.memory_space<semaphore_mem>>)
      %dma_wait3A_91 = arith.constant 0 : i32
      %dma_wait3A_92 = tpu.memref_slice %arg10[%run_scoped3A_58, %add3A_9, %dma_wait3A_91] : memref<8x8192x32xf32, #tpu.memory_space<hbm>> -> memref<1x256x32xf32, #tpu.memory_space<hbm>>
      %dma_wait3A_93 = tpu.memref_squeeze %dma_wait3A_92 : memref<1x256x32xf32, #tpu.memory_space<hbm>> -> memref<256x32xf32, #tpu.memory_space<hbm>>
      %dma_wait3A_94 = arith.constant 0 : i32
      %dma_wait3A_95 = tpu.memref_slice %arg10[%run_scoped3A_58, %add3A_9, %dma_wait3A_94] : memref<8x8192x32xf32, #tpu.memory_space<hbm>> -> memref<1x256x32xf32, #tpu.memory_space<hbm>>
      %dma_wait3A_96 = tpu.memref_squeeze %dma_wait3A_95 : memref<1x256x32xf32, #tpu.memory_space<hbm>> -> memref<256x32xf32, #tpu.memory_space<hbm>>
      tpu.wait_dma2 semaphore(%run_scoped3A_84 : memref<!tpu.dma_semaphore, #tpu.memory_space<semaphore_mem>>) src(%arg13 : memref<256x32xf32, #tpu.memory_space<vmem>>) dst(%dma_wait3A_96 : memref<256x32xf32, #tpu.memory_space<hbm>>)
      tpu.yield
    }) : () -> ()
    %run_scoped3A_59 = arith.constant 5 : i32
    "tpu.region"() ({
      %run_scoped3A_84 = tpu.sem_alloc : memref<!tpu.dma_semaphore, #tpu.memory_space<semaphore_mem>>
      %dma_start3A_85 = tpu.memref_slice %arg4[%run_scoped3A_59, %add3A_9] : memref<8x8192xi32, #tpu.memory_space<hbm>> -> memref<1x256xi32, #tpu.memory_space<hbm>>
      %dma_start3A_86 = tpu.memref_squeeze %dma_start3A_85 : memref<1x256xi32, #tpu.memory_space<hbm>> -> memref<256xi32, #tpu.memory_space<hbm>>
      %dma_start3A_87 = tpu.memref_slice %arg4[%run_scoped3A_59, %add3A_9] : memref<8x8192xi32, #tpu.memory_space<hbm>> -> memref<1x256xi32, #tpu.memory_space<hbm>>
      %dma_start3A_88 = tpu.memref_squeeze %dma_start3A_87 : memref<1x256xi32, #tpu.memory_space<hbm>> -> memref<256xi32, #tpu.memory_space<hbm>>
      tpu.enqueue_dma source(%dma_start3A_88 : memref<256xi32, #tpu.memory_space<hbm>>) target(%arg11 : memref<256xi32, #tpu.memory_space<vmem>>) target_semaphore(%run_scoped3A_84 : memref<!tpu.dma_semaphore, #tpu.memory_space<semaphore_mem>>)
      %dma_wait3A_89 = tpu.memref_slice %arg4[%run_scoped3A_59, %add3A_9] : memref<8x8192xi32, #tpu.memory_space<hbm>> -> memref<1x256xi32, #tpu.memory_space<hbm>>
      %dma_wait3A_90 = tpu.memref_squeeze %dma_wait3A_89 : memref<1x256xi32, #tpu.memory_space<hbm>> -> memref<256xi32, #tpu.memory_space<hbm>>
      %dma_wait3A_91 = tpu.memref_slice %arg4[%run_scoped3A_59, %add3A_9] : memref<8x8192xi32, #tpu.memory_space<hbm>> -> memref<1x256xi32, #tpu.memory_space<hbm>>
      %dma_wait3A_92 = tpu.memref_squeeze %dma_wait3A_91 : memref<1x256xi32, #tpu.memory_space<hbm>> -> memref<256xi32, #tpu.memory_space<hbm>>
      tpu.wait_dma2 semaphore(%run_scoped3A_84 : memref<!tpu.dma_semaphore, #tpu.memory_space<semaphore_mem>>) src(%dma_wait3A_92 : memref<256xi32, #tpu.memory_space<hbm>>) dst(%arg11 : memref<256xi32, #tpu.memory_space<vmem>>)
      tpu.yield
    }) : () -> ()
    %dma_start3A_60 = arith.constant 0 : i32
    %dma_start3A_61 = arith.constant 0 : i32
    %dma_start3A_62 = tpu.memref_slice %arg7[%dma_start3A_60, %dma_start3A_61] : memref<100001x32xf32, #tpu.memory_space<hbm>> -> memref<100001x32xf32, #tpu.memory_space<hbm>>
    tpu.enqueue_indirect_dma source(%dma_start3A_62 : memref<100001x32xf32, #tpu.memory_space<hbm>>) target(%arg13 : memref<256x32xf32, #tpu.memory_space<vmem>>) offsets(%arg11 : memref<256xi32, #tpu.memory_space<vmem>>) semaphore(%arg14 : memref<!tpu.dma_semaphore, #tpu.memory_space<semaphore_mem>>)
    %dma_wait3A_63 = arith.constant 0 : i32
    %dma_wait3A_64 = arith.constant 0 : i32
    %dma_wait3A_65 = tpu.memref_slice %arg7[%dma_wait3A_63, %dma_wait3A_64] : memref<100001x32xf32, #tpu.memory_space<hbm>> -> memref<100001x32xf32, #tpu.memory_space<hbm>>
    tpu.wait_indirect_dma semaphore(%arg14 : memref<!tpu.dma_semaphore, #tpu.memory_space<semaphore_mem>>) src(%dma_wait3A_65 : memref<100001x32xf32, #tpu.memory_space<hbm>>) dst(%arg13 : memref<256x32xf32, #tpu.memory_space<vmem>>)
    %run_scoped3A_66 = arith.constant 5 : i32
    "tpu.region"() ({
      %run_scoped3A_84 = tpu.sem_alloc : memref<!tpu.dma_semaphore, #tpu.memory_space<semaphore_mem>>
      %dma_start3A_85 = arith.constant 0 : i32
      %dma_start3A_86 = tpu.memref_slice %arg10[%run_scoped3A_66, %add3A_9, %dma_start3A_85] : memref<8x8192x32xf32, #tpu.memory_space<hbm>> -> memref<1x256x32xf32, #tpu.memory_space<hbm>>
      %dma_start3A_87 = tpu.memref_squeeze %dma_start3A_86 : memref<1x256x32xf32, #tpu.memory_space<hbm>> -> memref<256x32xf32, #tpu.memory_space<hbm>>
      %dma_start3A_88 = arith.constant 0 : i32
      %dma_start3A_89 = tpu.memref_slice %arg10[%run_scoped3A_66, %add3A_9, %dma_start3A_88] : memref<8x8192x32xf32, #tpu.memory_space<hbm>> -> memref<1x256x32xf32, #tpu.memory_space<hbm>>
      %dma_start3A_90 = tpu.memref_squeeze %dma_start3A_89 : memref<1x256x32xf32, #tpu.memory_space<hbm>> -> memref<256x32xf32, #tpu.memory_space<hbm>>
      tpu.enqueue_dma source(%arg13 : memref<256x32xf32, #tpu.memory_space<vmem>>) target(%dma_start3A_90 : memref<256x32xf32, #tpu.memory_space<hbm>>) target_semaphore(%run_scoped3A_84 : memref<!tpu.dma_semaphore, #tpu.memory_space<semaphore_mem>>)
      %dma_wait3A_91 = arith.constant 0 : i32
      %dma_wait3A_92 = tpu.memref_slice %arg10[%run_scoped3A_66, %add3A_9, %dma_wait3A_91] : memref<8x8192x32xf32, #tpu.memory_space<hbm>> -> memref<1x256x32xf32, #tpu.memory_space<hbm>>
      %dma_wait3A_93 = tpu.memref_squeeze %dma_wait3A_92 : memref<1x256x32xf32, #tpu.memory_space<hbm>> -> memref<256x32xf32, #tpu.memory_space<hbm>>
      %dma_wait3A_94 = arith.constant 0 : i32
      %dma_wait3A_95 = tpu.memref_slice %arg10[%run_scoped3A_66, %add3A_9, %dma_wait3A_94] : memref<8x8192x32xf32, #tpu.memory_space<hbm>> -> memref<1x256x32xf32, #tpu.memory_space<hbm>>
      %dma_wait3A_96 = tpu.memref_squeeze %dma_wait3A_95 : memref<1x256x32xf32, #tpu.memory_space<hbm>> -> memref<256x32xf32, #tpu.memory_space<hbm>>
      tpu.wait_dma2 semaphore(%run_scoped3A_84 : memref<!tpu.dma_semaphore, #tpu.memory_space<semaphore_mem>>) src(%arg13 : memref<256x32xf32, #tpu.memory_space<vmem>>) dst(%dma_wait3A_96 : memref<256x32xf32, #tpu.memory_space<hbm>>)
      tpu.yield
    }) : () -> ()
    %run_scoped3A_67 = arith.constant 6 : i32
    "tpu.region"() ({
      %run_scoped3A_84 = tpu.sem_alloc : memref<!tpu.dma_semaphore, #tpu.memory_space<semaphore_mem>>
      %dma_start3A_85 = tpu.memref_slice %arg4[%run_scoped3A_67, %add3A_9] : memref<8x8192xi32, #tpu.memory_space<hbm>> -> memref<1x256xi32, #tpu.memory_space<hbm>>
      %dma_start3A_86 = tpu.memref_squeeze %dma_start3A_85 : memref<1x256xi32, #tpu.memory_space<hbm>> -> memref<256xi32, #tpu.memory_space<hbm>>
      %dma_start3A_87 = tpu.memref_slice %arg4[%run_scoped3A_67, %add3A_9] : memref<8x8192xi32, #tpu.memory_space<hbm>> -> memref<1x256xi32, #tpu.memory_space<hbm>>
      %dma_start3A_88 = tpu.memref_squeeze %dma_start3A_87 : memref<1x256xi32, #tpu.memory_space<hbm>> -> memref<256xi32, #tpu.memory_space<hbm>>
      tpu.enqueue_dma source(%dma_start3A_88 : memref<256xi32, #tpu.memory_space<hbm>>) target(%arg11 : memref<256xi32, #tpu.memory_space<vmem>>) target_semaphore(%run_scoped3A_84 : memref<!tpu.dma_semaphore, #tpu.memory_space<semaphore_mem>>)
      %dma_wait3A_89 = tpu.memref_slice %arg4[%run_scoped3A_67, %add3A_9] : memref<8x8192xi32, #tpu.memory_space<hbm>> -> memref<1x256xi32, #tpu.memory_space<hbm>>
      %dma_wait3A_90 = tpu.memref_squeeze %dma_wait3A_89 : memref<1x256xi32, #tpu.memory_space<hbm>> -> memref<256xi32, #tpu.memory_space<hbm>>
      %dma_wait3A_91 = tpu.memref_slice %arg4[%run_scoped3A_67, %add3A_9] : memref<8x8192xi32, #tpu.memory_space<hbm>> -> memref<1x256xi32, #tpu.memory_space<hbm>>
      %dma_wait3A_92 = tpu.memref_squeeze %dma_wait3A_91 : memref<1x256xi32, #tpu.memory_space<hbm>> -> memref<256xi32, #tpu.memory_space<hbm>>
      tpu.wait_dma2 semaphore(%run_scoped3A_84 : memref<!tpu.dma_semaphore, #tpu.memory_space<semaphore_mem>>) src(%dma_wait3A_92 : memref<256xi32, #tpu.memory_space<hbm>>) dst(%arg11 : memref<256xi32, #tpu.memory_space<vmem>>)
      tpu.yield
    }) : () -> ()
    %dma_start3A_68 = arith.constant 0 : i32
    %dma_start3A_69 = arith.constant 0 : i32
    %dma_start3A_70 = tpu.memref_slice %arg7[%dma_start3A_68, %dma_start3A_69] : memref<100001x32xf32, #tpu.memory_space<hbm>> -> memref<100001x32xf32, #tpu.memory_space<hbm>>
    tpu.enqueue_indirect_dma source(%dma_start3A_70 : memref<100001x32xf32, #tpu.memory_space<hbm>>) target(%arg13 : memref<256x32xf32, #tpu.memory_space<vmem>>) offsets(%arg11 : memref<256xi32, #tpu.memory_space<vmem>>) semaphore(%arg14 : memref<!tpu.dma_semaphore, #tpu.memory_space<semaphore_mem>>)
    %dma_wait3A_71 = arith.constant 0 : i32
    %dma_wait3A_72 = arith.constant 0 : i32
    %dma_wait3A_73 = tpu.memref_slice %arg7[%dma_wait3A_71, %dma_wait3A_72] : memref<100001x32xf32, #tpu.memory_space<hbm>> -> memref<100001x32xf32, #tpu.memory_space<hbm>>
    tpu.wait_indirect_dma semaphore(%arg14 : memref<!tpu.dma_semaphore, #tpu.memory_space<semaphore_mem>>) src(%dma_wait3A_73 : memref<100001x32xf32, #tpu.memory_space<hbm>>) dst(%arg13 : memref<256x32xf32, #tpu.memory_space<vmem>>)
    %run_scoped3A_74 = arith.constant 6 : i32
    "tpu.region"() ({
      %run_scoped3A_84 = tpu.sem_alloc : memref<!tpu.dma_semaphore, #tpu.memory_space<semaphore_mem>>
      %dma_start3A_85 = arith.constant 0 : i32
      %dma_start3A_86 = tpu.memref_slice %arg10[%run_scoped3A_74, %add3A_9, %dma_start3A_85] : memref<8x8192x32xf32, #tpu.memory_space<hbm>> -> memref<1x256x32xf32, #tpu.memory_space<hbm>>
      %dma_start3A_87 = tpu.memref_squeeze %dma_start3A_86 : memref<1x256x32xf32, #tpu.memory_space<hbm>> -> memref<256x32xf32, #tpu.memory_space<hbm>>
      %dma_start3A_88 = arith.constant 0 : i32
      %dma_start3A_89 = tpu.memref_slice %arg10[%run_scoped3A_74, %add3A_9, %dma_start3A_88] : memref<8x8192x32xf32, #tpu.memory_space<hbm>> -> memref<1x256x32xf32, #tpu.memory_space<hbm>>
      %dma_start3A_90 = tpu.memref_squeeze %dma_start3A_89 : memref<1x256x32xf32, #tpu.memory_space<hbm>> -> memref<256x32xf32, #tpu.memory_space<hbm>>
      tpu.enqueue_dma source(%arg13 : memref<256x32xf32, #tpu.memory_space<vmem>>) target(%dma_start3A_90 : memref<256x32xf32, #tpu.memory_space<hbm>>) target_semaphore(%run_scoped3A_84 : memref<!tpu.dma_semaphore, #tpu.memory_space<semaphore_mem>>)
      %dma_wait3A_91 = arith.constant 0 : i32
      %dma_wait3A_92 = tpu.memref_slice %arg10[%run_scoped3A_74, %add3A_9, %dma_wait3A_91] : memref<8x8192x32xf32, #tpu.memory_space<hbm>> -> memref<1x256x32xf32, #tpu.memory_space<hbm>>
      %dma_wait3A_93 = tpu.memref_squeeze %dma_wait3A_92 : memref<1x256x32xf32, #tpu.memory_space<hbm>> -> memref<256x32xf32, #tpu.memory_space<hbm>>
      %dma_wait3A_94 = arith.constant 0 : i32
      %dma_wait3A_95 = tpu.memref_slice %arg10[%run_scoped3A_74, %add3A_9, %dma_wait3A_94] : memref<8x8192x32xf32, #tpu.memory_space<hbm>> -> memref<1x256x32xf32, #tpu.memory_space<hbm>>
      %dma_wait3A_96 = tpu.memref_squeeze %dma_wait3A_95 : memref<1x256x32xf32, #tpu.memory_space<hbm>> -> memref<256x32xf32, #tpu.memory_space<hbm>>
      tpu.wait_dma2 semaphore(%run_scoped3A_84 : memref<!tpu.dma_semaphore, #tpu.memory_space<semaphore_mem>>) src(%arg13 : memref<256x32xf32, #tpu.memory_space<vmem>>) dst(%dma_wait3A_96 : memref<256x32xf32, #tpu.memory_space<hbm>>)
      tpu.yield
    }) : () -> ()
    %run_scoped3A_75 = arith.constant 7 : i32
    "tpu.region"() ({
      %run_scoped3A_84 = tpu.sem_alloc : memref<!tpu.dma_semaphore, #tpu.memory_space<semaphore_mem>>
      %dma_start3A_85 = tpu.memref_slice %arg4[%run_scoped3A_75, %add3A_9] : memref<8x8192xi32, #tpu.memory_space<hbm>> -> memref<1x256xi32, #tpu.memory_space<hbm>>
      %dma_start3A_86 = tpu.memref_squeeze %dma_start3A_85 : memref<1x256xi32, #tpu.memory_space<hbm>> -> memref<256xi32, #tpu.memory_space<hbm>>
      %dma_start3A_87 = tpu.memref_slice %arg4[%run_scoped3A_75, %add3A_9] : memref<8x8192xi32, #tpu.memory_space<hbm>> -> memref<1x256xi32, #tpu.memory_space<hbm>>
      %dma_start3A_88 = tpu.memref_squeeze %dma_start3A_87 : memref<1x256xi32, #tpu.memory_space<hbm>> -> memref<256xi32, #tpu.memory_space<hbm>>
      tpu.enqueue_dma source(%dma_start3A_88 : memref<256xi32, #tpu.memory_space<hbm>>) target(%arg11 : memref<256xi32, #tpu.memory_space<vmem>>) target_semaphore(%run_scoped3A_84 : memref<!tpu.dma_semaphore, #tpu.memory_space<semaphore_mem>>)
      %dma_wait3A_89 = tpu.memref_slice %arg4[%run_scoped3A_75, %add3A_9] : memref<8x8192xi32, #tpu.memory_space<hbm>> -> memref<1x256xi32, #tpu.memory_space<hbm>>
      %dma_wait3A_90 = tpu.memref_squeeze %dma_wait3A_89 : memref<1x256xi32, #tpu.memory_space<hbm>> -> memref<256xi32, #tpu.memory_space<hbm>>
      %dma_wait3A_91 = tpu.memref_slice %arg4[%run_scoped3A_75, %add3A_9] : memref<8x8192xi32, #tpu.memory_space<hbm>> -> memref<1x256xi32, #tpu.memory_space<hbm>>
      %dma_wait3A_92 = tpu.memref_squeeze %dma_wait3A_91 : memref<1x256xi32, #tpu.memory_space<hbm>> -> memref<256xi32, #tpu.memory_space<hbm>>
      tpu.wait_dma2 semaphore(%run_scoped3A_84 : memref<!tpu.dma_semaphore, #tpu.memory_space<semaphore_mem>>) src(%dma_wait3A_92 : memref<256xi32, #tpu.memory_space<hbm>>) dst(%arg11 : memref<256xi32, #tpu.memory_space<vmem>>)
      tpu.yield
    }) : () -> ()
    %dma_start3A_76 = arith.constant 0 : i32
    %dma_start3A_77 = arith.constant 0 : i32
    %dma_start3A_78 = tpu.memref_slice %arg7[%dma_start3A_76, %dma_start3A_77] : memref<100001x32xf32, #tpu.memory_space<hbm>> -> memref<100001x32xf32, #tpu.memory_space<hbm>>
    tpu.enqueue_indirect_dma source(%dma_start3A_78 : memref<100001x32xf32, #tpu.memory_space<hbm>>) target(%arg13 : memref<256x32xf32, #tpu.memory_space<vmem>>) offsets(%arg11 : memref<256xi32, #tpu.memory_space<vmem>>) semaphore(%arg14 : memref<!tpu.dma_semaphore, #tpu.memory_space<semaphore_mem>>)
    %dma_wait3A_79 = arith.constant 0 : i32
    %dma_wait3A_80 = arith.constant 0 : i32
    %dma_wait3A_81 = tpu.memref_slice %arg7[%dma_wait3A_79, %dma_wait3A_80] : memref<100001x32xf32, #tpu.memory_space<hbm>> -> memref<100001x32xf32, #tpu.memory_space<hbm>>
    tpu.wait_indirect_dma semaphore(%arg14 : memref<!tpu.dma_semaphore, #tpu.memory_space<semaphore_mem>>) src(%dma_wait3A_81 : memref<100001x32xf32, #tpu.memory_space<hbm>>) dst(%arg13 : memref<256x32xf32, #tpu.memory_space<vmem>>)
    %run_scoped3A_82 = arith.constant 7 : i32
    "tpu.region"() ({
      %run_scoped3A_84 = tpu.sem_alloc : memref<!tpu.dma_semaphore, #tpu.memory_space<semaphore_mem>>
      %dma_start3A_85 = arith.constant 0 : i32
      %dma_start3A_86 = tpu.memref_slice %arg10[%run_scoped3A_82, %add3A_9, %dma_start3A_85] : memref<8x8192x32xf32, #tpu.memory_space<hbm>> -> memref<1x256x32xf32, #tpu.memory_space<hbm>>
      %dma_start3A_87 = tpu.memref_squeeze %dma_start3A_86 : memref<1x256x32xf32, #tpu.memory_space<hbm>> -> memref<256x32xf32, #tpu.memory_space<hbm>>
      %dma_start3A_88 = arith.constant 0 : i32
      %dma_start3A_89 = tpu.memref_slice %arg10[%run_scoped3A_82, %add3A_9, %dma_start3A_88] : memref<8x8192x32xf32, #tpu.memory_space<hbm>> -> memref<1x256x32xf32, #tpu.memory_space<hbm>>
      %dma_start3A_90 = tpu.memref_squeeze %dma_start3A_89 : memref<1x256x32xf32, #tpu.memory_space<hbm>> -> memref<256x32xf32, #tpu.memory_space<hbm>>
      tpu.enqueue_dma source(%arg13 : memref<256x32xf32, #tpu.memory_space<vmem>>) target(%dma_start3A_90 : memref<256x32xf32, #tpu.memory_space<hbm>>) target_semaphore(%run_scoped3A_84 : memref<!tpu.dma_semaphore, #tpu.memory_space<semaphore_mem>>)
      %dma_wait3A_91 = arith.constant 0 : i32
      %dma_wait3A_92 = tpu.memref_slice %arg10[%run_scoped3A_82, %add3A_9, %dma_wait3A_91] : memref<8x8192x32xf32, #tpu.memory_space<hbm>> -> memref<1x256x32xf32, #tpu.memory_space<hbm>>
      %dma_wait3A_93 = tpu.memref_squeeze %dma_wait3A_92 : memref<1x256x32xf32, #tpu.memory_space<hbm>> -> memref<256x32xf32, #tpu.memory_space<hbm>>
      %dma_wait3A_94 = arith.constant 0 : i32
      %dma_wait3A_95 = tpu.memref_slice %arg10[%run_scoped3A_82, %add3A_9, %dma_wait3A_94] : memref<8x8192x32xf32, #tpu.memory_space<hbm>> -> memref<1x256x32xf32, #tpu.memory_space<hbm>>
      %dma_wait3A_96 = tpu.memref_squeeze %dma_wait3A_95 : memref<1x256x32xf32, #tpu.memory_space<hbm>> -> memref<256x32xf32, #tpu.memory_space<hbm>>
      tpu.wait_dma2 semaphore(%run_scoped3A_84 : memref<!tpu.dma_semaphore, #tpu.memory_space<semaphore_mem>>) src(%arg13 : memref<256x32xf32, #tpu.memory_space<vmem>>) dst(%dma_wait3A_96 : memref<256x32xf32, #tpu.memory_space<hbm>>)
      tpu.yield
    }) : () -> ()
    %scan3A_83 = arith.constant 1 : i32
    return
  }
}

module attributes {stable_mosaic.version = 14 : i64} {
  func.func @_tc_body(%arg0: i32, %arg1: memref<512x64xf32, #tpu.memory_space<vmem>>, %arg2: memref<512x64xf32, #tpu.memory_space<vmem>>, %arg3: memref<8x512x32xf32, #tpu.memory_space<vmem>>, %arg4: memref<8x512xi32, #tpu.memory_space<vmem>>, %arg5: memref<512x16xf32, #tpu.memory_space<vmem>>, %arg6: memref<16x128xf32, #tpu.memory_space<vmem>>, %arg7: memref<1x128xf32, #tpu.memory_space<vmem>>, %arg8: memref<1x128xf32, #tpu.memory_space<vmem>>, %arg9: memref<1x128xf32, #tpu.memory_space<vmem>>, %arg10: memref<128x128xf32, #tpu.memory_space<vmem>>, %arg11: memref<1x128xf32, #tpu.memory_space<vmem>>, %arg12: memref<64x80xf32, #tpu.memory_space<vmem>>, %arg13: memref<64x256xf32, #tpu.memory_space<vmem>>, %arg14: memref<64x256xf32, #tpu.memory_space<vmem>>, %arg15: memref<8x32x256xf32, #tpu.memory_space<vmem>>, %arg16: memref<80x256xf32, #tpu.memory_space<vmem>>, %arg17: memref<128x256xf32, #tpu.memory_space<vmem>>, %arg18: memref<1x256xf32, #tpu.memory_space<vmem>>, %arg19: memref<1x256xf32, #tpu.memory_space<vmem>>, %arg20: memref<1x256xf32, #tpu.memory_space<vmem>>, %arg21: memref<512x256xf32, #tpu.memory_space<vmem>>) attributes {dimension_semantics = [#tpu.dimension_semantics<arbitrary>], iteration_bounds = array<i64: 16>, scalar_prefetch = 0 : i64, scratch_operands = 0 : i64, tpu.core_type = #tpu.core_type<tc>, window_params = [{transform_indices = @transform_0, window_bounds = array<i64: 512, 64>}, {transform_indices = @transform_1, window_bounds = array<i64: 512, 64>}, {transform_indices = @transform_2, window_bounds = array<i64: 8, 512, 32>}, {transform_indices = @transform_3, window_bounds = array<i64: 8, 512>}, {transform_indices = @transform_4, window_bounds = array<i64: 512, 16>}, {pipeline_mode = #tpu.pipeline_mode<synchronous>, transform_indices = @transform_5, window_bounds = array<i64: 16, 128>}, {pipeline_mode = #tpu.pipeline_mode<synchronous>, transform_indices = @transform_6, window_bounds = array<i64: 1, 128>}, {pipeline_mode = #tpu.pipeline_mode<synchronous>, transform_indices = @transform_7, window_bounds = array<i64: 1, 128>}, {pipeline_mode = #tpu.pipeline_mode<synchronous>, transform_indices = @transform_8, window_bounds = array<i64: 1, 128>}, {pipeline_mode = #tpu.pipeline_mode<synchronous>, transform_indices = @transform_9, window_bounds = array<i64: 128, 128>}, {pipeline_mode = #tpu.pipeline_mode<synchronous>, transform_indices = @transform_10, window_bounds = array<i64: 1, 128>}, {pipeline_mode = #tpu.pipeline_mode<synchronous>, transform_indices = @transform_11, window_bounds = array<i64: 64, 80>}, {pipeline_mode = #tpu.pipeline_mode<synchronous>, transform_indices = @transform_12, window_bounds = array<i64: 64, 256>}, {pipeline_mode = #tpu.pipeline_mode<synchronous>, transform_indices = @transform_13, window_bounds = array<i64: 64, 256>}, {pipeline_mode = #tpu.pipeline_mode<synchronous>, transform_indices = @transform_14, window_bounds = array<i64: 8, 32, 256>}, {pipeline_mode = #tpu.pipeline_mode<synchronous>, transform_indices = @transform_15, window_bounds = array<i64: 80, 256>}, {pipeline_mode = #tpu.pipeline_mode<synchronous>, transform_indices = @transform_16, window_bounds = array<i64: 128, 256>}, {pipeline_mode = #tpu.pipeline_mode<synchronous>, transform_indices = @transform_17, window_bounds = array<i64: 1, 256>}, {pipeline_mode = #tpu.pipeline_mode<synchronous>, transform_indices = @transform_18, window_bounds = array<i64: 1, 256>}, {pipeline_mode = #tpu.pipeline_mode<synchronous>, transform_indices = @transform_19, window_bounds = array<i64: 1, 256>}, {transform_indices = @transform_20, window_bounds = array<i64: 512, 256>}]} {
    %get3A = arith.constant 0 : index
    %get3A_0 = arith.constant 0 : index
    %get3A_1 = vector.load %arg5[%get3A, %get3A_0] : memref<512x16xf32, #tpu.memory_space<vmem>>, vector<512x16xf32>
    %get3A_2 = arith.constant 0 : index
    %get3A_3 = arith.constant 0 : index
    %get3A_4 = vector.load %arg6[%get3A_2, %get3A_3] : memref<16x128xf32, #tpu.memory_space<vmem>>, vector<16x128xf32>
    %dot_general3A = arith.constant dense<0.000000e+00> : vector<512x128xf32>
    %dot_general3A_5 = tpu.matmul %get3A_1, %get3A_4, %dot_general3A {dimension_numbers = #tpu.dot_dimension_numbers<[1], [0], [0], [1], [0, 0, 1, 1], [], []>, transpose_lhs_hint = false} : vector<512x16xf32>, vector<16x128xf32>, vector<512x128xf32> -> vector<512x128xf32>
    %get3A_6 = arith.constant 0 : index
    %get3A_7 = arith.constant 0 : index
    %get3A_8 = vector.load %arg7[%get3A_6, %get3A_7] : memref<1x128xf32, #tpu.memory_space<vmem>>, vector<1x128xf32>
    %add3A = vector.broadcast %get3A_8 : vector<1x128xf32> to vector<512x128xf32>
    %add3A_9 = arith.addf %dot_general3A_5, %add3A : vector<512x128xf32>
    %reduce_sum3A = arith.constant dense<0.000000e+00> : vector<512xf32>
    %reduce_sum3A_10 = vector.multi_reduction <add>, %add3A_9, %reduce_sum3A [1] : vector<512x128xf32> to vector<512xf32>
    %broadcast_in_dim3A = vector.shape_cast %reduce_sum3A_10 : vector<512xf32> to vector<512x1xf32>
    %div3A = arith.constant 1.280000e+02 : f32
    %div3A_11 = vector.broadcast %div3A : f32 to vector<512x1xf32>
    %div3A_12 = arith.divf %broadcast_in_dim3A, %div3A_11 : vector<512x1xf32>
    %sub3A = vector.broadcast %div3A_12 : vector<512x1xf32> to vector<512x128xf32>
    %sub3A_13 = arith.subf %add3A_9, %sub3A : vector<512x128xf32>
    %integer_pow3A = arith.mulf %sub3A_13, %sub3A_13 : vector<512x128xf32>
    %reduce_sum3A_14 = arith.constant dense<0.000000e+00> : vector<512xf32>
    %reduce_sum3A_15 = vector.multi_reduction <add>, %integer_pow3A, %reduce_sum3A_14 [1] : vector<512x128xf32> to vector<512xf32>
    %broadcast_in_dim3A_16 = vector.shape_cast %reduce_sum3A_15 : vector<512xf32> to vector<512x1xf32>
    %div3A_17 = arith.constant 1.280000e+02 : f32
    %div3A_18 = vector.broadcast %div3A_17 : f32 to vector<512x1xf32>
    %div3A_19 = arith.divf %broadcast_in_dim3A_16, %div3A_18 : vector<512x1xf32>
    %sub3A_20 = vector.broadcast %div3A_12 : vector<512x1xf32> to vector<512x128xf32>
    %sub3A_21 = arith.subf %add3A_9, %sub3A_20 : vector<512x128xf32>
    %add3A_22 = arith.constant 9.99999974E-6 : f32
    %add3A_23 = vector.broadcast %add3A_22 : f32 to vector<512x1xf32>
    %add3A_24 = arith.addf %div3A_19, %add3A_23 : vector<512x1xf32>
    %rsqrt3A = math.rsqrt %add3A_24 : vector<512x1xf32>
    %mul3A = vector.broadcast %rsqrt3A : vector<512x1xf32> to vector<512x128xf32>
    %mul3A_25 = arith.mulf %sub3A_21, %mul3A : vector<512x128xf32>
    %get3A_26 = arith.constant 0 : index
    %get3A_27 = arith.constant 0 : index
    %get3A_28 = vector.load %arg8[%get3A_26, %get3A_27] : memref<1x128xf32, #tpu.memory_space<vmem>>, vector<1x128xf32>
    %mul3A_29 = vector.broadcast %get3A_28 : vector<1x128xf32> to vector<512x128xf32>
    %mul3A_30 = arith.mulf %mul3A_25, %mul3A_29 : vector<512x128xf32>
    %get3A_31 = arith.constant 0 : index
    %get3A_32 = arith.constant 0 : index
    %get3A_33 = vector.load %arg9[%get3A_31, %get3A_32] : memref<1x128xf32, #tpu.memory_space<vmem>>, vector<1x128xf32>
    %add3A_34 = vector.broadcast %get3A_33 : vector<1x128xf32> to vector<512x128xf32>
    %add3A_35 = arith.addf %mul3A_30, %add3A_34 : vector<512x128xf32>
    %logistic3A = arith.negf %add3A_35 : vector<512x128xf32>
    %logistic3A_36 = math.exp %logistic3A : vector<512x128xf32>
    %logistic3A_37 = arith.constant 1.000000e+00 : f32
    %logistic3A_38 = vector.broadcast %logistic3A_37 : f32 to vector<512x128xf32>
    %logistic3A_39 = arith.addf %logistic3A_38, %logistic3A_36 : vector<512x128xf32>
    %logistic3A_40 = arith.divf %logistic3A_38, %logistic3A_39 : vector<512x128xf32>
    %mul3A_41 = arith.mulf %add3A_35, %logistic3A_40 : vector<512x128xf32>
    %get3A_42 = arith.constant 0 : index
    %get3A_43 = arith.constant 0 : index
    %get3A_44 = vector.load %arg10[%get3A_42, %get3A_43] : memref<128x128xf32, #tpu.memory_space<vmem>>, vector<128x128xf32>
    %dot_general3A_45 = arith.constant dense<0.000000e+00> : vector<512x128xf32>
    %dot_general3A_46 = tpu.matmul %mul3A_41, %get3A_44, %dot_general3A_45 {dimension_numbers = #tpu.dot_dimension_numbers<[1], [0], [0], [1], [0, 0, 1, 1], [], []>, transpose_lhs_hint = false} : vector<512x128xf32>, vector<128x128xf32>, vector<512x128xf32> -> vector<512x128xf32>
    %get3A_47 = arith.constant 0 : index
    %get3A_48 = arith.constant 0 : index
    %get3A_49 = vector.load %arg11[%get3A_47, %get3A_48] : memref<1x128xf32, #tpu.memory_space<vmem>>, vector<1x128xf32>
    %add3A_50 = vector.broadcast %get3A_49 : vector<1x128xf32> to vector<512x128xf32>
    %add3A_51 = arith.addf %dot_general3A_46, %add3A_50 : vector<512x128xf32>
    %iota3A = tpu.iota {dimensions = array<i32: 1>} : vector<512x64xi32>
    %broadcast_in_dim3A_52 = arith.constant 0.000000e+00 : f32
    %broadcast_in_dim3A_53 = vector.broadcast %broadcast_in_dim3A_52 : f32 to vector<512x64xf32>
    %get3A_54 = arith.constant 0 : index
    %get3A_55 = arith.constant 0 : index
    %get3A_56 = vector.load %arg4[%get3A_54, %get3A_55] : memref<8x512xi32, #tpu.memory_space<vmem>>, vector<1x512xi32>
    %get3A_57 = vector.shape_cast %get3A_56 : vector<1x512xi32> to vector<512xi32>
    %jit3A = arith.constant 0 : i32
    %jit3A_58 = arith.constant 2 : i32
    %max3A = vector.broadcast %jit3A : i32 to vector<512xi32>
    %max3A_59 = arith.maxsi %max3A, %get3A_57 : vector<512xi32>
    %min3A = vector.broadcast %jit3A_58 : i32 to vector<512xi32>
    %min3A_60 = arith.minsi %min3A, %max3A_59 : vector<512xi32>
    %reshape3A = vector.shape_cast %min3A_60 : vector<512xi32> to vector<512x1xi32>
    %add3A_61 = arith.constant 0 : i32
    %add3A_62 = vector.broadcast %add3A_61 : i32 to vector<512x1xi32>
    %add3A_63 = arith.addi %reshape3A, %add3A_62 : vector<512x1xi32>
    %eq3A = vector.broadcast %add3A_63 : vector<512x1xi32> to vector<512x64xi32>
    %eq3A_64 = arith.cmpi eq, %iota3A, %eq3A : vector<512x64xi32>
    %convert_element_type3A = arith.extui %eq3A_64 : vector<512x64xi1> to vector<512x64xi32>
    %convert_element_type3A_65 = arith.sitofp %convert_element_type3A : vector<512x64xi32> to vector<512x64xf32>
    %add3A_66 = arith.addf %broadcast_in_dim3A_53, %convert_element_type3A_65 : vector<512x64xf32>
    %get3A_67 = arith.constant 1 : index
    %get3A_68 = arith.constant 0 : index
    %get3A_69 = vector.load %arg4[%get3A_67, %get3A_68] : memref<8x512xi32, #tpu.memory_space<vmem>>, vector<1x512xi32>
    %get3A_70 = vector.shape_cast %get3A_69 : vector<1x512xi32> to vector<512xi32>
    %jit3A_71 = arith.constant 0 : i32
    %jit3A_72 = arith.constant 3 : i32
    %max3A_73 = vector.broadcast %jit3A_71 : i32 to vector<512xi32>
    %max3A_74 = arith.maxsi %max3A_73, %get3A_70 : vector<512xi32>
    %min3A_75 = vector.broadcast %jit3A_72 : i32 to vector<512xi32>
    %min3A_76 = arith.minsi %min3A_75, %max3A_74 : vector<512xi32>
    %reshape3A_77 = vector.shape_cast %min3A_76 : vector<512xi32> to vector<512x1xi32>
    %add3A_78 = arith.constant 3 : i32
    %add3A_79 = vector.broadcast %add3A_78 : i32 to vector<512x1xi32>
    %add3A_80 = arith.addi %reshape3A_77, %add3A_79 : vector<512x1xi32>
    %eq3A_81 = vector.broadcast %add3A_80 : vector<512x1xi32> to vector<512x64xi32>
    %eq3A_82 = arith.cmpi eq, %iota3A, %eq3A_81 : vector<512x64xi32>
    %convert_element_type3A_83 = arith.extui %eq3A_82 : vector<512x64xi1> to vector<512x64xi32>
    %convert_element_type3A_84 = arith.sitofp %convert_element_type3A_83 : vector<512x64xi32> to vector<512x64xf32>
    %add3A_85 = arith.addf %add3A_66, %convert_element_type3A_84 : vector<512x64xf32>
    %get3A_86 = arith.constant 2 : index
    %get3A_87 = arith.constant 0 : index
    %get3A_88 = vector.load %arg4[%get3A_86, %get3A_87] : memref<8x512xi32, #tpu.memory_space<vmem>>, vector<1x512xi32>
    %get3A_89 = vector.shape_cast %get3A_88 : vector<1x512xi32> to vector<512xi32>
    %jit3A_90 = arith.constant 0 : i32
    %jit3A_91 = arith.constant 4 : i32
    %max3A_92 = vector.broadcast %jit3A_90 : i32 to vector<512xi32>
    %max3A_93 = arith.maxsi %max3A_92, %get3A_89 : vector<512xi32>
    %min3A_94 = vector.broadcast %jit3A_91 : i32 to vector<512xi32>
    %min3A_95 = arith.minsi %min3A_94, %max3A_93 : vector<512xi32>
    %reshape3A_96 = vector.shape_cast %min3A_95 : vector<512xi32> to vector<512x1xi32>
    %add3A_97 = arith.constant 7 : i32
    %add3A_98 = vector.broadcast %add3A_97 : i32 to vector<512x1xi32>
    %add3A_99 = arith.addi %reshape3A_96, %add3A_98 : vector<512x1xi32>
    %eq3A_100 = vector.broadcast %add3A_99 : vector<512x1xi32> to vector<512x64xi32>
    %eq3A_101 = arith.cmpi eq, %iota3A, %eq3A_100 : vector<512x64xi32>
    %convert_element_type3A_102 = arith.extui %eq3A_101 : vector<512x64xi1> to vector<512x64xi32>
    %convert_element_type3A_103 = arith.sitofp %convert_element_type3A_102 : vector<512x64xi32> to vector<512x64xf32>
    %add3A_104 = arith.addf %add3A_85, %convert_element_type3A_103 : vector<512x64xf32>
    %get3A_105 = arith.constant 3 : index
    %get3A_106 = arith.constant 0 : index
    %get3A_107 = vector.load %arg4[%get3A_105, %get3A_106] : memref<8x512xi32, #tpu.memory_space<vmem>>, vector<1x512xi32>
    %get3A_108 = vector.shape_cast %get3A_107 : vector<1x512xi32> to vector<512xi32>
    %jit3A_109 = arith.constant 0 : i32
    %jit3A_110 = arith.constant 3 : i32
    %max3A_111 = vector.broadcast %jit3A_109 : i32 to vector<512xi32>
    %max3A_112 = arith.maxsi %max3A_111, %get3A_108 : vector<512xi32>
    %min3A_113 = vector.broadcast %jit3A_110 : i32 to vector<512xi32>
    %min3A_114 = arith.minsi %min3A_113, %max3A_112 : vector<512xi32>
    %reshape3A_115 = vector.shape_cast %min3A_114 : vector<512xi32> to vector<512x1xi32>
    %add3A_116 = arith.constant 12 : i32
    %add3A_117 = vector.broadcast %add3A_116 : i32 to vector<512x1xi32>
    %add3A_118 = arith.addi %reshape3A_115, %add3A_117 : vector<512x1xi32>
    %eq3A_119 = vector.broadcast %add3A_118 : vector<512x1xi32> to vector<512x64xi32>
    %eq3A_120 = arith.cmpi eq, %iota3A, %eq3A_119 : vector<512x64xi32>
    %convert_element_type3A_121 = arith.extui %eq3A_120 : vector<512x64xi1> to vector<512x64xi32>
    %convert_element_type3A_122 = arith.sitofp %convert_element_type3A_121 : vector<512x64xi32> to vector<512x64xf32>
    %add3A_123 = arith.addf %add3A_104, %convert_element_type3A_122 : vector<512x64xf32>
    %get3A_124 = arith.constant 4 : index
    %get3A_125 = arith.constant 0 : index
    %get3A_126 = vector.load %arg4[%get3A_124, %get3A_125] : memref<8x512xi32, #tpu.memory_space<vmem>>, vector<1x512xi32>
    %get3A_127 = vector.shape_cast %get3A_126 : vector<1x512xi32> to vector<512xi32>
    %jit3A_128 = arith.constant 0 : i32
    %jit3A_129 = arith.constant 3 : i32
    %max3A_130 = vector.broadcast %jit3A_128 : i32 to vector<512xi32>
    %max3A_131 = arith.maxsi %max3A_130, %get3A_127 : vector<512xi32>
    %min3A_132 = vector.broadcast %jit3A_129 : i32 to vector<512xi32>
    %min3A_133 = arith.minsi %min3A_132, %max3A_131 : vector<512xi32>
    %reshape3A_134 = vector.shape_cast %min3A_133 : vector<512xi32> to vector<512x1xi32>
    %add3A_135 = arith.constant 16 : i32
    %add3A_136 = vector.broadcast %add3A_135 : i32 to vector<512x1xi32>
    %add3A_137 = arith.addi %reshape3A_134, %add3A_136 : vector<512x1xi32>
    %eq3A_138 = vector.broadcast %add3A_137 : vector<512x1xi32> to vector<512x64xi32>
    %eq3A_139 = arith.cmpi eq, %iota3A, %eq3A_138 : vector<512x64xi32>
    %convert_element_type3A_140 = arith.extui %eq3A_139 : vector<512x64xi1> to vector<512x64xi32>
    %convert_element_type3A_141 = arith.sitofp %convert_element_type3A_140 : vector<512x64xi32> to vector<512x64xf32>
    %add3A_142 = arith.addf %add3A_123, %convert_element_type3A_141 : vector<512x64xf32>
    %get3A_143 = arith.constant 5 : index
    %get3A_144 = arith.constant 0 : index
    %get3A_145 = vector.load %arg4[%get3A_143, %get3A_144] : memref<8x512xi32, #tpu.memory_space<vmem>>, vector<1x512xi32>
    %get3A_146 = vector.shape_cast %get3A_145 : vector<1x512xi32> to vector<512xi32>
    %jit3A_147 = arith.constant 0 : i32
    %jit3A_148 = arith.constant 4 : i32
    %max3A_149 = vector.broadcast %jit3A_147 : i32 to vector<512xi32>
    %max3A_150 = arith.maxsi %max3A_149, %get3A_146 : vector<512xi32>
    %min3A_151 = vector.broadcast %jit3A_148 : i32 to vector<512xi32>
    %min3A_152 = arith.minsi %min3A_151, %max3A_150 : vector<512xi32>
    %reshape3A_153 = vector.shape_cast %min3A_152 : vector<512xi32> to vector<512x1xi32>
    %add3A_154 = arith.constant 20 : i32
    %add3A_155 = vector.broadcast %add3A_154 : i32 to vector<512x1xi32>
    %add3A_156 = arith.addi %reshape3A_153, %add3A_155 : vector<512x1xi32>
    %eq3A_157 = vector.broadcast %add3A_156 : vector<512x1xi32> to vector<512x64xi32>
    %eq3A_158 = arith.cmpi eq, %iota3A, %eq3A_157 : vector<512x64xi32>
    %convert_element_type3A_159 = arith.extui %eq3A_158 : vector<512x64xi1> to vector<512x64xi32>
    %convert_element_type3A_160 = arith.sitofp %convert_element_type3A_159 : vector<512x64xi32> to vector<512x64xf32>
    %add3A_161 = arith.addf %add3A_142, %convert_element_type3A_160 : vector<512x64xf32>
    %get3A_162 = arith.constant 6 : index
    %get3A_163 = arith.constant 0 : index
    %get3A_164 = vector.load %arg4[%get3A_162, %get3A_163] : memref<8x512xi32, #tpu.memory_space<vmem>>, vector<1x512xi32>
    %get3A_165 = vector.shape_cast %get3A_164 : vector<1x512xi32> to vector<512xi32>
    %jit3A_166 = arith.constant 0 : i32
    %jit3A_167 = arith.constant 8 : i32
    %max3A_168 = vector.broadcast %jit3A_166 : i32 to vector<512xi32>
    %max3A_169 = arith.maxsi %max3A_168, %get3A_165 : vector<512xi32>
    %min3A_170 = vector.broadcast %jit3A_167 : i32 to vector<512xi32>
    %min3A_171 = arith.minsi %min3A_170, %max3A_169 : vector<512xi32>
    %reshape3A_172 = vector.shape_cast %min3A_171 : vector<512xi32> to vector<512x1xi32>
    %add3A_173 = arith.constant 25 : i32
    %add3A_174 = vector.broadcast %add3A_173 : i32 to vector<512x1xi32>
    %add3A_175 = arith.addi %reshape3A_172, %add3A_174 : vector<512x1xi32>
    %eq3A_176 = vector.broadcast %add3A_175 : vector<512x1xi32> to vector<512x64xi32>
    %eq3A_177 = arith.cmpi eq, %iota3A, %eq3A_176 : vector<512x64xi32>
    %convert_element_type3A_178 = arith.extui %eq3A_177 : vector<512x64xi1> to vector<512x64xi32>
    %convert_element_type3A_179 = arith.sitofp %convert_element_type3A_178 : vector<512x64xi32> to vector<512x64xf32>
    %add3A_180 = arith.addf %add3A_161, %convert_element_type3A_179 : vector<512x64xf32>
    %get3A_181 = arith.constant 7 : index
    %get3A_182 = arith.constant 0 : index
    %get3A_183 = vector.load %arg4[%get3A_181, %get3A_182] : memref<8x512xi32, #tpu.memory_space<vmem>>, vector<1x512xi32>
    %get3A_184 = vector.shape_cast %get3A_183 : vector<1x512xi32> to vector<512xi32>
    %jit3A_185 = arith.constant 0 : i32
    %jit3A_186 = arith.constant 24 : i32
    %max3A_187 = vector.broadcast %jit3A_185 : i32 to vector<512xi32>
    %max3A_188 = arith.maxsi %max3A_187, %get3A_184 : vector<512xi32>
    %min3A_189 = vector.broadcast %jit3A_186 : i32 to vector<512xi32>
    %min3A_190 = arith.minsi %min3A_189, %max3A_188 : vector<512xi32>
    %reshape3A_191 = vector.shape_cast %min3A_190 : vector<512xi32> to vector<512x1xi32>
    %add3A_192 = arith.constant 34 : i32
    %add3A_193 = vector.broadcast %add3A_192 : i32 to vector<512x1xi32>
    %add3A_194 = arith.addi %reshape3A_191, %add3A_193 : vector<512x1xi32>
    %eq3A_195 = vector.broadcast %add3A_194 : vector<512x1xi32> to vector<512x64xi32>
    %eq3A_196 = arith.cmpi eq, %iota3A, %eq3A_195 : vector<512x64xi32>
    %convert_element_type3A_197 = arith.extui %eq3A_196 : vector<512x64xi1> to vector<512x64xi32>
    %convert_element_type3A_198 = arith.sitofp %convert_element_type3A_197 : vector<512x64xi32> to vector<512x64xf32>
    %add3A_199 = arith.addf %add3A_180, %convert_element_type3A_198 : vector<512x64xf32>
    %get3A_200 = arith.constant 0 : index
    %get3A_201 = arith.constant 0 : index
    %get3A_202 = vector.load %arg12[%get3A_200, %get3A_201] : memref<64x80xf32, #tpu.memory_space<vmem>>, vector<64x80xf32>
    %get3A_203 = arith.constant 0 : index
    %get3A_204 = arith.constant 0 : index
    %get3A_205 = vector.load %arg16[%get3A_203, %get3A_204] : memref<80x256xf32, #tpu.memory_space<vmem>>, vector<80x256xf32>
    %dot_general3A_206 = arith.constant dense<0.000000e+00> : vector<64x256xf32>
    %dot_general3A_207 = tpu.matmul %get3A_202, %get3A_205, %dot_general3A_206 {dimension_numbers = #tpu.dot_dimension_numbers<[1], [0], [0], [1], [0, 0, 1, 1], [], []>, transpose_lhs_hint = false} : vector<64x80xf32>, vector<80x256xf32>, vector<64x256xf32> -> vector<64x256xf32>
    %get3A_208 = arith.constant 0 : index
    %get3A_209 = arith.constant 0 : index
    %get3A_210 = vector.load %arg1[%get3A_208, %get3A_209] : memref<512x64xf32, #tpu.memory_space<vmem>>, vector<512x64xf32>
    %get3A_211 = arith.constant 0 : index
    %get3A_212 = arith.constant 0 : index
    %get3A_213 = vector.load %arg13[%get3A_211, %get3A_212] : memref<64x256xf32, #tpu.memory_space<vmem>>, vector<64x256xf32>
    %dot_general3A_214 = arith.constant dense<0.000000e+00> : vector<512x256xf32>
    %dot_general3A_215 = tpu.matmul %get3A_210, %get3A_213, %dot_general3A_214 {dimension_numbers = #tpu.dot_dimension_numbers<[1], [0], [0], [1], [0, 0, 1, 1], [], []>, transpose_lhs_hint = false} : vector<512x64xf32>, vector<64x256xf32>, vector<512x256xf32> -> vector<512x256xf32>
    %get3A_216 = arith.constant 0 : index
    %get3A_217 = arith.constant 0 : index
    %get3A_218 = vector.load %arg2[%get3A_216, %get3A_217] : memref<512x64xf32, #tpu.memory_space<vmem>>, vector<512x64xf32>
    %get3A_219 = arith.constant 0 : index
    %get3A_220 = arith.constant 0 : index
    %get3A_221 = vector.load %arg14[%get3A_219, %get3A_220] : memref<64x256xf32, #tpu.memory_space<vmem>>, vector<64x256xf32>
    %dot_general3A_222 = arith.constant dense<0.000000e+00> : vector<512x256xf32>
    %dot_general3A_223 = tpu.matmul %get3A_218, %get3A_221, %dot_general3A_222 {dimension_numbers = #tpu.dot_dimension_numbers<[1], [0], [0], [1], [0, 0, 1, 1], [], []>, transpose_lhs_hint = false} : vector<512x64xf32>, vector<64x256xf32>, vector<512x256xf32> -> vector<512x256xf32>
    %add3A_224 = arith.addf %dot_general3A_215, %dot_general3A_223 : vector<512x256xf32>
    %get3A_225 = arith.constant 0 : index
    %get3A_226 = arith.constant 0 : index
    %get3A_227 = arith.constant 0 : index
    %get3A_228 = vector.load %arg3[%get3A_225, %get3A_226, %get3A_227] : memref<8x512x32xf32, #tpu.memory_space<vmem>>, vector<8x512x32xf32>
    %get3A_229 = arith.constant 0 : index
    %get3A_230 = arith.constant 0 : index
    %get3A_231 = arith.constant 0 : index
    %get3A_232 = vector.load %arg15[%get3A_229, %get3A_230, %get3A_231] : memref<8x32x256xf32, #tpu.memory_space<vmem>>, vector<8x32x256xf32>
    %slice3A = vector.extract_strided_slice %get3A_228 {offsets = [0, 0, 0], sizes = [1, 512, 32], strides = [1, 1, 1]} : vector<8x512x32xf32> to vector<1x512x32xf32>
    %squeeze3A = vector.shape_cast %slice3A : vector<1x512x32xf32> to vector<512x32xf32>
    %slice3A_233 = vector.extract_strided_slice %get3A_232 {offsets = [0, 0, 0], sizes = [1, 32, 256], strides = [1, 1, 1]} : vector<8x32x256xf32> to vector<1x32x256xf32>
    %squeeze3A_234 = vector.shape_cast %slice3A_233 : vector<1x32x256xf32> to vector<32x256xf32>
    %dot_general3A_235 = arith.constant dense<0.000000e+00> : vector<512x256xf32>
    %dot_general3A_236 = tpu.matmul %squeeze3A, %squeeze3A_234, %dot_general3A_235 {dimension_numbers = #tpu.dot_dimension_numbers<[1], [0], [0], [1], [0, 0, 1, 1], [], []>, transpose_lhs_hint = false} : vector<512x32xf32>, vector<32x256xf32>, vector<512x256xf32> -> vector<512x256xf32>
    %add3A_237 = arith.addf %add3A_224, %dot_general3A_236 : vector<512x256xf32>
    %slice3A_238 = vector.extract_strided_slice %get3A_228 {offsets = [1, 0, 0], sizes = [1, 512, 32], strides = [1, 1, 1]} : vector<8x512x32xf32> to vector<1x512x32xf32>
    %squeeze3A_239 = vector.shape_cast %slice3A_238 : vector<1x512x32xf32> to vector<512x32xf32>
    %slice3A_240 = vector.extract_strided_slice %get3A_232 {offsets = [1, 0, 0], sizes = [1, 32, 256], strides = [1, 1, 1]} : vector<8x32x256xf32> to vector<1x32x256xf32>
    %squeeze3A_241 = vector.shape_cast %slice3A_240 : vector<1x32x256xf32> to vector<32x256xf32>
    %dot_general3A_242 = arith.constant dense<0.000000e+00> : vector<512x256xf32>
    %dot_general3A_243 = tpu.matmul %squeeze3A_239, %squeeze3A_241, %dot_general3A_242 {dimension_numbers = #tpu.dot_dimension_numbers<[1], [0], [0], [1], [0, 0, 1, 1], [], []>, transpose_lhs_hint = false} : vector<512x32xf32>, vector<32x256xf32>, vector<512x256xf32> -> vector<512x256xf32>
    %add3A_244 = arith.addf %add3A_237, %dot_general3A_243 : vector<512x256xf32>
    %slice3A_245 = vector.extract_strided_slice %get3A_228 {offsets = [2, 0, 0], sizes = [1, 512, 32], strides = [1, 1, 1]} : vector<8x512x32xf32> to vector<1x512x32xf32>
    %squeeze3A_246 = vector.shape_cast %slice3A_245 : vector<1x512x32xf32> to vector<512x32xf32>
    %slice3A_247 = vector.extract_strided_slice %get3A_232 {offsets = [2, 0, 0], sizes = [1, 32, 256], strides = [1, 1, 1]} : vector<8x32x256xf32> to vector<1x32x256xf32>
    %squeeze3A_248 = vector.shape_cast %slice3A_247 : vector<1x32x256xf32> to vector<32x256xf32>
    %dot_general3A_249 = arith.constant dense<0.000000e+00> : vector<512x256xf32>
    %dot_general3A_250 = tpu.matmul %squeeze3A_246, %squeeze3A_248, %dot_general3A_249 {dimension_numbers = #tpu.dot_dimension_numbers<[1], [0], [0], [1], [0, 0, 1, 1], [], []>, transpose_lhs_hint = false} : vector<512x32xf32>, vector<32x256xf32>, vector<512x256xf32> -> vector<512x256xf32>
    %add3A_251 = arith.addf %add3A_244, %dot_general3A_250 : vector<512x256xf32>
    %slice3A_252 = vector.extract_strided_slice %get3A_228 {offsets = [3, 0, 0], sizes = [1, 512, 32], strides = [1, 1, 1]} : vector<8x512x32xf32> to vector<1x512x32xf32>
    %squeeze3A_253 = vector.shape_cast %slice3A_252 : vector<1x512x32xf32> to vector<512x32xf32>
    %slice3A_254 = vector.extract_strided_slice %get3A_232 {offsets = [3, 0, 0], sizes = [1, 32, 256], strides = [1, 1, 1]} : vector<8x32x256xf32> to vector<1x32x256xf32>
    %squeeze3A_255 = vector.shape_cast %slice3A_254 : vector<1x32x256xf32> to vector<32x256xf32>
    %dot_general3A_256 = arith.constant dense<0.000000e+00> : vector<512x256xf32>
    %dot_general3A_257 = tpu.matmul %squeeze3A_253, %squeeze3A_255, %dot_general3A_256 {dimension_numbers = #tpu.dot_dimension_numbers<[1], [0], [0], [1], [0, 0, 1, 1], [], []>, transpose_lhs_hint = false} : vector<512x32xf32>, vector<32x256xf32>, vector<512x256xf32> -> vector<512x256xf32>
    %add3A_258 = arith.addf %add3A_251, %dot_general3A_257 : vector<512x256xf32>
    %slice3A_259 = vector.extract_strided_slice %get3A_228 {offsets = [4, 0, 0], sizes = [1, 512, 32], strides = [1, 1, 1]} : vector<8x512x32xf32> to vector<1x512x32xf32>
    %squeeze3A_260 = vector.shape_cast %slice3A_259 : vector<1x512x32xf32> to vector<512x32xf32>
    %slice3A_261 = vector.extract_strided_slice %get3A_232 {offsets = [4, 0, 0], sizes = [1, 32, 256], strides = [1, 1, 1]} : vector<8x32x256xf32> to vector<1x32x256xf32>
    %squeeze3A_262 = vector.shape_cast %slice3A_261 : vector<1x32x256xf32> to vector<32x256xf32>
    %dot_general3A_263 = arith.constant dense<0.000000e+00> : vector<512x256xf32>
    %dot_general3A_264 = tpu.matmul %squeeze3A_260, %squeeze3A_262, %dot_general3A_263 {dimension_numbers = #tpu.dot_dimension_numbers<[1], [0], [0], [1], [0, 0, 1, 1], [], []>, transpose_lhs_hint = false} : vector<512x32xf32>, vector<32x256xf32>, vector<512x256xf32> -> vector<512x256xf32>
    %add3A_265 = arith.addf %add3A_258, %dot_general3A_264 : vector<512x256xf32>
    %slice3A_266 = vector.extract_strided_slice %get3A_228 {offsets = [5, 0, 0], sizes = [1, 512, 32], strides = [1, 1, 1]} : vector<8x512x32xf32> to vector<1x512x32xf32>
    %squeeze3A_267 = vector.shape_cast %slice3A_266 : vector<1x512x32xf32> to vector<512x32xf32>
    %slice3A_268 = vector.extract_strided_slice %get3A_232 {offsets = [5, 0, 0], sizes = [1, 32, 256], strides = [1, 1, 1]} : vector<8x32x256xf32> to vector<1x32x256xf32>
    %squeeze3A_269 = vector.shape_cast %slice3A_268 : vector<1x32x256xf32> to vector<32x256xf32>
    %dot_general3A_270 = arith.constant dense<0.000000e+00> : vector<512x256xf32>
    %dot_general3A_271 = tpu.matmul %squeeze3A_267, %squeeze3A_269, %dot_general3A_270 {dimension_numbers = #tpu.dot_dimension_numbers<[1], [0], [0], [1], [0, 0, 1, 1], [], []>, transpose_lhs_hint = false} : vector<512x32xf32>, vector<32x256xf32>, vector<512x256xf32> -> vector<512x256xf32>
    %add3A_272 = arith.addf %add3A_265, %dot_general3A_271 : vector<512x256xf32>
    %slice3A_273 = vector.extract_strided_slice %get3A_228 {offsets = [6, 0, 0], sizes = [1, 512, 32], strides = [1, 1, 1]} : vector<8x512x32xf32> to vector<1x512x32xf32>
    %squeeze3A_274 = vector.shape_cast %slice3A_273 : vector<1x512x32xf32> to vector<512x32xf32>
    %slice3A_275 = vector.extract_strided_slice %get3A_232 {offsets = [6, 0, 0], sizes = [1, 32, 256], strides = [1, 1, 1]} : vector<8x32x256xf32> to vector<1x32x256xf32>
    %squeeze3A_276 = vector.shape_cast %slice3A_275 : vector<1x32x256xf32> to vector<32x256xf32>
    %dot_general3A_277 = arith.constant dense<0.000000e+00> : vector<512x256xf32>
    %dot_general3A_278 = tpu.matmul %squeeze3A_274, %squeeze3A_276, %dot_general3A_277 {dimension_numbers = #tpu.dot_dimension_numbers<[1], [0], [0], [1], [0, 0, 1, 1], [], []>, transpose_lhs_hint = false} : vector<512x32xf32>, vector<32x256xf32>, vector<512x256xf32> -> vector<512x256xf32>
    %add3A_279 = arith.addf %add3A_272, %dot_general3A_278 : vector<512x256xf32>
    %slice3A_280 = vector.extract_strided_slice %get3A_228 {offsets = [7, 0, 0], sizes = [1, 512, 32], strides = [1, 1, 1]} : vector<8x512x32xf32> to vector<1x512x32xf32>
    %squeeze3A_281 = vector.shape_cast %slice3A_280 : vector<1x512x32xf32> to vector<512x32xf32>
    %slice3A_282 = vector.extract_strided_slice %get3A_232 {offsets = [7, 0, 0], sizes = [1, 32, 256], strides = [1, 1, 1]} : vector<8x32x256xf32> to vector<1x32x256xf32>
    %squeeze3A_283 = vector.shape_cast %slice3A_282 : vector<1x32x256xf32> to vector<32x256xf32>
    %dot_general3A_284 = arith.constant dense<0.000000e+00> : vector<512x256xf32>
    %dot_general3A_285 = tpu.matmul %squeeze3A_281, %squeeze3A_283, %dot_general3A_284 {dimension_numbers = #tpu.dot_dimension_numbers<[1], [0], [0], [1], [0, 0, 1, 1], [], []>, transpose_lhs_hint = false} : vector<512x32xf32>, vector<32x256xf32>, vector<512x256xf32> -> vector<512x256xf32>
    %add3A_286 = arith.addf %add3A_279, %dot_general3A_285 : vector<512x256xf32>
    %dot_general3A_287 = arith.constant dense<0.000000e+00> : vector<512x256xf32>
    %dot_general3A_288 = tpu.matmul %add3A_199, %dot_general3A_207, %dot_general3A_287 {dimension_numbers = #tpu.dot_dimension_numbers<[1], [0], [0], [1], [0, 0, 1, 1], [], []>, transpose_lhs_hint = false} : vector<512x64xf32>, vector<64x256xf32>, vector<512x256xf32> -> vector<512x256xf32>
    %add3A_289 = arith.addf %add3A_286, %dot_general3A_288 : vector<512x256xf32>
    %get3A_290 = arith.constant 0 : index
    %get3A_291 = arith.constant 0 : index
    %get3A_292 = vector.load %arg17[%get3A_290, %get3A_291] : memref<128x256xf32, #tpu.memory_space<vmem>>, vector<128x256xf32>
    %dot_general3A_293 = arith.constant dense<0.000000e+00> : vector<512x256xf32>
    %dot_general3A_294 = tpu.matmul %add3A_51, %get3A_292, %dot_general3A_293 {dimension_numbers = #tpu.dot_dimension_numbers<[1], [0], [0], [1], [0, 0, 1, 1], [], []>, transpose_lhs_hint = false} : vector<512x128xf32>, vector<128x256xf32>, vector<512x256xf32> -> vector<512x256xf32>
    %add3A_295 = arith.addf %add3A_289, %dot_general3A_294 : vector<512x256xf32>
    %get3A_296 = arith.constant 0 : index
    %get3A_297 = arith.constant 0 : index
    %get3A_298 = vector.load %arg18[%get3A_296, %get3A_297] : memref<1x256xf32, #tpu.memory_space<vmem>>, vector<1x256xf32>
    %add3A_299 = vector.broadcast %get3A_298 : vector<1x256xf32> to vector<512x256xf32>
    %add3A_300 = arith.addf %add3A_295, %add3A_299 : vector<512x256xf32>
    %reduce_sum3A_301 = arith.constant dense<0.000000e+00> : vector<512xf32>
    %reduce_sum3A_302 = vector.multi_reduction <add>, %add3A_300, %reduce_sum3A_301 [1] : vector<512x256xf32> to vector<512xf32>
    %broadcast_in_dim3A_303 = vector.shape_cast %reduce_sum3A_302 : vector<512xf32> to vector<512x1xf32>
    %div3A_304 = arith.constant 2.560000e+02 : f32
    %div3A_305 = vector.broadcast %div3A_304 : f32 to vector<512x1xf32>
    %div3A_306 = arith.divf %broadcast_in_dim3A_303, %div3A_305 : vector<512x1xf32>
    %sub3A_307 = vector.broadcast %div3A_306 : vector<512x1xf32> to vector<512x256xf32>
    %sub3A_308 = arith.subf %add3A_300, %sub3A_307 : vector<512x256xf32>
    %integer_pow3A_309 = arith.mulf %sub3A_308, %sub3A_308 : vector<512x256xf32>
    %reduce_sum3A_310 = arith.constant dense<0.000000e+00> : vector<512xf32>
    %reduce_sum3A_311 = vector.multi_reduction <add>, %integer_pow3A_309, %reduce_sum3A_310 [1] : vector<512x256xf32> to vector<512xf32>
    %broadcast_in_dim3A_312 = vector.shape_cast %reduce_sum3A_311 : vector<512xf32> to vector<512x1xf32>
    %div3A_313 = arith.constant 2.560000e+02 : f32
    %div3A_314 = vector.broadcast %div3A_313 : f32 to vector<512x1xf32>
    %div3A_315 = arith.divf %broadcast_in_dim3A_312, %div3A_314 : vector<512x1xf32>
    %sub3A_316 = vector.broadcast %div3A_306 : vector<512x1xf32> to vector<512x256xf32>
    %sub3A_317 = arith.subf %add3A_300, %sub3A_316 : vector<512x256xf32>
    %add3A_318 = arith.constant 9.99999974E-6 : f32
    %add3A_319 = vector.broadcast %add3A_318 : f32 to vector<512x1xf32>
    %add3A_320 = arith.addf %div3A_315, %add3A_319 : vector<512x1xf32>
    %rsqrt3A_321 = math.rsqrt %add3A_320 : vector<512x1xf32>
    %mul3A_322 = vector.broadcast %rsqrt3A_321 : vector<512x1xf32> to vector<512x256xf32>
    %mul3A_323 = arith.mulf %sub3A_317, %mul3A_322 : vector<512x256xf32>
    %get3A_324 = arith.constant 0 : index
    %get3A_325 = arith.constant 0 : index
    %get3A_326 = vector.load %arg19[%get3A_324, %get3A_325] : memref<1x256xf32, #tpu.memory_space<vmem>>, vector<1x256xf32>
    %mul3A_327 = vector.broadcast %get3A_326 : vector<1x256xf32> to vector<512x256xf32>
    %mul3A_328 = arith.mulf %mul3A_323, %mul3A_327 : vector<512x256xf32>
    %get3A_329 = arith.constant 0 : index
    %get3A_330 = arith.constant 0 : index
    %get3A_331 = vector.load %arg20[%get3A_329, %get3A_330] : memref<1x256xf32, #tpu.memory_space<vmem>>, vector<1x256xf32>
    %add3A_332 = vector.broadcast %get3A_331 : vector<1x256xf32> to vector<512x256xf32>
    %add3A_333 = arith.addf %mul3A_328, %add3A_332 : vector<512x256xf32>
    %swap3A = arith.constant 0 : index
    %swap3A_334 = arith.constant 0 : index
    %swap3A_335 = vector.load %arg21[%swap3A, %swap3A_334] : memref<512x256xf32, #tpu.memory_space<vmem>>, vector<512x256xf32>
    tpu.vector_store %arg21[%swap3A, %swap3A_334], %add3A_333 {strides = array<i32>} : memref<512x256xf32, #tpu.memory_space<vmem>>, vector<512x256xf32>,
    return
  }
  func.func @transform_0(%arg0: i32) -> (i32, i32) {
    %c0_i32 = arith.constant 0 : i32
    %c0_i32_0 = arith.constant 0 : i32
    return %arg0, %c0_i32 : i32, i32
  }
  func.func @transform_1(%arg0: i32) -> (i32, i32) {
    %c0_i32 = arith.constant 0 : i32
    %c0_i32_0 = arith.constant 0 : i32
    return %arg0, %c0_i32 : i32, i32
  }
  func.func @transform_2(%arg0: i32) -> (i32, i32, i32) {
    %c0_i32 = arith.constant 0 : i32
    %c0_i32_0 = arith.constant 0 : i32
    %c0_i32_1 = arith.constant 0 : i32
    return %c0_i32, %arg0, %c0_i32_0 : i32, i32, i32
  }
  func.func @transform_3(%arg0: i32) -> (i32, i32) {
    %c0_i32 = arith.constant 0 : i32
    %c0_i32_0 = arith.constant 0 : i32
    return %c0_i32, %arg0 : i32, i32
  }
  func.func @transform_4(%arg0: i32) -> (i32, i32) {
    %c0_i32 = arith.constant 0 : i32
    %c0_i32_0 = arith.constant 0 : i32
    return %arg0, %c0_i32 : i32, i32
  }
  func.func @transform_5(%arg0: i32) -> (i32, i32) {
    %c0_i32 = arith.constant 0 : i32
    %c0_i32_0 = arith.constant 0 : i32
    %c0_i32_1 = arith.constant 0 : i32
    return %c0_i32, %c0_i32_0 : i32, i32
  }
  func.func @transform_6(%arg0: i32) -> (i32, i32) {
    %c0_i32 = arith.constant 0 : i32
    %c0_i32_0 = arith.constant 0 : i32
    %c0_i32_1 = arith.constant 0 : i32
    return %c0_i32, %c0_i32_0 : i32, i32
  }
  func.func @transform_7(%arg0: i32) -> (i32, i32) {
    %c0_i32 = arith.constant 0 : i32
    %c0_i32_0 = arith.constant 0 : i32
    %c0_i32_1 = arith.constant 0 : i32
    return %c0_i32, %c0_i32_0 : i32, i32
  }
  func.func @transform_8(%arg0: i32) -> (i32, i32) {
    %c0_i32 = arith.constant 0 : i32
    %c0_i32_0 = arith.constant 0 : i32
    %c0_i32_1 = arith.constant 0 : i32
    return %c0_i32, %c0_i32_0 : i32, i32
  }
  func.func @transform_9(%arg0: i32) -> (i32, i32) {
    %c0_i32 = arith.constant 0 : i32
    %c0_i32_0 = arith.constant 0 : i32
    %c0_i32_1 = arith.constant 0 : i32
    return %c0_i32, %c0_i32_0 : i32, i32
  }
  func.func @transform_10(%arg0: i32) -> (i32, i32) {
    %c0_i32 = arith.constant 0 : i32
    %c0_i32_0 = arith.constant 0 : i32
    %c0_i32_1 = arith.constant 0 : i32
    return %c0_i32, %c0_i32_0 : i32, i32
  }
  func.func @transform_11(%arg0: i32) -> (i32, i32) {
    %c0_i32 = arith.constant 0 : i32
    %c0_i32_0 = arith.constant 0 : i32
    %c0_i32_1 = arith.constant 0 : i32
    return %c0_i32, %c0_i32_0 : i32, i32
  }
  func.func @transform_12(%arg0: i32) -> (i32, i32) {
    %c0_i32 = arith.constant 0 : i32
    %c0_i32_0 = arith.constant 0 : i32
    %c0_i32_1 = arith.constant 0 : i32
    return %c0_i32, %c0_i32_0 : i32, i32
  }
  func.func @transform_13(%arg0: i32) -> (i32, i32) {
    %c0_i32 = arith.constant 0 : i32
    %c0_i32_0 = arith.constant 0 : i32
    %c0_i32_1 = arith.constant 0 : i32
    return %c0_i32, %c0_i32_0 : i32, i32
  }
  func.func @transform_14(%arg0: i32) -> (i32, i32, i32) {
    %c0_i32 = arith.constant 0 : i32
    %c0_i32_0 = arith.constant 0 : i32
    %c0_i32_1 = arith.constant 0 : i32
    %c0_i32_2 = arith.constant 0 : i32
    return %c0_i32, %c0_i32_0, %c0_i32_1 : i32, i32, i32
  }
  func.func @transform_15(%arg0: i32) -> (i32, i32) {
    %c0_i32 = arith.constant 0 : i32
    %c0_i32_0 = arith.constant 0 : i32
    %c0_i32_1 = arith.constant 0 : i32
    return %c0_i32, %c0_i32_0 : i32, i32
  }
  func.func @transform_16(%arg0: i32) -> (i32, i32) {
    %c0_i32 = arith.constant 0 : i32
    %c0_i32_0 = arith.constant 0 : i32
    %c0_i32_1 = arith.constant 0 : i32
    return %c0_i32, %c0_i32_0 : i32, i32
  }
  func.func @transform_17(%arg0: i32) -> (i32, i32) {
    %c0_i32 = arith.constant 0 : i32
    %c0_i32_0 = arith.constant 0 : i32
    %c0_i32_1 = arith.constant 0 : i32
    return %c0_i32, %c0_i32_0 : i32, i32
  }
  func.func @transform_18(%arg0: i32) -> (i32, i32) {
    %c0_i32 = arith.constant 0 : i32
    %c0_i32_0 = arith.constant 0 : i32
    %c0_i32_1 = arith.constant 0 : i32
    return %c0_i32, %c0_i32_0 : i32, i32
  }
  func.func @transform_19(%arg0: i32) -> (i32, i32) {
    %c0_i32 = arith.constant 0 : i32
    %c0_i32_0 = arith.constant 0 : i32
    %c0_i32_1 = arith.constant 0 : i32
    return %c0_i32, %c0_i32_0 : i32, i32
  }
  func.func @transform_20(%arg0: i32) -> (i32, i32) {
    %c0_i32 = arith.constant 0 : i32
    %c0_i32_0 = arith.constant 0 : i32
    return %arg0, %c0_i32 : i32, i32
  }
}

</mosaic_0001>

<sc_bundles>
// kernel: kernel.6.cloned.1.call-start
scs
__scs_entry_jumppad:
0x0: {  	(pc) =	sbr.rel $0x88, $3  }
0x1: {  	(tag) =	ssettag $0x0;
	lr =	simm.s32 $0x1  }
0x2: {  	[smem:$0x3F70] =	sst lr;
	_ =	strace $0xD0000000  }
0x3: {  	_ = 	snop  }
0x4: {  	_ = 	snop  }
0x5: {  	_ = 	snop  }
0x6: {  	_ = 	snop  }
0x7: {  	_ = 	snop  }
__scs_overlays_trampoline_lowered:
0x8: {  	[smem:$0x3F7F] =	sst s0  }
0x9: {  	[smem:$0x3F80] =	sst s1  }
0xa: {  	[smem:$0x3F81] =	sst s2  }
0xb: {  	[smem:$0x3F82] =	sst s3  }
0xc: {  	[smem:$0x3F83] =	sst s4  }
0xd: {  	[smem:$0x3F84] =	sst s5  }
0xe: {  	[smem:$0x3F85] =	sst s6  }
0xf: {  	[smem:$0x3F86] =	sst s7  }
0x10: {  	[smem:$0x3F87] =	sst s8  }
0x11: {  	[smem:$0x3F88] =	sst s9;
	s0 =	simm.s32 @!p0 $0x0  }
0x12: {  	s1 =	sld [smem:$0x3F6E];
	s0 =	simm.s32 @p0 $0x1  }
0x13: {  	[smem:$0x3F89] =	sst s0;
	s0 =	simm.s32 @!p1 $0x0  }
0x14: {  	s2 =	sld [smem:$0x3F6D];
	s0 =	simm.s32 @p1 $0x1  }
0x15: {  	[smem:$0x3F8A] =	sst s0;
	s0 =	simm.s32 @!p2 $0x0  }
0x16: {  	s3 =	sld [smem:$0x3FDB];
	s0 =	simm.s32 @p2 $0x1  }
0x17: {  	s4 =	simm.s32 $0x1BF5;
	[smem:$0x3F8C] =	sst s0  }
0x18: {  	s0 =	sld [smem:$0x3F6F];
	_ =	swait.ge [sflag:s4], $0x0  }
0x19: {  	s7 =	sld [smem:$0x3F70]  }
0x1a: {  	s8 =	sadd.s32 $0xFFFFE003, lr  }
0x1b: {  	s9 =	sadd.s32 $0xFFFFFEF7, lr;
	s5 =	simm.s32 $0xFFFFFFFF;
	p2 =	slt.u32 s8, $0xFFFFF086  }
0x1c: {  	p1 =	slt.u32 s9, $0xF7A;
	s5 =	simm.s32 @!p2 $0x0  }
0x1d: {  	s5 =	simm.s32 @p1 $0x1;
	p0 =	seq.s32 s7, s2  }
0x1e: {  	s7 =	smul.u32 @!p0 $0xF7A, s2;
	p2 =	seq.s32 @!p0 s5, $0x0  }
0x1f: {  	s9 =	smul.u32 $0xF7A, s1;
	s8 =	simm.s32 @!p0 $0x1BF5;
	p2 =	por !p2, p0  }
0x20: {  	[sflag:s8] =	ssyncset.s32 @!p0 $0xFFFFF086;
	s6 =	sadd.s32 @!p0 s3, s7;
	s7 =	simm.s32 @!p0 $0x108  }
0x21: {  	s3 =	sadd.s32 s3, s9;
	s6 =	sadd.s32 @!p0 $0x88, s6;
	s7 =	simm.s32 @p2 $0x1082  }
0x22: {  	[simem:s7], [sflag:s8] =	dma.local @!p0 [hbm:s6], $0xF7A  }
0x23: {  	s9 =	sor.u32 $0xD0000000, s2;
	s6 =	simm.s32 $0x108;
	_ =	swait.ge @!p0 [sflag:s8], $0x0  }
0x24: {  	s3 =	sadd.s32 $0x88, s3;
	s6 =	simm.s32 @!p1 $0x1082;
	[sflag:s4] =	ssyncset.s32 $0xFFFFF086  }
0x25: {  	[simem:s6], [sflag:s4] =	dma.local [hbm:s3], $0xF7A  }
0x26: {  	[smem:$0x3F70] =	sst s1;
	(tag) =	ssettag s2;
	_ =	strace s9  }
0x27: {  	s1 =	sld [smem:$0x3F80]  }
0x28: {  	s2 =	sld [smem:$0x3F81]  }
0x29: {  	s4 =	sld [smem:$0x3F83]  }
0x2a: {  	p0 =	seq.s32 s5, $0x0;
	s5 =	sld [smem:$0x3F84]  }
0x2b: {  	s6 =	sld [smem:$0x3F85]  }
0x2c: {  	s7 =	sld [smem:$0x3F86]  }
0x2d: {  	s3 =	simm.s32 $0x108;
	s8 =	sld [smem:$0x3F87]  }
0x2e: {  	s3 =	simm.s32 @!p0 $0x1082;
	s9 =	sld [smem:$0x3F88]  }
0x2f: {  	lr =	sadd.s32 s0, s3;
	s0 =	sld [smem:$0x3F7F]  }
0x30: {  	s3 =	sld [smem:$0x3F82]  }
0x31: {  	[smem:$0x3F8B] =	sst s10  }
0x32: {  	s10 =	sld [smem:$0x3F89];
	_ =	sdelay $0x3  }
0x33: {  	p0 =	seq.s32 s10, $0x1;
	s10 =	sld [smem:$0x3F8B];
	_ =	sdelay $0x3  }
0x34: {  	[smem:$0x3F8B] =	sst s10  }
0x35: {  	s10 =	sld [smem:$0x3F8A];
	_ =	sdelay $0x3  }
0x36: {  	p1 =	seq.s32 s10, $0x1;
	s10 =	sld [smem:$0x3F8B];
	_ =	sdelay $0x3  }
0x37: {  	[smem:$0x3F8B] =	sst s10  }
0x38: {  	s10 =	sld [smem:$0x3F8C]  }
0x39: {  	_ = 	snop;
	(pc) =	sbr.ind lr, $3  }
0x3a: {  	_ = 	snop  }
0x3b: {  	_ = 	snop  }
0x3c: {  	p2 =	seq.s32 s10, $0x1;
	s10 =	sld [smem:$0x3F8B]  }
0x3d: {  	_ =	shalt  }
0x3e: {  	_ =	shalt  }
0x3f: {  	_ =	shalt  }
0x40: {  	_ =	shalt  }
0x41: {  	_ =	shalt  }
0x42: {  	_ =	shalt  }
0x43: {  	_ =	shalt  }
0x44: {  	_ =	shalt  }
0x45: {  	_ =	shalt  }
0x46: {  	_ =	shalt  }
0x47: {  	_ =	shalt  }
0x48: {  	_ =	shalt  }
0x49: {  	_ =	shalt  }
0x4a: {  	_ =	shalt  }
0x4b: {  	_ =	shalt  }
0x4c: {  	_ =	shalt  }
0x4d: {  	_ =	shalt  }
0x4e: {  	_ =	shalt  }
0x4f: {  	_ =	shalt  }
0x50: {  	_ =	shalt  }
0x51: {  	_ =	shalt  }
0x52: {  	_ =	shalt  }
0x53: {  	_ =	shalt  }
0x54: {  	_ =	shalt  }
0x55: {  	_ =	shalt  }
0x56: {  	_ =	shalt  }
0x57: {  	_ =	shalt  }
0x58: {  	_ =	shalt  }
0x59: {  	_ =	shalt  }
0x5a: {  	_ =	shalt  }
0x5b: {  	_ =	shalt  }
0x5c: {  	_ =	shalt  }
0x5d: {  	_ =	shalt  }
0x5e: {  	_ =	shalt  }
0x5f: {  	_ =	shalt  }
0x60: {  	_ =	shalt  }
0x61: {  	_ =	shalt  }
0x62: {  	_ =	shalt  }
0x63: {  	_ =	shalt  }
0x64: {  	_ =	shalt  }
0x65: {  	_ =	shalt  }
0x66: {  	_ =	shalt  }
0x67: {  	_ =	shalt  }
0x68: {  	_ =	shalt  }
0x69: {  	_ =	shalt  }
0x6a: {  	_ =	shalt  }
0x6b: {  	_ =	shalt  }
0x6c: {  	_ =	shalt  }
0x6d: {  	_ =	shalt  }
0x6e: {  	_ =	shalt  }
0x6f: {  	_ =	shalt  }
0x70: {  	_ =	shalt  }
0x71: {  	_ =	shalt  }
0x72: {  	_ =	shalt  }
0x73: {  	_ =	shalt  }
0x74: {  	_ =	shalt  }
0x75: {  	_ =	shalt  }
0x76: {  	_ =	shalt  }
0x77: {  	_ =	shalt  }
0x78: {  	_ =	shalt  }
0x79: {  	_ =	shalt  }
0x7a: {  	_ =	shalt  }
0x7b: {  	_ =	shalt  }
0x7c: {  	_ =	shalt  }
0x7d: {  	_ =	shalt  }
0x7e: {  	_ =	shalt  }
0x7f: {  	_ =	shalt  }
0x80: {  	_ =	shalt  }
0x81: {  	_ =	shalt  }
0x82: {  	_ =	shalt  }
0x83: {  	_ =	shalt  }
0x84: {  	_ =	shalt  }
0x85: {  	_ =	shalt  }
0x86: {  	_ =	shalt  }
0x87: {  	_ =	shalt  }
.Lfunc_end0:
.L_simem_size_0:
called_computation_lowered:
.L_overlay_start_0:
0x88: {  	s2 =	sld [smem:$0x3FD9]  }
0x89: {  	s3 =	sld [smem:$0x3FFE];
	_ =	sdelay $0x1  }
0x8a: {  	s1 =	srdreg.scid  }
0x8b: {  	s0 =	sand.u32 $0x1, s1  }
0x8c: {  	s17 =	sshll.u32 s0, $0xA;
	s2 =	sadd.s32 s3, s2  }
0x8d: {  	s2 =	sadd.s32 s2, s17  }
0x8e: {  	[smem:$0x3F97] =	sst s2  }
0x8f: {  	_ = 	snop  }
0x90: {  	(tm) =	ssettm $0x1  }
0x91: {  	s18 =	sld [smem:$0x3FFB];
	_ =	sdelay $0x3  }
0x92: {  	_ =	strace s18  }
0x93: {  	s2 =	sld [smem:$0x3FFC];
	_ =	sdelay $0x3  }
0x94: {  	_ =	strace s2  }
0x95: {  	s2 =	sld [smem:$0x3FFD];
	_ =	sdelay $0x3  }
0x96: {  	_ =	strace s2  }
0x97: {  	_ =	strace $0x8FFFFFFF  }
0x98: {  	s19 =	sld [smem:$0x3FDB];
	_ =	sdelay $0x1  }
0x99: {  	s20 =	simm.s32 $_scs_section_size  }
0x9a: {  	s4 =	simm.s32 $_size__tile_overlayer_lowered;
	s5 =	simm.s32 $_tile_overlayer_lowered  }
0x9b: {  	s6 =	simm.s32 $0x1BFF;
	s21 =	sshll.u32 s5, $0x1;
	s3 =	sadd.s32 s20, s19  }
0x9c: {  	s22 =	simm.s32 $0x0;
	s4 =	sshll.u32 s4, $0x1;
	s5 =	sadd.s32 s21, s3  }
0x9d: {  	[timem:s22], [sflag:s6] =	dma.local [hbm:s5], s4  }
0x9e: {  	_ =	swait.ge [sflag:s6], s4  }
0x9f: {  	s4 =	ssub.s32 $0x0, s4;
	[sflag:s6] =	ssyncset.done $0x0  }
0xa0: {  	[sflag:s6] =	ssyncadd.s32 s4;
	_ =	sdelay $0x1  }
0xa1: {  	s23 =	simm.s32 $0x1B8B  }
0xa2: {  	_ =	swait.ge [sflag:s23], $0x1  }
0xa3: {  	[sflag:s23] =	ssyncset.done $0x0  }
0xa4: {  	[sflag:s23] =	ssyncadd.s32 $0xFFFFFFFF  }
0xa5: {  	s4 =	sld [smem:$0x0]  }
0xa6: {  	s5 =	sand.u32 $0xFFFFFFFE, s1  }
0xa7: {  	p0 =	sne.s32 s1, s5  }
0xa8: {  	s5 =	sshll.u32 @p0 s5, $0xE  }
0xa9: {  	s5 =	sadd.s32 @p0 $0x11B8D, s5;
	s6 =	sshll.u32 @p0 s4, $0x11  }
0xaa: {  	s5 =	sor.u32 @p0 s6, s5  }
0xab: {  	[sflag:s5] =	ssyncadd.remote.s32 @p0 $0x1;
	_ =	sdelay $0x1  }
0xac: {  	s5 =	simm.s32 @p0 $0x1B8D  }
0xad: {  	_ =	swait.eq @p0 [sflag:s5], $0x1  }
0xae: {  	[sflag:s5] =	ssyncadd.s32 @p0 $0xFFFFFFFF  }
0xaf: {  	s6 =	sshll.u32 @!p0 s1, $0xE  }
0xb0: {  	s6 =	sor.u32 @!p0 $0x4000, s6;
	s5 =	simm.s32 @!p0 $0x1B8D  }
0xb1: {  	s4 =	sshll.u32 @!p0 s4, $0x11;
	s6 =	sadd.s32 @!p0 $0x11B8D, s6;
	_ =	swait.eq @!p0 [sflag:s5], $0x1  }
0xb2: {  	s4 =	sor.u32 @!p0 s4, s6;
	[sflag:s5] =	ssyncadd.s32 @!p0 $0xFFFFFFFF  }
0xb3: {  	s25 =	simm.s32 $0x1B8E;
	s24 =	sld [smem:$0x3FFE];
	[sflag:s4] =	ssyncadd.remote.s32 @!p0 $0x1  }
0xb4: {  	s26 =	simm.s32 $execute0_lowered;
	[smem:$0x3FD2] =	sst s25  }
0xb5: {  	s5 =	sshll.u32 s26, $0x1;
	_ =	strace $0x80000049;
	[dreg:$0x1] =	wrdreg $0xFFFFFFFF  }
0xb6: {  	s28 =	simm.s32 $_size_execute0_lowered;
	s3 =	sadd.s32 s3, s5;
	[dreg:$0x0] =	wrdreg $0x0  }
0xb7: {  	s5 =	sshll.u32 s28, $0x1;
	[dreg:$0x2] =	wrdreg s3  }
0xb8: {  	[dreg:$0x3] =	wrdreg s5  }
0xb9: {  	[dreg:$0x4] =	wrdreg $0xC0  }
0xba: {  	_ =	task [dreg:s22], $0x5FFFF  }
0xbb: {  	[dreg:$0x1] =	wrdreg $0xFFFFFFFF  }
0xbc: {  	[dreg:$0x0] =	wrdreg $0x60  }
0xbd: {  	[dreg:$0x2] =	wrdreg s24  }
0xbe: {  	[dreg:$0x3] =	wrdreg $0x9  }
0xbf: {  	_ =	task.clear_ibuf [dreg:s22], $0x4FFFF;
	_ =	strace $0x90000049  }
0xc0: {  	s29 =	simm.s32 $0x9;
	_ =	strace $0x8000004B  }
0xc1: {  	_ =	swait.ge [sflag:s29], $0x1  }
0xc2: {  	[sflag:s29] =	ssyncadd.s32 $0xFFFFFFFF  }
0xc3: {  	_ =	strace $0x9000004B  }
0xc4: {  	_ =	sfence  }
0xc5: {  	s30 =	sld [smem:$0x0];
	_ =	sdelay $0x2  }
0xc6: {  	s31 =	sshll.u32 s1, $0xD;
	s1 =	sshrl.u32 s1, $0x2  }
0xc7: {  	s4 =	sand.u32 $0x4000, s31;
	s1 =	sadd.s32 s1, s30  }
0xc8: {  	s0 =	sor.u32 s4, s0;
	s1 =	sshll.u32 s1, $0x11  }
0xc9: {  	s0 =	sor.u32 s1, s0  }
0xca: {  	s0 =	sadd.s32 $0x8F2B, s0  }
0xcb: {  	[sflag:s0] =	ssyncadd.remote.s32 $0x1  }
0xcc: {  	_ =	sfence.sel $0xFFFF  }
0xcd: {  	[dreg:$0x0] =	wrdreg $0xFFFFFFFF;
	(pc) =	sbr.abs _section_cstart, $3  }
0xce: {  	[dreg:$0x1] =	wrdreg $0xFFFFFFFF  }
0xcf: {  	_ =	task.clear_ibuf [dreg:s22], $0x2FFFF;
	_ =	strace $0x9FFFFFFF  }
0xd0: {  	(tm) =	ssettm $0x7FFFFFFF  }
0xd1: {  	_ =	shalt  }
tec
execute0_lowered:
.L_overlay_start_1:
0x0: {  	(tag) =	ssettag $0x1  }
0x1: {  	s1 =	srdreg.scid  }
0x2: {  	s0 =	stileid.u32;
	s1 =	sand.u32 $0x1, s1  }
0x3: {  	s3 =	sshll.u32 s0, $0x9;
	s4 =	sshll.u32 s1, $0x8  }
0x4: {  	s14 =	rddreg [dreg:$0x0];
	s2 =	simm.s32 $0x0;
	s11 =	sor.u32 s4, s3  }
0x5: {  	[smem:$0x7FF] =	sst s2;
	s3 =	sshrl.u32 s11, $0x3  }
0x6: {  	s25 =	sadd.s32 $0xC800, s14;
	_ =	strace $0x8000004A;
	s8 =	sadd.s32 s3, s14  }
0x7: {  	[dreg:$0x2] =	wrdreg s25;
	s3 =	simm.s32 $0x2;
	s4 =	sadd.s32 $0x4A1800, s8  }
0x8: {  	[tilespmem:s2], [sflag:$0x2] =	stream.linear.gather [hbm4b:s4+s2], $0x100, $0x38;
	[tilespmem:$0x10100] =	vst v63  }
0x9: {  	_ =	swait.ge [sflag:s3], $0x100  }
0xa: {  	s5 =	simm.s32 $0x100;
	[sflag:s3] =	ssyncset.done $0x0  }
0xb: {  	s6 =	simm.s32 $0x1;
	s7 =	rddreg [dreg:$0x2];
	[sflag:s3] =	ssyncadd.s32 $0xFFFFFF00  }
0xc: {  	[tilespmem:s5], [sflag:$0x1] =	stream.indirect.gather [hbm4b:s7+s5], $0x40, s2, s5, $0xb8;
	[tilespmem:$0x10100] =	vst v63  }
0xd: {  	s26 =	sshll.u32 s11, $0x4;
	_ =	swait.ge [sflag:s6], $0x4000  }
0xe: {  	s31 =	sadd.s32 s26, s14;
	[sflag:s6] =	ssyncset.done $0x0  }
0xf: {  	s7 =	sadd.s32 $0x5E1C00, s31;
	[sflag:s6] =	ssyncadd.s32 $0xFFFFC000  }
0x10: {  	[hbm4b:s7+s2] =	stream.linear.scatter [tilespmem:s5], [sflag:$0x2], $0x8000, $0x38;
	[tilespmem:$0x10100] =	vst v63  }
0x11: {  	_ =	swait.ge [sflag:s3], $0x8000  }
0x12: {  	[sflag:s3] =	ssyncset.done $0x0  }
0x13: {  	s8 =	sadd.s32 $0x4A1400, s8;
	[sflag:s3] =	ssyncadd.s32 $0xFFFF8000  }
0x14: {  	[tilespmem:s2], [sflag:$0x2] =	stream.linear.gather [hbm4b:s8+s2], $0x100, $0x38;
	[tilespmem:$0x10100] =	vst v63  }
0x15: {  	_ =	swait.ge [sflag:s3], $0x100  }
0x16: {  	[sflag:s3] =	ssyncset.done $0x0  }
0x17: {  	s9 =	sadd.s32 $0x193400, s14;
	[sflag:s3] =	ssyncadd.s32 $0xFFFFFF00  }
0x18: {  	[tilespmem:s5], [sflag:$0x1] =	stream.indirect.gather [hbm4b:s9+s5], $0x40, s2, s5, $0xb8;
	[tilespmem:$0x10100] =	vst v63  }
0x19: {  	_ =	swait.ge [sflag:s6], $0x4000  }
0x1a: {  	[sflag:s6] =	ssyncset.done $0x0  }
0x1b: {  	s10 =	sadd.s32 $0x601C00, s31;
	[sflag:s6] =	ssyncadd.s32 $0xFFFFC000  }
0x1c: {  	[hbm4b:s10+s2] =	stream.linear.scatter [tilespmem:s5], [sflag:$0x2], $0x8000, $0x38;
	[tilespmem:$0x10100] =	vst v63  }
0x1d: {  	_ =	swait.ge [sflag:s3], $0x8000  }
0x1e: {  	s12 =	simm.s32 $0x80;
	s30 =	sadd.s32 s11, s14;
	[sflag:s3] =	ssyncset.done $0x0  }
0x1f: {  	s13 =	simm.s32 $0x400;
	s11 =	sadd.s32 $0xA800, s30;
	[sflag:s3] =	ssyncadd.s32 $0xFFFF8000  }
0x20: {  	[tilespmem:s2], [sflag:$0x2] =	stream.strided.gather [hbm4b:s11+s12], $0x100, s13, s12, $0x38;
	[tilespmem:$0x10100] =	vst v63  }
0x21: {  	_ =	swait.ge [sflag:s3], $0x100  }
0x22: {  	[sflag:s3] =	ssyncset.done $0x0  }
0x23: {  	s15 =	simm.s32 $0x8100;
	s14 =	sadd.s32 $0x31A000, s14;
	[sflag:s3] =	ssyncadd.s32 $0xFFFFFF00  }
0x24: {  	[tilespmem:s15], [sflag:$0x1] =	stream.indirect.gather [hbm4b:s14+s5], $0x20, s2, s5, $0xb8;
	[tilespmem:$0x10100] =	vst v63  }
0x25: {  	_ =	swait.ge [sflag:s6], $0x2000  }
0x26: {  	[sflag:s6] =	ssyncset.done $0x0  }
0x27: {  	s16 =	sadd.s32 $0x621C00, s31;
	[sflag:s6] =	ssyncadd.s32 $0xFFFFE000  }
0x28: {  	[hbm4b:s16+s2] =	stream.linear.scatter [tilespmem:s15], [sflag:$0x2], $0x8000, $0x38;
	[tilespmem:$0x10100] =	vst v63  }
0x29: {  	_ =	swait.ge [sflag:s3], $0x8000  }
0x2a: {  	[sflag:s3] =	ssyncset.done $0x0  }
0x2b: {  	s17 =	sadd.s32 $0xA810, s30;
	[sflag:s3] =	ssyncadd.s32 $0xFFFF8000  }
0x2c: {  	[tilespmem:s2], [sflag:$0x2] =	stream.strided.gather [hbm4b:s17+s12], $0x100, s13, s12, $0x38;
	[tilespmem:$0x10100] =	vst v63  }
0x2d: {  	_ =	swait.ge [sflag:s3], $0x100  }
0x2e: {  	[sflag:s3] =	ssyncset.done $0x0  }
0x2f: {  	[sflag:s3] =	ssyncadd.s32 $0xFFFFFF00  }
0x30: {  	[tilespmem:s15], [sflag:$0x1] =	stream.indirect.gather [hbm4b:s14+s5], $0x20, s2, s5, $0xb8;
	[tilespmem:$0x10100] =	vst v63  }
0x31: {  	_ =	swait.ge [sflag:s6], $0x2000  }
0x32: {  	[sflag:s6] =	ssyncset.done $0x0  }
0x33: {  	s18 =	sadd.s32 $0x641C00, s31;
	[sflag:s6] =	ssyncadd.s32 $0xFFFFE000  }
0x34: {  	[hbm4b:s18+s2] =	stream.linear.scatter [tilespmem:s15], [sflag:$0x2], $0x8000, $0x38;
	[tilespmem:$0x10100] =	vst v63  }
0x35: {  	_ =	swait.ge [sflag:s3], $0x8000  }
0x36: {  	[sflag:s3] =	ssyncset.done $0x0  }
0x37: {  	s19 =	sadd.s32 $0xA820, s30;
	[sflag:s3] =	ssyncadd.s32 $0xFFFF8000  }
0x38: {  	[tilespmem:s2], [sflag:$0x2] =	stream.strided.gather [hbm4b:s19+s12], $0x100, s13, s12, $0x38;
	[tilespmem:$0x10100] =	vst v63  }
0x39: {  	_ =	swait.ge [sflag:s3], $0x100  }
0x3a: {  	[sflag:s3] =	ssyncset.done $0x0  }
0x3b: {  	[sflag:s3] =	ssyncadd.s32 $0xFFFFFF00  }
0x3c: {  	[tilespmem:s15], [sflag:$0x1] =	stream.indirect.gather [hbm4b:s14+s5], $0x20, s2, s5, $0xb8;
	[tilespmem:$0x10100] =	vst v63  }
0x3d: {  	_ =	swait.ge [sflag:s6], $0x2000  }
0x3e: {  	[sflag:s6] =	ssyncset.done $0x0  }
0x3f: {  	s20 =	sadd.s32 $0x661C00, s31;
	[sflag:s6] =	ssyncadd.s32 $0xFFFFE000  }
0x40: {  	[hbm4b:s20+s2] =	stream.linear.scatter [tilespmem:s15], [sflag:$0x2], $0x8000, $0x38;
	[tilespmem:$0x10100] =	vst v63  }
0x41: {  	_ =	swait.ge [sflag:s3], $0x8000  }
0x42: {  	[sflag:s3] =	ssyncset.done $0x0  }
0x43: {  	s21 =	sadd.s32 $0xA830, s30;
	[sflag:s3] =	ssyncadd.s32 $0xFFFF8000  }
0x44: {  	[tilespmem:s2], [sflag:$0x2] =	stream.strided.gather [hbm4b:s21+s12], $0x100, s13, s12, $0x38;
	[tilespmem:$0x10100] =	vst v63  }
0x45: {  	_ =	swait.ge [sflag:s3], $0x100  }
0x46: {  	[sflag:s3] =	ssyncset.done $0x0  }
0x47: {  	[sflag:s3] =	ssyncadd.s32 $0xFFFFFF00  }
0x48: {  	[tilespmem:s15], [sflag:$0x1] =	stream.indirect.gather [hbm4b:s14+s5], $0x20, s2, s5, $0xb8;
	[tilespmem:$0x10100] =	vst v63  }
0x49: {  	_ =	swait.ge [sflag:s6], $0x2000  }
0x4a: {  	[sflag:s6] =	ssyncset.done $0x0  }
0x4b: {  	s22 =	sadd.s32 $0x681C00, s31;
	[sflag:s6] =	ssyncadd.s32 $0xFFFFE000  }
0x4c: {  	[hbm4b:s22+s2] =	stream.linear.scatter [tilespmem:s15], [sflag:$0x2], $0x8000, $0x38;
	[tilespmem:$0x10100] =	vst v63  }
0x4d: {  	_ =	swait.ge [sflag:s3], $0x8000  }
0x4e: {  	[sflag:s3] =	ssyncset.done $0x0  }
0x4f: {  	s23 =	sadd.s32 $0xA840, s30;
	[sflag:s3] =	ssyncadd.s32 $0xFFFF8000  }
0x50: {  	[tilespmem:s2], [sflag:$0x2] =	stream.strided.gather [hbm4b:s23+s12], $0x100, s13, s12, $0x38;
	[tilespmem:$0x10100] =	vst v63  }
0x51: {  	_ =	swait.ge [sflag:s3], $0x100  }
0x52: {  	[sflag:s3] =	ssyncset.done $0x0  }
0x53: {  	[sflag:s3] =	ssyncadd.s32 $0xFFFFFF00  }
0x54: {  	[tilespmem:s15], [sflag:$0x1] =	stream.indirect.gather [hbm4b:s14+s5], $0x20, s2, s5, $0xb8;
	[tilespmem:$0x10100] =	vst v63  }
0x55: {  	_ =	swait.ge [sflag:s6], $0x2000  }
0x56: {  	[sflag:s6] =	ssyncset.done $0x0  }
0x57: {  	s24 =	sadd.s32 $0x6A1C00, s31;
	[sflag:s6] =	ssyncadd.s32 $0xFFFFE000  }
0x58: {  	[hbm4b:s24+s2] =	stream.linear.scatter [tilespmem:s15], [sflag:$0x2], $0x8000, $0x38;
	[tilespmem:$0x10100] =	vst v63  }
0x59: {  	_ =	swait.ge [sflag:s3], $0x8000  }
0x5a: {  	[sflag:s3] =	ssyncset.done $0x0  }
0x5b: {  	s25 =	sadd.s32 $0xA850, s30;
	[sflag:s3] =	ssyncadd.s32 $0xFFFF8000  }
0x5c: {  	[tilespmem:s2], [sflag:$0x2] =	stream.strided.gather [hbm4b:s25+s12], $0x100, s13, s12, $0x38;
	[tilespmem:$0x10100] =	vst v63  }
0x5d: {  	_ =	swait.ge [sflag:s3], $0x100  }
0x5e: {  	[sflag:s3] =	ssyncset.done $0x0  }
0x5f: {  	[sflag:s3] =	ssyncadd.s32 $0xFFFFFF00  }
0x60: {  	[tilespmem:s15], [sflag:$0x1] =	stream.indirect.gather [hbm4b:s14+s5], $0x20, s2, s5, $0xb8;
	[tilespmem:$0x10100] =	vst v63  }
0x61: {  	_ =	swait.ge [sflag:s6], $0x2000  }
0x62: {  	[sflag:s6] =	ssyncset.done $0x0  }
0x63: {  	s26 =	sadd.s32 $0x6C1C00, s31;
	[sflag:s6] =	ssyncadd.s32 $0xFFFFE000  }
0x64: {  	[hbm4b:s26+s2] =	stream.linear.scatter [tilespmem:s15], [sflag:$0x2], $0x8000, $0x38;
	[tilespmem:$0x10100] =	vst v63  }
0x65: {  	_ =	swait.ge [sflag:s3], $0x8000  }
0x66: {  	[sflag:s3] =	ssyncset.done $0x0  }
0x67: {  	s28 =	sadd.s32 $0xA860, s30;
	[sflag:s3] =	ssyncadd.s32 $0xFFFF8000  }
0x68: {  	[tilespmem:s2], [sflag:$0x2] =	stream.strided.gather [hbm4b:s28+s12], $0x100, s13, s12, $0x38;
	[tilespmem:$0x10100] =	vst v63  }
0x69: {  	_ =	swait.ge [sflag:s3], $0x100  }
0x6a: {  	[sflag:s3] =	ssyncset.done $0x0  }
0x6b: {  	[sflag:s3] =	ssyncadd.s32 $0xFFFFFF00  }
0x6c: {  	[tilespmem:s15], [sflag:$0x1] =	stream.indirect.gather [hbm4b:s14+s5], $0x20, s2, s5, $0xb8;
	[tilespmem:$0x10100] =	vst v63  }
0x6d: {  	_ =	swait.ge [sflag:s6], $0x2000  }
0x6e: {  	[sflag:s6] =	ssyncset.done $0x0  }
0x6f: {  	s29 =	sadd.s32 $0x6E1C00, s31;
	[sflag:s6] =	ssyncadd.s32 $0xFFFFE000  }
0x70: {  	[hbm4b:s29+s2] =	stream.linear.scatter [tilespmem:s15], [sflag:$0x2], $0x8000, $0x38;
	[tilespmem:$0x10100] =	vst v63  }
0x71: {  	_ =	swait.ge [sflag:s3], $0x8000  }
0x72: {  	[sflag:s3] =	ssyncset.done $0x0  }
0x73: {  	s1 =	ssub.s32 $0x2, s1;
	s30 =	sadd.s32 $0xA870, s30;
	[sflag:s3] =	ssyncadd.s32 $0xFFFF8000  }
0x74: {  	[tilespmem:s2], [sflag:$0x2] =	stream.strided.gather [hbm4b:s30+s12], $0x100, s13, s12, $0x38;
	[tilespmem:$0x10100] =	vst v63  }
0x75: {  	s0 =	sshrl.u32 s1, $0x1;
	_ =	swait.ge [sflag:s3], $0x100  }
0x76: {  	s0 =	ssub.s32 s1, s0;
	[sflag:s3] =	ssyncset.done $0x0  }
0x77: {  	s0 =	smax.u32 s0, $0x1;
	[sflag:s3] =	ssyncadd.s32 $0xFFFFFF00  }
0x78: {  	[tilespmem:s15], [sflag:$0x1] =	stream.indirect.gather [hbm4b:s14+s5], $0x20, s2, s5, $0xb8;
	[tilespmem:$0x10100] =	vst v63  }
0x79: {  	p0 =	sne.s32 s0, $0x1;
	_ =	swait.ge [sflag:s6], $0x2000  }
.Ltmp0:
0x7a: {  	[sflag:s6] =	ssyncset.done $0x0;
	(pc) =	sbr.rel @!p0 .LBB2_2-.Ltmp0, $4  }
0x7b: {  	s31 =	sadd.s32 $0x701C00, s31;
	[sflag:s6] =	ssyncadd.s32 $0xFFFFE000  }
0x7c: {  	[hbm4b:s31+s2] =	stream.linear.scatter [tilespmem:s15], [sflag:$0x2], $0x8000, $0x38;
	[tilespmem:$0x10100] =	vst v63  }
0x7d: {  	_ =	swait.ge [sflag:s3], $0x8000  }
0x7e: {  	s1 =	sadd.s32 $0xFFFFFFFF, s0;
	[sflag:s3] =	ssyncset.done $0x0  }
.LBB2_1:
0x7f: {  	[sflag:s3] =	ssyncadd.s32 $0xFFFF8000  }
0x80: {  	[tilespmem:s2], [sflag:$0x2] =	stream.linear.gather [hbm4b:s4+s2], $0x100, $0x38;
	[tilespmem:$0x10100] =	vst v63  }
0x81: {  	_ =	swait.ge [sflag:s3], $0x100  }
0x82: {  	[sflag:s3] =	ssyncset.done $0x0  }
0x83: {  	s0 =	rddreg [dreg:$0x2];
	[sflag:s3] =	ssyncadd.s32 $0xFFFFFF00  }
0x84: {  	[tilespmem:s5], [sflag:$0x1] =	stream.indirect.gather [hbm4b:s0+s5], $0x40, s2, s5, $0xb8;
	[tilespmem:$0x10100] =	vst v63  }
0x85: {  	_ =	swait.ge [sflag:s6], $0x4000  }
0x86: {  	[sflag:s6] =	ssyncset.done $0x0  }
0x87: {  	[sflag:s6] =	ssyncadd.s32 $0xFFFFC000  }
0x88: {  	[hbm4b:s7+s2] =	stream.linear.scatter [tilespmem:s5], [sflag:$0x2], $0x8000, $0x38;
	[tilespmem:$0x10100] =	vst v63  }
0x89: {  	_ =	swait.ge [sflag:s3], $0x8000  }
0x8a: {  	[sflag:s3] =	ssyncset.done $0x0  }
0x8b: {  	[sflag:s3] =	ssyncadd.s32 $0xFFFF8000  }
0x8c: {  	[tilespmem:s2], [sflag:$0x2] =	stream.linear.gather [hbm4b:s8+s2], $0x100, $0x38;
	[tilespmem:$0x10100] =	vst v63  }
0x8d: {  	_ =	swait.ge [sflag:s3], $0x100  }
0x8e: {  	[sflag:s3] =	ssyncset.done $0x0  }
0x8f: {  	[sflag:s3] =	ssyncadd.s32 $0xFFFFFF00  }
0x90: {  	[tilespmem:s5], [sflag:$0x1] =	stream.indirect.gather [hbm4b:s9+s5], $0x40, s2, s5, $0xb8;
	[tilespmem:$0x10100] =	vst v63  }
0x91: {  	_ =	swait.ge [sflag:s6], $0x4000  }
0x92: {  	[sflag:s6] =	ssyncset.done $0x0  }
0x93: {  	[sflag:s6] =	ssyncadd.s32 $0xFFFFC000  }
0x94: {  	[hbm4b:s10+s2] =	stream.linear.scatter [tilespmem:s5], [sflag:$0x2], $0x8000, $0x38;
	[tilespmem:$0x10100] =	vst v63  }
0x95: {  	_ =	swait.ge [sflag:s3], $0x8000  }
0x96: {  	[sflag:s3] =	ssyncset.done $0x0  }
0x97: {  	[sflag:s3] =	ssyncadd.s32 $0xFFFF8000  }
0x98: {  	[tilespmem:s2], [sflag:$0x2] =	stream.strided.gather [hbm4b:s11+s12], $0x100, s13, s12, $0x38;
	[tilespmem:$0x10100] =	vst v63  }
0x99: {  	_ =	swait.ge [sflag:s3], $0x100  }
0x9a: {  	[sflag:s3] =	ssyncset.done $0x0  }
0x9b: {  	[sflag:s3] =	ssyncadd.s32 $0xFFFFFF00  }
0x9c: {  	[tilespmem:s15], [sflag:$0x1] =	stream.indirect.gather [hbm4b:s14+s5], $0x20, s2, s5, $0xb8;
	[tilespmem:$0x10100] =	vst v63  }
0x9d: {  	_ =	swait.ge [sflag:s6], $0x2000  }
0x9e: {  	[sflag:s6] =	ssyncset.done $0x0  }
0x9f: {  	[sflag:s6] =	ssyncadd.s32 $0xFFFFE000  }
0xa0: {  	[hbm4b:s16+s2] =	stream.linear.scatter [tilespmem:s15], [sflag:$0x2], $0x8000, $0x38;
	[tilespmem:$0x10100] =	vst v63  }
0xa1: {  	_ =	swait.ge [sflag:s3], $0x8000  }
0xa2: {  	[sflag:s3] =	ssyncset.done $0x0  }
0xa3: {  	[sflag:s3] =	ssyncadd.s32 $0xFFFF8000  }
0xa4: {  	[tilespmem:s2], [sflag:$0x2] =	stream.strided.gather [hbm4b:s17+s12], $0x100, s13, s12, $0x38;
	[tilespmem:$0x10100] =	vst v63  }
0xa5: {  	_ =	swait.ge [sflag:s3], $0x100  }
0xa6: {  	[sflag:s3] =	ssyncset.done $0x0  }
0xa7: {  	[sflag:s3] =	ssyncadd.s32 $0xFFFFFF00  }
0xa8: {  	[tilespmem:s15], [sflag:$0x1] =	stream.indirect.gather [hbm4b:s14+s5], $0x20, s2, s5, $0xb8;
	[tilespmem:$0x10100] =	vst v63  }
0xa9: {  	_ =	swait.ge [sflag:s6], $0x2000  }
0xaa: {  	[sflag:s6] =	ssyncset.done $0x0  }
0xab: {  	[sflag:s6] =	ssyncadd.s32 $0xFFFFE000  }
0xac: {  	[hbm4b:s18+s2] =	stream.linear.scatter [tilespmem:s15], [sflag:$0x2], $0x8000, $0x38;
	[tilespmem:$0x10100] =	vst v63  }
0xad: {  	_ =	swait.ge [sflag:s3], $0x8000  }
0xae: {  	[sflag:s3] =	ssyncset.done $0x0  }
0xaf: {  	[sflag:s3] =	ssyncadd.s32 $0xFFFF8000  }
0xb0: {  	[tilespmem:s2], [sflag:$0x2] =	stream.strided.gather [hbm4b:s19+s12], $0x100, s13, s12, $0x38;
	[tilespmem:$0x10100] =	vst v63  }
0xb1: {  	_ =	swait.ge [sflag:s3], $0x100  }
0xb2: {  	[sflag:s3] =	ssyncset.done $0x0  }
0xb3: {  	[sflag:s3] =	ssyncadd.s32 $0xFFFFFF00  }
0xb4: {  	[tilespmem:s15], [sflag:$0x1] =	stream.indirect.gather [hbm4b:s14+s5], $0x20, s2, s5, $0xb8;
	[tilespmem:$0x10100] =	vst v63  }
0xb5: {  	_ =	swait.ge [sflag:s6], $0x2000  }
0xb6: {  	[sflag:s6] =	ssyncset.done $0x0  }
0xb7: {  	[sflag:s6] =	ssyncadd.s32 $0xFFFFE000  }
0xb8: {  	[hbm4b:s20+s2] =	stream.linear.scatter [tilespmem:s15], [sflag:$0x2], $0x8000, $0x38;
	[tilespmem:$0x10100] =	vst v63  }
0xb9: {  	_ =	swait.ge [sflag:s3], $0x8000  }
0xba: {  	[sflag:s3] =	ssyncset.done $0x0  }
0xbb: {  	[sflag:s3] =	ssyncadd.s32 $0xFFFF8000  }
0xbc: {  	[tilespmem:s2], [sflag:$0x2] =	stream.strided.gather [hbm4b:s21+s12], $0x100, s13, s12, $0x38;
	[tilespmem:$0x10100] =	vst v63  }
0xbd: {  	_ =	swait.ge [sflag:s3], $0x100  }
0xbe: {  	[sflag:s3] =	ssyncset.done $0x0  }
0xbf: {  	[sflag:s3] =	ssyncadd.s32 $0xFFFFFF00  }
0xc0: {  	[tilespmem:s15], [sflag:$0x1] =	stream.indirect.gather [hbm4b:s14+s5], $0x20, s2, s5, $0xb8;
	[tilespmem:$0x10100] =	vst v63  }
0xc1: {  	_ =	swait.ge [sflag:s6], $0x2000  }
0xc2: {  	[sflag:s6] =	ssyncset.done $0x0  }
0xc3: {  	[sflag:s6] =	ssyncadd.s32 $0xFFFFE000  }
0xc4: {  	[hbm4b:s22+s2] =	stream.linear.scatter [tilespmem:s15], [sflag:$0x2], $0x8000, $0x38;
	[tilespmem:$0x10100] =	vst v63  }
0xc5: {  	_ =	swait.ge [sflag:s3], $0x8000  }
0xc6: {  	[sflag:s3] =	ssyncset.done $0x0  }
0xc7: {  	[sflag:s3] =	ssyncadd.s32 $0xFFFF8000  }
0xc8: {  	[tilespmem:s2], [sflag:$0x2] =	stream.strided.gather [hbm4b:s23+s12], $0x100, s13, s12, $0x38;
	[tilespmem:$0x10100] =	vst v63  }
0xc9: {  	_ =	swait.ge [sflag:s3], $0x100  }
0xca: {  	[sflag:s3] =	ssyncset.done $0x0  }
0xcb: {  	[sflag:s3] =	ssyncadd.s32 $0xFFFFFF00  }
0xcc: {  	[tilespmem:s15], [sflag:$0x1] =	stream.indirect.gather [hbm4b:s14+s5], $0x20, s2, s5, $0xb8;
	[tilespmem:$0x10100] =	vst v63  }
0xcd: {  	_ =	swait.ge [sflag:s6], $0x2000  }
0xce: {  	[sflag:s6] =	ssyncset.done $0x0  }
0xcf: {  	[sflag:s6] =	ssyncadd.s32 $0xFFFFE000  }
0xd0: {  	[hbm4b:s24+s2] =	stream.linear.scatter [tilespmem:s15], [sflag:$0x2], $0x8000, $0x38;
	[tilespmem:$0x10100] =	vst v63  }
0xd1: {  	_ =	swait.ge [sflag:s3], $0x8000  }
0xd2: {  	[sflag:s3] =	ssyncset.done $0x0  }
0xd3: {  	[sflag:s3] =	ssyncadd.s32 $0xFFFF8000  }
0xd4: {  	[tilespmem:s2], [sflag:$0x2] =	stream.strided.gather [hbm4b:s25+s12], $0x100, s13, s12, $0x38;
	[tilespmem:$0x10100] =	vst v63  }
0xd5: {  	_ =	swait.ge [sflag:s3], $0x100  }
0xd6: {  	[sflag:s3] =	ssyncset.done $0x0  }
0xd7: {  	[sflag:s3] =	ssyncadd.s32 $0xFFFFFF00  }
0xd8: {  	[tilespmem:s15], [sflag:$0x1] =	stream.indirect.gather [hbm4b:s14+s5], $0x20, s2, s5, $0xb8;
	[tilespmem:$0x10100] =	vst v63  }
0xd9: {  	_ =	swait.ge [sflag:s6], $0x2000  }
0xda: {  	[sflag:s6] =	ssyncset.done $0x0  }
0xdb: {  	[sflag:s6] =	ssyncadd.s32 $0xFFFFE000  }
0xdc: {  	[hbm4b:s26+s2] =	stream.linear.scatter [tilespmem:s15], [sflag:$0x2], $0x8000, $0x38;
	[tilespmem:$0x10100] =	vst v63  }
0xdd: {  	_ =	swait.ge [sflag:s3], $0x8000  }
0xde: {  	[sflag:s3] =	ssyncset.done $0x0  }
0xdf: {  	[sflag:s3] =	ssyncadd.s32 $0xFFFF8000  }
0xe0: {  	[tilespmem:s2], [sflag:$0x2] =	stream.strided.gather [hbm4b:s28+s12], $0x100, s13, s12, $0x38;
	[tilespmem:$0x10100] =	vst v63  }
0xe1: {  	_ =	swait.ge [sflag:s3], $0x100  }
0xe2: {  	[sflag:s3] =	ssyncset.done $0x0  }
0xe3: {  	[sflag:s3] =	ssyncadd.s32 $0xFFFFFF00  }
0xe4: {  	[tilespmem:s15], [sflag:$0x1] =	stream.indirect.gather [hbm4b:s14+s5], $0x20, s2, s5, $0xb8;
	[tilespmem:$0x10100] =	vst v63  }
0xe5: {  	_ =	swait.ge [sflag:s6], $0x2000  }
0xe6: {  	[sflag:s6] =	ssyncset.done $0x0  }
0xe7: {  	[sflag:s6] =	ssyncadd.s32 $0xFFFFE000  }
0xe8: {  	[hbm4b:s29+s2] =	stream.linear.scatter [tilespmem:s15], [sflag:$0x2], $0x8000, $0x38;
	[tilespmem:$0x10100] =	vst v63  }
0xe9: {  	_ =	swait.ge [sflag:s3], $0x8000  }
0xea: {  	[sflag:s3] =	ssyncset.done $0x0  }
0xeb: {  	[sflag:s3] =	ssyncadd.s32 $0xFFFF8000  }
0xec: {  	[tilespmem:s2], [sflag:$0x2] =	stream.strided.gather [hbm4b:s30+s12], $0x100, s13, s12, $0x38;
	[tilespmem:$0x10100] =	vst v63  }
0xed: {  	_ =	swait.ge [sflag:s3], $0x100  }
0xee: {  	[sflag:s3] =	ssyncset.done $0x0  }
0xef: {  	[sflag:s3] =	ssyncadd.s32 $0xFFFFFF00  }
0xf0: {  	[tilespmem:s15], [sflag:$0x1] =	stream.indirect.gather [hbm4b:s14+s5], $0x20, s2, s5, $0xb8;
	[tilespmem:$0x10100] =	vst v63  }
0xf1: {  	p0 =	sne.s32 s1, $0x1;
	_ =	swait.ge [sflag:s6], $0x2000  }
.Ltmp1:
0xf2: {  	[sflag:s6] =	ssyncset.done $0x0;
	(pc) =	sbr.rel @p0 .LBB2_1-.Ltmp1, $4  }
0xf3: {  	[sflag:s6] =	ssyncadd.s32 $0xFFFFE000  }
0xf4: {  	[hbm4b:s31+s2] =	stream.linear.scatter [tilespmem:s15], [sflag:$0x2], $0x8000, $0x38;
	[tilespmem:$0x10100] =	vst v63  }
0xf5: {  	_ =	swait.ge [sflag:s3], $0x8000  }
0xf6: {  	s1 =	sadd.s32 $0xFFFFFFFF, s1;
	[sflag:s3] =	ssyncset.done $0x0  }
.LBB2_2:
0xf7: {  	[sflag:s3] =	ssyncadd.s32 $0xFFFF8000  }
0xf8: {  	_ =	sfence.sel $0x180000  }
0xf9: {  	[bflag:$0x0] =	sbarrier.arrive $0xFFFF  }
0xfa: {  	_ =	strace $0x9000004A  }
0xfb: {  	s0 =	stileid.u32;
	[bflag:$0x2] =	sbarrier.arrive $0xFFFF  }
0xfc: {  	p0 =	sne.s32 s0, $0x0;
	s0 =	rddreg [dreg:$0x1]  }
0xfd: {  	s0 =	sadd.s32 @!p0 $0x100000, s0  }
0xfe: {  	[sflag:s0] =	ssyncadd.tile.s32 @!p0 $0x1;
	_ =	shalt  }
.Lfunc_end2:
_tile_overlayer_lowered:
.L_overlay_start_2:
0xff: {  	(tag) =	ssettag $0x2  }
0x100: {  	s0 =	rddreg [dreg:$0x0];
	s2 =	stileid.u32  }
0x101: {  	s1 =	rddreg [dreg:$0x1];
	p0 =	sne.s32 s2, $0x0  }
0x102: {  	s3 =	rddreg [dreg:$0x2];
	[bflag:$0x3] =	sbarrier.arrive $0xFFFF;
	s2 =	simm.s32 @!p0 $0x1C02  }
0x103: {  	[timem:s3], [sflag:s2] =	dma.local @!p0 [hbm:s0], s1  }
0x104: {  	s0 =	simm.s32 @!p0 $0x2  }
0x105: {  	_ =	swait.ge @!p0 [sflag:s0], s1  }
0x106: {  	s1 =	ssub.s32 @!p0 $0x0, s1;
	[sflag:s0] =	ssyncset.done @!p0 $0x0  }
0x107: {  	[sflag:s0] =	ssyncadd.s32 @!p0 s1  }
0x108: {  	[bflag:$0x3] =	sbarrier.arrive $0xFFFF  }
0x109: {  	_ =	shalt  }

// kernel: kernel.9.cloned.1.call-start
scs
__scs_entry_jumppad:
0x0: {  	(pc) =	sbr.rel $0x88, $3  }
0x1: {  	(tag) =	ssettag $0x0;
	lr =	simm.s32 $0x1  }
0x2: {  	[smem:$0x3F70] =	sst lr;
	_ =	strace $0xD0000000  }
0x3: {  	_ = 	snop  }
0x4: {  	_ = 	snop  }
0x5: {  	_ = 	snop  }
0x6: {  	_ = 	snop  }
0x7: {  	_ = 	snop  }
__scs_overlays_trampoline_lowered:
0x8: {  	[smem:$0x3F7F] =	sst s0  }
0x9: {  	[smem:$0x3F80] =	sst s1  }
0xa: {  	[smem:$0x3F81] =	sst s2  }
0xb: {  	[smem:$0x3F82] =	sst s3  }
0xc: {  	[smem:$0x3F83] =	sst s4  }
0xd: {  	[smem:$0x3F84] =	sst s5  }
0xe: {  	[smem:$0x3F85] =	sst s6  }
0xf: {  	[smem:$0x3F86] =	sst s7  }
0x10: {  	[smem:$0x3F87] =	sst s8  }
0x11: {  	[smem:$0x3F88] =	sst s9;
	s0 =	simm.s32 @!p0 $0x0  }
0x12: {  	s1 =	sld [smem:$0x3F6E];
	s0 =	simm.s32 @p0 $0x1  }
0x13: {  	[smem:$0x3F89] =	sst s0;
	s0 =	simm.s32 @!p1 $0x0  }
0x14: {  	s2 =	sld [smem:$0x3F6D];
	s0 =	simm.s32 @p1 $0x1  }
0x15: {  	[smem:$0x3F8A] =	sst s0;
	s0 =	simm.s32 @!p2 $0x0  }
0x16: {  	s3 =	sld [smem:$0x3FDB];
	s0 =	simm.s32 @p2 $0x1  }
0x17: {  	s4 =	simm.s32 $0x1BF5;
	[smem:$0x3F8C] =	sst s0  }
0x18: {  	s0 =	sld [smem:$0x3F6F];
	_ =	swait.ge [sflag:s4], $0x0  }
0x19: {  	s7 =	sld [smem:$0x3F70]  }
0x1a: {  	s8 =	sadd.s32 $0xFFFFE003, lr  }
0x1b: {  	s9 =	sadd.s32 $0xFFFFFEF7, lr;
	s5 =	simm.s32 $0xFFFFFFFF;
	p2 =	slt.u32 s8, $0xFFFFF086  }
0x1c: {  	p1 =	slt.u32 s9, $0xF7A;
	s5 =	simm.s32 @!p2 $0x0  }
0x1d: {  	s5 =	simm.s32 @p1 $0x1;
	p0 =	seq.s32 s7, s2  }
0x1e: {  	s7 =	smul.u32 @!p0 $0xF7A, s2;
	p2 =	seq.s32 @!p0 s5, $0x0  }
0x1f: {  	s9 =	smul.u32 $0xF7A, s1;
	s8 =	simm.s32 @!p0 $0x1BF5;
	p2 =	por !p2, p0  }
0x20: {  	[sflag:s8] =	ssyncset.s32 @!p0 $0xFFFFF086;
	s6 =	sadd.s32 @!p0 s3, s7;
	s7 =	simm.s32 @!p0 $0x108  }
0x21: {  	s3 =	sadd.s32 s3, s9;
	s6 =	sadd.s32 @!p0 $0x88, s6;
	s7 =	simm.s32 @p2 $0x1082  }
0x22: {  	[simem:s7], [sflag:s8] =	dma.local @!p0 [hbm:s6], $0xF7A  }
0x23: {  	s9 =	sor.u32 $0xD0000000, s2;
	s6 =	simm.s32 $0x108;
	_ =	swait.ge @!p0 [sflag:s8], $0x0  }
0x24: {  	s3 =	sadd.s32 $0x88, s3;
	s6 =	simm.s32 @!p1 $0x1082;
	[sflag:s4] =	ssyncset.s32 $0xFFFFF086  }
0x25: {  	[simem:s6], [sflag:s4] =	dma.local [hbm:s3], $0xF7A  }
0x26: {  	[smem:$0x3F70] =	sst s1;
	(tag) =	ssettag s2;
	_ =	strace s9  }
0x27: {  	s1 =	sld [smem:$0x3F80]  }
0x28: {  	s2 =	sld [smem:$0x3F81]  }
0x29: {  	s4 =	sld [smem:$0x3F83]  }
0x2a: {  	p0 =	seq.s32 s5, $0x0;
	s5 =	sld [smem:$0x3F84]  }
0x2b: {  	s6 =	sld [smem:$0x3F85]  }
0x2c: {  	s7 =	sld [smem:$0x3F86]  }
0x2d: {  	s3 =	simm.s32 $0x108;
	s8 =	sld [smem:$0x3F87]  }
0x2e: {  	s3 =	simm.s32 @!p0 $0x1082;
	s9 =	sld [smem:$0x3F88]  }
0x2f: {  	lr =	sadd.s32 s0, s3;
	s0 =	sld [smem:$0x3F7F]  }
0x30: {  	s3 =	sld [smem:$0x3F82]  }
0x31: {  	[smem:$0x3F8B] =	sst s10  }
0x32: {  	s10 =	sld [smem:$0x3F89];
	_ =	sdelay $0x3  }
0x33: {  	p0 =	seq.s32 s10, $0x1;
	s10 =	sld [smem:$0x3F8B];
	_ =	sdelay $0x3  }
0x34: {  	[smem:$0x3F8B] =	sst s10  }
0x35: {  	s10 =	sld [smem:$0x3F8A];
	_ =	sdelay $0x3  }
0x36: {  	p1 =	seq.s32 s10, $0x1;
	s10 =	sld [smem:$0x3F8B];
	_ =	sdelay $0x3  }
0x37: {  	[smem:$0x3F8B] =	sst s10  }
0x38: {  	s10 =	sld [smem:$0x3F8C]  }
0x39: {  	_ = 	snop;
	(pc) =	sbr.ind lr, $3  }
0x3a: {  	_ = 	snop  }
0x3b: {  	_ = 	snop  }
0x3c: {  	p2 =	seq.s32 s10, $0x1;
	s10 =	sld [smem:$0x3F8B]  }
0x3d: {  	_ =	shalt  }
0x3e: {  	_ =	shalt  }
0x3f: {  	_ =	shalt  }
0x40: {  	_ =	shalt  }
0x41: {  	_ =	shalt  }
0x42: {  	_ =	shalt  }
0x43: {  	_ =	shalt  }
0x44: {  	_ =	shalt  }
0x45: {  	_ =	shalt  }
0x46: {  	_ =	shalt  }
0x47: {  	_ =	shalt  }
0x48: {  	_ =	shalt  }
0x49: {  	_ =	shalt  }
0x4a: {  	_ =	shalt  }
0x4b: {  	_ =	shalt  }
0x4c: {  	_ =	shalt  }
0x4d: {  	_ =	shalt  }
0x4e: {  	_ =	shalt  }
0x4f: {  	_ =	shalt  }
0x50: {  	_ =	shalt  }
0x51: {  	_ =	shalt  }
0x52: {  	_ =	shalt  }
0x53: {  	_ =	shalt  }
0x54: {  	_ =	shalt  }
0x55: {  	_ =	shalt  }
0x56: {  	_ =	shalt  }
0x57: {  	_ =	shalt  }
0x58: {  	_ =	shalt  }
0x59: {  	_ =	shalt  }
0x5a: {  	_ =	shalt  }
0x5b: {  	_ =	shalt  }
0x5c: {  	_ =	shalt  }
0x5d: {  	_ =	shalt  }
0x5e: {  	_ =	shalt  }
0x5f: {  	_ =	shalt  }
0x60: {  	_ =	shalt  }
0x61: {  	_ =	shalt  }
0x62: {  	_ =	shalt  }
0x63: {  	_ =	shalt  }
0x64: {  	_ =	shalt  }
0x65: {  	_ =	shalt  }
0x66: {  	_ =	shalt  }
0x67: {  	_ =	shalt  }
0x68: {  	_ =	shalt  }
0x69: {  	_ =	shalt  }
0x6a: {  	_ =	shalt  }
0x6b: {  	_ =	shalt  }
0x6c: {  	_ =	shalt  }
0x6d: {  	_ =	shalt  }
0x6e: {  	_ =	shalt  }
0x6f: {  	_ =	shalt  }
0x70: {  	_ =	shalt  }
0x71: {  	_ =	shalt  }
0x72: {  	_ =	shalt  }
0x73: {  	_ =	shalt  }
0x74: {  	_ =	shalt  }
0x75: {  	_ =	shalt  }
0x76: {  	_ =	shalt  }
0x77: {  	_ =	shalt  }
0x78: {  	_ =	shalt  }
0x79: {  	_ =	shalt  }
0x7a: {  	_ =	shalt  }
0x7b: {  	_ =	shalt  }
0x7c: {  	_ =	shalt  }
0x7d: {  	_ =	shalt  }
0x7e: {  	_ =	shalt  }
0x7f: {  	_ =	shalt  }
0x80: {  	_ =	shalt  }
0x81: {  	_ =	shalt  }
0x82: {  	_ =	shalt  }
0x83: {  	_ =	shalt  }
0x84: {  	_ =	shalt  }
0x85: {  	_ =	shalt  }
0x86: {  	_ =	shalt  }
0x87: {  	_ =	shalt  }
.Lfunc_end0:
.L_simem_size_0:
called_computation.1_lowered:
.L_overlay_start_0:
0x88: {  	s2 =	sld [smem:$0x3FD9]  }
0x89: {  	s3 =	sld [smem:$0x3FFE];
	_ =	sdelay $0x1  }
0x8a: {  	s1 =	srdreg.scid  }
0x8b: {  	s0 =	sand.u32 $0x1, s1  }
0x8c: {  	s16 =	sshll.u32 s0, $0xA;
	s2 =	sadd.s32 s3, s2  }
0x8d: {  	s2 =	sadd.s32 s2, s16  }
0x8e: {  	[smem:$0x3F97] =	sst s2  }
0x8f: {  	_ = 	snop  }
0x90: {  	(tm) =	ssettm $0x1  }
0x91: {  	s17 =	sld [smem:$0x3FFB];
	_ =	sdelay $0x3  }
0x92: {  	_ =	strace s17  }
0x93: {  	s2 =	sld [smem:$0x3FFC];
	_ =	sdelay $0x3  }
0x94: {  	_ =	strace s2  }
0x95: {  	s2 =	sld [smem:$0x3FFD];
	_ =	sdelay $0x3  }
0x96: {  	_ =	strace s2  }
0x97: {  	_ =	strace $0x8FFFFFFF  }
0x98: {  	s18 =	sld [smem:$0x3FDB];
	_ =	sdelay $0x1  }
0x99: {  	s19 =	simm.s32 $_scs_section_size  }
0x9a: {  	s4 =	simm.s32 $_size__tile_overlayer_lowered;
	s5 =	simm.s32 $_tile_overlayer_lowered  }
0x9b: {  	s22 =	simm.s32 $0x1BFF;
	s21 =	sshll.u32 s5, $0x1;
	s2 =	sadd.s32 s19, s18  }
0x9c: {  	s6 =	simm.s32 $0x0;
	s20 =	sshll.u32 s4, $0x1;
	s4 =	sadd.s32 s21, s2  }
0x9d: {  	[timem:s6], [sflag:s22] =	dma.local [hbm:s4], s20  }
0x9e: {  	_ =	swait.ge [sflag:s22], s20  }
0x9f: {  	s3 =	ssub.s32 $0x0, s20;
	[sflag:s22] =	ssyncset.done $0x0  }
0xa0: {  	[sflag:s22] =	ssyncadd.s32 s3;
	_ =	sdelay $0x1  }
0xa1: {  	s23 =	simm.s32 $0x1B8B  }
0xa2: {  	_ =	swait.ge [sflag:s23], $0x1  }
0xa3: {  	[sflag:s23] =	ssyncset.done $0x0  }
0xa4: {  	s25 =	simm.s32 $0x1B8E;
	s24 =	sld [smem:$0x3FFE];
	[sflag:s23] =	ssyncadd.s32 $0xFFFFFFFF  }
0xa5: {  	s26 =	simm.s32 $execute0_lowered;
	[smem:$0x3FD2] =	sst s25  }
0xa6: {  	s4 =	sshll.u32 s26, $0x1;
	_ =	strace $0x80000046;
	[dreg:$0x1] =	wrdreg $0xFFFFFFFF  }
0xa7: {  	s28 =	simm.s32 $_size_execute0_lowered;
	s2 =	sadd.s32 s2, s4;
	[dreg:$0x0] =	wrdreg $0x0  }
0xa8: {  	s4 =	sshll.u32 s28, $0x1;
	[dreg:$0x2] =	wrdreg s2  }
0xa9: {  	[dreg:$0x3] =	wrdreg s4  }
0xaa: {  	[dreg:$0x4] =	wrdreg $0xC0  }
0xab: {  	_ =	task [dreg:s6], $0x5FFFF  }
0xac: {  	[dreg:$0x1] =	wrdreg $0xFFFFFFFF  }
0xad: {  	[dreg:$0x0] =	wrdreg $0x60  }
0xae: {  	[dreg:$0x2] =	wrdreg s24  }
0xaf: {  	[dreg:$0x3] =	wrdreg $0xA  }
0xb0: {  	_ =	task.clear_ibuf [dreg:s6], $0x4FFFF;
	_ =	strace $0x90000046  }
0xb1: {  	s29 =	simm.s32 $0xA;
	_ =	strace $0x80000048  }
0xb2: {  	_ =	swait.ge [sflag:s29], $0x1  }
0xb3: {  	[sflag:s29] =	ssyncadd.s32 $0xFFFFFFFF  }
0xb4: {  	_ =	strace $0x90000048  }
0xb5: {  	_ =	sfence  }
0xb6: {  	s30 =	sld [smem:$0x0];
	_ =	sdelay $0x2  }
0xb7: {  	s31 =	sshll.u32 s1, $0xD;
	s1 =	sshrl.u32 s1, $0x2  }
0xb8: {  	s3 =	sand.u32 $0x4000, s31;
	s1 =	sadd.s32 s1, s30  }
0xb9: {  	s0 =	sor.u32 s3, s0;
	s1 =	sshll.u32 s1, $0x11  }
0xba: {  	s0 =	sor.u32 s1, s0  }
0xbb: {  	s0 =	sadd.s32 $0x8F2B, s0  }
0xbc: {  	[sflag:s0] =	ssyncadd.remote.s32 $0x1  }
0xbd: {  	_ =	sfence.sel $0xFFFF  }
0xbe: {  	[dreg:$0x0] =	wrdreg $0xFFFFFFFF;
	(pc) =	sbr.abs _section_cstart, $3  }
0xbf: {  	[dreg:$0x1] =	wrdreg $0xFFFFFFFF  }
0xc0: {  	_ =	task.clear_ibuf [dreg:s6], $0x2FFFF;
	_ =	strace $0x9FFFFFFF  }
0xc1: {  	(tm) =	ssettm $0x7FFFFFFF  }
tec
execute0_lowered:
.L_overlay_start_1:
0x0: {  	(tag) =	ssettag $0x1  }
0x1: {  	s1 =	srdreg.scid  }
0x2: {  	s0 =	stileid.u32;
	s1 =	sand.u32 $0x1, s1  }
0x3: {  	s3 =	sshll.u32 s0, $0x9;
	s4 =	sshll.u32 s1, $0x8  }
0x4: {  	s14 =	rddreg [dreg:$0x0];
	s2 =	simm.s32 $0x0;
	s11 =	sor.u32 s4, s3  }
0x5: {  	[smem:$0x7FF] =	sst s2;
	s3 =	sshrl.u32 s11, $0x3  }
0x6: {  	s25 =	sadd.s32 $0xC800, s14;
	_ =	strace $0x80000047;
	s8 =	sadd.s32 s3, s14  }
0x7: {  	[dreg:$0x2] =	wrdreg s25;
	s3 =	simm.s32 $0x2;
	s4 =	sadd.s32 $0x4A1000, s8  }
0x8: {  	[tilespmem:s2], [sflag:$0x2] =	stream.linear.gather [hbm4b:s4+s2], $0x100, $0x38;
	[tilespmem:$0x10100] =	vst v63  }
0x9: {  	_ =	swait.ge [sflag:s3], $0x100  }
0xa: {  	s5 =	simm.s32 $0x100;
	[sflag:s3] =	ssyncset.done $0x0  }
0xb: {  	s6 =	simm.s32 $0x1;
	s7 =	rddreg [dreg:$0x2];
	[sflag:s3] =	ssyncadd.s32 $0xFFFFFF00  }
0xc: {  	[tilespmem:s5], [sflag:$0x1] =	stream.indirect.gather [hbm4b:s7+s5], $0x40, s2, s5, $0xb8;
	[tilespmem:$0x10100] =	vst v63  }
0xd: {  	s26 =	sshll.u32 s11, $0x4;
	_ =	swait.ge [sflag:s6], $0x4000  }
0xe: {  	s31 =	sadd.s32 s26, s14;
	[sflag:s6] =	ssyncset.done $0x0  }
0xf: {  	s7 =	sadd.s32 $0x4A1C00, s31;
	[sflag:s6] =	ssyncadd.s32 $0xFFFFC000  }
0x10: {  	[hbm4b:s7+s2] =	stream.linear.scatter [tilespmem:s5], [sflag:$0x2], $0x8000, $0x38;
	[tilespmem:$0x10100] =	vst v63  }
0x11: {  	_ =	swait.ge [sflag:s3], $0x8000  }
0x12: {  	[sflag:s3] =	ssyncset.done $0x0  }
0x13: {  	s8 =	sadd.s32 $0x4A0C00, s8;
	[sflag:s3] =	ssyncadd.s32 $0xFFFF8000  }
0x14: {  	[tilespmem:s2], [sflag:$0x2] =	stream.linear.gather [hbm4b:s8+s2], $0x100, $0x38;
	[tilespmem:$0x10100] =	vst v63  }
0x15: {  	_ =	swait.ge [sflag:s3], $0x100  }
0x16: {  	[sflag:s3] =	ssyncset.done $0x0  }
0x17: {  	s9 =	sadd.s32 $0x193400, s14;
	[sflag:s3] =	ssyncadd.s32 $0xFFFFFF00  }
0x18: {  	[tilespmem:s5], [sflag:$0x1] =	stream.indirect.gather [hbm4b:s9+s5], $0x40, s2, s5, $0xb8;
	[tilespmem:$0x10100] =	vst v63  }
0x19: {  	_ =	swait.ge [sflag:s6], $0x4000  }
0x1a: {  	[sflag:s6] =	ssyncset.done $0x0  }
0x1b: {  	s10 =	sadd.s32 $0x4C1C00, s31;
	[sflag:s6] =	ssyncadd.s32 $0xFFFFC000  }
0x1c: {  	[hbm4b:s10+s2] =	stream.linear.scatter [tilespmem:s5], [sflag:$0x2], $0x8000, $0x38;
	[tilespmem:$0x10100] =	vst v63  }
0x1d: {  	_ =	swait.ge [sflag:s3], $0x8000  }
0x1e: {  	s12 =	simm.s32 $0x80;
	s30 =	sadd.s32 s11, s14;
	[sflag:s3] =	ssyncset.done $0x0  }
0x1f: {  	s13 =	simm.s32 $0x400;
	s11 =	sadd.s32 $0x8800, s30;
	[sflag:s3] =	ssyncadd.s32 $0xFFFF8000  }
0x20: {  	[tilespmem:s2], [sflag:$0x2] =	stream.strided.gather [hbm4b:s11+s12], $0x100, s13, s12, $0x38;
	[tilespmem:$0x10100] =	vst v63  }
0x21: {  	_ =	swait.ge [sflag:s3], $0x100  }
0x22: {  	[sflag:s3] =	ssyncset.done $0x0  }
0x23: {  	s15 =	simm.s32 $0x8100;
	s14 =	sadd.s32 $0x31A000, s14;
	[sflag:s3] =	ssyncadd.s32 $0xFFFFFF00  }
0x24: {  	[tilespmem:s15], [sflag:$0x1] =	stream.indirect.gather [hbm4b:s14+s5], $0x20, s2, s5, $0xb8;
	[tilespmem:$0x10100] =	vst v63  }
0x25: {  	_ =	swait.ge [sflag:s6], $0x2000  }
0x26: {  	[sflag:s6] =	ssyncset.done $0x0  }
0x27: {  	s16 =	sadd.s32 $0x4E1C00, s31;
	[sflag:s6] =	ssyncadd.s32 $0xFFFFE000  }
0x28: {  	[hbm4b:s16+s2] =	stream.linear.scatter [tilespmem:s15], [sflag:$0x2], $0x8000, $0x38;
	[tilespmem:$0x10100] =	vst v63  }
0x29: {  	_ =	swait.ge [sflag:s3], $0x8000  }
0x2a: {  	[sflag:s3] =	ssyncset.done $0x0  }
0x2b: {  	s17 =	sadd.s32 $0x8810, s30;
	[sflag:s3] =	ssyncadd.s32 $0xFFFF8000  }
0x2c: {  	[tilespmem:s2], [sflag:$0x2] =	stream.strided.gather [hbm4b:s17+s12], $0x100, s13, s12, $0x38;
	[tilespmem:$0x10100] =	vst v63  }
0x2d: {  	_ =	swait.ge [sflag:s3], $0x100  }
0x2e: {  	[sflag:s3] =	ssyncset.done $0x0  }
0x2f: {  	[sflag:s3] =	ssyncadd.s32 $0xFFFFFF00  }
0x30: {  	[tilespmem:s15], [sflag:$0x1] =	stream.indirect.gather [hbm4b:s14+s5], $0x20, s2, s5, $0xb8;
	[tilespmem:$0x10100] =	vst v63  }
0x31: {  	_ =	swait.ge [sflag:s6], $0x2000  }
0x32: {  	[sflag:s6] =	ssyncset.done $0x0  }
0x33: {  	s18 =	sadd.s32 $0x501C00, s31;
	[sflag:s6] =	ssyncadd.s32 $0xFFFFE000  }
0x34: {  	[hbm4b:s18+s2] =	stream.linear.scatter [tilespmem:s15], [sflag:$0x2], $0x8000, $0x38;
	[tilespmem:$0x10100] =	vst v63  }
0x35: {  	_ =	swait.ge [sflag:s3], $0x8000  }
0x36: {  	[sflag:s3] =	ssyncset.done $0x0  }
0x37: {  	s19 =	sadd.s32 $0x8820, s30;
	[sflag:s3] =	ssyncadd.s32 $0xFFFF8000  }
0x38: {  	[tilespmem:s2], [sflag:$0x2] =	stream.strided.gather [hbm4b:s19+s12], $0x100, s13, s12, $0x38;
	[tilespmem:$0x10100] =	vst v63  }
0x39: {  	_ =	swait.ge [sflag:s3], $0x100  }
0x3a: {  	[sflag:s3] =	ssyncset.done $0x0  }
0x3b: {  	[sflag:s3] =	ssyncadd.s32 $0xFFFFFF00  }
0x3c: {  	[tilespmem:s15], [sflag:$0x1] =	stream.indirect.gather [hbm4b:s14+s5], $0x20, s2, s5, $0xb8;
	[tilespmem:$0x10100] =	vst v63  }
0x3d: {  	_ =	swait.ge [sflag:s6], $0x2000  }
0x3e: {  	[sflag:s6] =	ssyncset.done $0x0  }
0x3f: {  	s20 =	sadd.s32 $0x521C00, s31;
	[sflag:s6] =	ssyncadd.s32 $0xFFFFE000  }
0x40: {  	[hbm4b:s20+s2] =	stream.linear.scatter [tilespmem:s15], [sflag:$0x2], $0x8000, $0x38;
	[tilespmem:$0x10100] =	vst v63  }
0x41: {  	_ =	swait.ge [sflag:s3], $0x8000  }
0x42: {  	[sflag:s3] =	ssyncset.done $0x0  }
0x43: {  	s21 =	sadd.s32 $0x8830, s30;
	[sflag:s3] =	ssyncadd.s32 $0xFFFF8000  }
0x44: {  	[tilespmem:s2], [sflag:$0x2] =	stream.strided.gather [hbm4b:s21+s12], $0x100, s13, s12, $0x38;
	[tilespmem:$0x10100] =	vst v63  }
0x45: {  	_ =	swait.ge [sflag:s3], $0x100  }
0x46: {  	[sflag:s3] =	ssyncset.done $0x0  }
0x47: {  	[sflag:s3] =	ssyncadd.s32 $0xFFFFFF00  }
0x48: {  	[tilespmem:s15], [sflag:$0x1] =	stream.indirect.gather [hbm4b:s14+s5], $0x20, s2, s5, $0xb8;
	[tilespmem:$0x10100] =	vst v63  }
0x49: {  	_ =	swait.ge [sflag:s6], $0x2000  }
0x4a: {  	[sflag:s6] =	ssyncset.done $0x0  }
0x4b: {  	s22 =	sadd.s32 $0x541C00, s31;
	[sflag:s6] =	ssyncadd.s32 $0xFFFFE000  }
0x4c: {  	[hbm4b:s22+s2] =	stream.linear.scatter [tilespmem:s15], [sflag:$0x2], $0x8000, $0x38;
	[tilespmem:$0x10100] =	vst v63  }
0x4d: {  	_ =	swait.ge [sflag:s3], $0x8000  }
0x4e: {  	[sflag:s3] =	ssyncset.done $0x0  }
0x4f: {  	s23 =	sadd.s32 $0x8840, s30;
	[sflag:s3] =	ssyncadd.s32 $0xFFFF8000  }
0x50: {  	[tilespmem:s2], [sflag:$0x2] =	stream.strided.gather [hbm4b:s23+s12], $0x100, s13, s12, $0x38;
	[tilespmem:$0x10100] =	vst v63  }
0x51: {  	_ =	swait.ge [sflag:s3], $0x100  }
0x52: {  	[sflag:s3] =	ssyncset.done $0x0  }
0x53: {  	[sflag:s3] =	ssyncadd.s32 $0xFFFFFF00  }
0x54: {  	[tilespmem:s15], [sflag:$0x1] =	stream.indirect.gather [hbm4b:s14+s5], $0x20, s2, s5, $0xb8;
	[tilespmem:$0x10100] =	vst v63  }
0x55: {  	_ =	swait.ge [sflag:s6], $0x2000  }
0x56: {  	[sflag:s6] =	ssyncset.done $0x0  }
0x57: {  	s24 =	sadd.s32 $0x561C00, s31;
	[sflag:s6] =	ssyncadd.s32 $0xFFFFE000  }
0x58: {  	[hbm4b:s24+s2] =	stream.linear.scatter [tilespmem:s15], [sflag:$0x2], $0x8000, $0x38;
	[tilespmem:$0x10100] =	vst v63  }
0x59: {  	_ =	swait.ge [sflag:s3], $0x8000  }
0x5a: {  	[sflag:s3] =	ssyncset.done $0x0  }
0x5b: {  	s25 =	sadd.s32 $0x8850, s30;
	[sflag:s3] =	ssyncadd.s32 $0xFFFF8000  }
0x5c: {  	[tilespmem:s2], [sflag:$0x2] =	stream.strided.gather [hbm4b:s25+s12], $0x100, s13, s12, $0x38;
	[tilespmem:$0x10100] =	vst v63  }
0x5d: {  	_ =	swait.ge [sflag:s3], $0x100  }
0x5e: {  	[sflag:s3] =	ssyncset.done $0x0  }
0x5f: {  	[sflag:s3] =	ssyncadd.s32 $0xFFFFFF00  }
0x60: {  	[tilespmem:s15], [sflag:$0x1] =	stream.indirect.gather [hbm4b:s14+s5], $0x20, s2, s5, $0xb8;
	[tilespmem:$0x10100] =	vst v63  }
0x61: {  	_ =	swait.ge [sflag:s6], $0x2000  }
0x62: {  	[sflag:s6] =	ssyncset.done $0x0  }
0x63: {  	s26 =	sadd.s32 $0x581C00, s31;
	[sflag:s6] =	ssyncadd.s32 $0xFFFFE000  }
0x64: {  	[hbm4b:s26+s2] =	stream.linear.scatter [tilespmem:s15], [sflag:$0x2], $0x8000, $0x38;
	[tilespmem:$0x10100] =	vst v63  }
0x65: {  	_ =	swait.ge [sflag:s3], $0x8000  }
0x66: {  	[sflag:s3] =	ssyncset.done $0x0  }
0x67: {  	s28 =	sadd.s32 $0x8860, s30;
	[sflag:s3] =	ssyncadd.s32 $0xFFFF8000  }
0x68: {  	[tilespmem:s2], [sflag:$0x2] =	stream.strided.gather [hbm4b:s28+s12], $0x100, s13, s12, $0x38;
	[tilespmem:$0x10100] =	vst v63  }
0x69: {  	_ =	swait.ge [sflag:s3], $0x100  }
0x6a: {  	[sflag:s3] =	ssyncset.done $0x0  }
0x6b: {  	[sflag:s3] =	ssyncadd.s32 $0xFFFFFF00  }
0x6c: {  	[tilespmem:s15], [sflag:$0x1] =	stream.indirect.gather [hbm4b:s14+s5], $0x20, s2, s5, $0xb8;
	[tilespmem:$0x10100] =	vst v63  }
0x6d: {  	_ =	swait.ge [sflag:s6], $0x2000  }
0x6e: {  	[sflag:s6] =	ssyncset.done $0x0  }
0x6f: {  	s29 =	sadd.s32 $0x5A1C00, s31;
	[sflag:s6] =	ssyncadd.s32 $0xFFFFE000  }
0x70: {  	[hbm4b:s29+s2] =	stream.linear.scatter [tilespmem:s15], [sflag:$0x2], $0x8000, $0x38;
	[tilespmem:$0x10100] =	vst v63  }
0x71: {  	_ =	swait.ge [sflag:s3], $0x8000  }
0x72: {  	[sflag:s3] =	ssyncset.done $0x0  }
0x73: {  	s1 =	ssub.s32 $0x2, s1;
	s30 =	sadd.s32 $0x8870, s30;
	[sflag:s3] =	ssyncadd.s32 $0xFFFF8000  }
0x74: {  	[tilespmem:s2], [sflag:$0x2] =	stream.strided.gather [hbm4b:s30+s12], $0x100, s13, s12, $0x38;
	[tilespmem:$0x10100] =	vst v63  }
0x75: {  	s0 =	sshrl.u32 s1, $0x1;
	_ =	swait.ge [sflag:s3], $0x100  }
0x76: {  	s0 =	ssub.s32 s1, s0;
	[sflag:s3] =	ssyncset.done $0x0  }
0x77: {  	s0 =	smax.u32 s0, $0x1;
	[sflag:s3] =	ssyncadd.s32 $0xFFFFFF00  }
0x78: {  	[tilespmem:s15], [sflag:$0x1] =	stream.indirect.gather [hbm4b:s14+s5], $0x20, s2, s5, $0xb8;
	[tilespmem:$0x10100] =	vst v63  }
0x79: {  	p0 =	sne.s32 s0, $0x1;
	_ =	swait.ge [sflag:s6], $0x2000  }
.Ltmp0:
0x7a: {  	[sflag:s6] =	ssyncset.done $0x0;
	(pc) =	sbr.rel @!p0 .LBB2_2-.Ltmp0, $4  }
0x7b: {  	s31 =	sadd.s32 $0x5C1C00, s31;
	[sflag:s6] =	ssyncadd.s32 $0xFFFFE000  }
0x7c: {  	[hbm4b:s31+s2] =	stream.linear.scatter [tilespmem:s15], [sflag:$0x2], $0x8000, $0x38;
	[tilespmem:$0x10100] =	vst v63  }
0x7d: {  	_ =	swait.ge [sflag:s3], $0x8000  }
0x7e: {  	s1 =	sadd.s32 $0xFFFFFFFF, s0;
	[sflag:s3] =	ssyncset.done $0x0  }
.LBB2_1:
0x7f: {  	[sflag:s3] =	ssyncadd.s32 $0xFFFF8000  }
0x80: {  	[tilespmem:s2], [sflag:$0x2] =	stream.linear.gather [hbm4b:s4+s2], $0x100, $0x38;
	[tilespmem:$0x10100] =	vst v63  }
0x81: {  	_ =	swait.ge [sflag:s3], $0x100  }
0x82: {  	[sflag:s3] =	ssyncset.done $0x0  }
0x83: {  	s0 =	rddreg [dreg:$0x2];
	[sflag:s3] =	ssyncadd.s32 $0xFFFFFF00  }
0x84: {  	[tilespmem:s5], [sflag:$0x1] =	stream.indirect.gather [hbm4b:s0+s5], $0x40, s2, s5, $0xb8;
	[tilespmem:$0x10100] =	vst v63  }
0x85: {  	_ =	swait.ge [sflag:s6], $0x4000  }
0x86: {  	[sflag:s6] =	ssyncset.done $0x0  }
0x87: {  	[sflag:s6] =	ssyncadd.s32 $0xFFFFC000  }
0x88: {  	[hbm4b:s7+s2] =	stream.linear.scatter [tilespmem:s5], [sflag:$0x2], $0x8000, $0x38;
	[tilespmem:$0x10100] =	vst v63  }
0x89: {  	_ =	swait.ge [sflag:s3], $0x8000  }
0x8a: {  	[sflag:s3] =	ssyncset.done $0x0  }
0x8b: {  	[sflag:s3] =	ssyncadd.s32 $0xFFFF8000  }
0x8c: {  	[tilespmem:s2], [sflag:$0x2] =	stream.linear.gather [hbm4b:s8+s2], $0x100, $0x38;
	[tilespmem:$0x10100] =	vst v63  }
0x8d: {  	_ =	swait.ge [sflag:s3], $0x100  }
0x8e: {  	[sflag:s3] =	ssyncset.done $0x0  }
0x8f: {  	[sflag:s3] =	ssyncadd.s32 $0xFFFFFF00  }
0x90: {  	[tilespmem:s5], [sflag:$0x1] =	stream.indirect.gather [hbm4b:s9+s5], $0x40, s2, s5, $0xb8;
	[tilespmem:$0x10100] =	vst v63  }
0x91: {  	_ =	swait.ge [sflag:s6], $0x4000  }
0x92: {  	[sflag:s6] =	ssyncset.done $0x0  }
0x93: {  	[sflag:s6] =	ssyncadd.s32 $0xFFFFC000  }
0x94: {  	[hbm4b:s10+s2] =	stream.linear.scatter [tilespmem:s5], [sflag:$0x2], $0x8000, $0x38;
	[tilespmem:$0x10100] =	vst v63  }
0x95: {  	_ =	swait.ge [sflag:s3], $0x8000  }
0x96: {  	[sflag:s3] =	ssyncset.done $0x0  }
0x97: {  	[sflag:s3] =	ssyncadd.s32 $0xFFFF8000  }
0x98: {  	[tilespmem:s2], [sflag:$0x2] =	stream.strided.gather [hbm4b:s11+s12], $0x100, s13, s12, $0x38;
	[tilespmem:$0x10100] =	vst v63  }
0x99: {  	_ =	swait.ge [sflag:s3], $0x100  }
0x9a: {  	[sflag:s3] =	ssyncset.done $0x0  }
0x9b: {  	[sflag:s3] =	ssyncadd.s32 $0xFFFFFF00  }
0x9c: {  	[tilespmem:s15], [sflag:$0x1] =	stream.indirect.gather [hbm4b:s14+s5], $0x20, s2, s5, $0xb8;
	[tilespmem:$0x10100] =	vst v63  }
0x9d: {  	_ =	swait.ge [sflag:s6], $0x2000  }
0x9e: {  	[sflag:s6] =	ssyncset.done $0x0  }
0x9f: {  	[sflag:s6] =	ssyncadd.s32 $0xFFFFE000  }
0xa0: {  	[hbm4b:s16+s2] =	stream.linear.scatter [tilespmem:s15], [sflag:$0x2], $0x8000, $0x38;
	[tilespmem:$0x10100] =	vst v63  }
0xa1: {  	_ =	swait.ge [sflag:s3], $0x8000  }
0xa2: {  	[sflag:s3] =	ssyncset.done $0x0  }
0xa3: {  	[sflag:s3] =	ssyncadd.s32 $0xFFFF8000  }
0xa4: {  	[tilespmem:s2], [sflag:$0x2] =	stream.strided.gather [hbm4b:s17+s12], $0x100, s13, s12, $0x38;
	[tilespmem:$0x10100] =	vst v63  }
0xa5: {  	_ =	swait.ge [sflag:s3], $0x100  }
0xa6: {  	[sflag:s3] =	ssyncset.done $0x0  }
0xa7: {  	[sflag:s3] =	ssyncadd.s32 $0xFFFFFF00  }
0xa8: {  	[tilespmem:s15], [sflag:$0x1] =	stream.indirect.gather [hbm4b:s14+s5], $0x20, s2, s5, $0xb8;
	[tilespmem:$0x10100] =	vst v63  }
0xa9: {  	_ =	swait.ge [sflag:s6], $0x2000  }
0xaa: {  	[sflag:s6] =	ssyncset.done $0x0  }
0xab: {  	[sflag:s6] =	ssyncadd.s32 $0xFFFFE000  }
0xac: {  	[hbm4b:s18+s2] =	stream.linear.scatter [tilespmem:s15], [sflag:$0x2], $0x8000, $0x38;
	[tilespmem:$0x10100] =	vst v63  }
0xad: {  	_ =	swait.ge [sflag:s3], $0x8000  }
0xae: {  	[sflag:s3] =	ssyncset.done $0x0  }
0xaf: {  	[sflag:s3] =	ssyncadd.s32 $0xFFFF8000  }
0xb0: {  	[tilespmem:s2], [sflag:$0x2] =	stream.strided.gather [hbm4b:s19+s12], $0x100, s13, s12, $0x38;
	[tilespmem:$0x10100] =	vst v63  }
0xb1: {  	_ =	swait.ge [sflag:s3], $0x100  }
0xb2: {  	[sflag:s3] =	ssyncset.done $0x0  }
0xb3: {  	[sflag:s3] =	ssyncadd.s32 $0xFFFFFF00  }
0xb4: {  	[tilespmem:s15], [sflag:$0x1] =	stream.indirect.gather [hbm4b:s14+s5], $0x20, s2, s5, $0xb8;
	[tilespmem:$0x10100] =	vst v63  }
0xb5: {  	_ =	swait.ge [sflag:s6], $0x2000  }
0xb6: {  	[sflag:s6] =	ssyncset.done $0x0  }
0xb7: {  	[sflag:s6] =	ssyncadd.s32 $0xFFFFE000  }
0xb8: {  	[hbm4b:s20+s2] =	stream.linear.scatter [tilespmem:s15], [sflag:$0x2], $0x8000, $0x38;
	[tilespmem:$0x10100] =	vst v63  }
0xb9: {  	_ =	swait.ge [sflag:s3], $0x8000  }
0xba: {  	[sflag:s3] =	ssyncset.done $0x0  }
0xbb: {  	[sflag:s3] =	ssyncadd.s32 $0xFFFF8000  }
0xbc: {  	[tilespmem:s2], [sflag:$0x2] =	stream.strided.gather [hbm4b:s21+s12], $0x100, s13, s12, $0x38;
	[tilespmem:$0x10100] =	vst v63  }
0xbd: {  	_ =	swait.ge [sflag:s3], $0x100  }
0xbe: {  	[sflag:s3] =	ssyncset.done $0x0  }
0xbf: {  	[sflag:s3] =	ssyncadd.s32 $0xFFFFFF00  }
0xc0: {  	[tilespmem:s15], [sflag:$0x1] =	stream.indirect.gather [hbm4b:s14+s5], $0x20, s2, s5, $0xb8;
	[tilespmem:$0x10100] =	vst v63  }
0xc1: {  	_ =	swait.ge [sflag:s6], $0x2000  }
0xc2: {  	[sflag:s6] =	ssyncset.done $0x0  }
0xc3: {  	[sflag:s6] =	ssyncadd.s32 $0xFFFFE000  }
0xc4: {  	[hbm4b:s22+s2] =	stream.linear.scatter [tilespmem:s15], [sflag:$0x2], $0x8000, $0x38;
	[tilespmem:$0x10100] =	vst v63  }
0xc5: {  	_ =	swait.ge [sflag:s3], $0x8000  }
0xc6: {  	[sflag:s3] =	ssyncset.done $0x0  }
0xc7: {  	[sflag:s3] =	ssyncadd.s32 $0xFFFF8000  }
0xc8: {  	[tilespmem:s2], [sflag:$0x2] =	stream.strided.gather [hbm4b:s23+s12], $0x100, s13, s12, $0x38;
	[tilespmem:$0x10100] =	vst v63  }
0xc9: {  	_ =	swait.ge [sflag:s3], $0x100  }
0xca: {  	[sflag:s3] =	ssyncset.done $0x0  }
0xcb: {  	[sflag:s3] =	ssyncadd.s32 $0xFFFFFF00  }
0xcc: {  	[tilespmem:s15], [sflag:$0x1] =	stream.indirect.gather [hbm4b:s14+s5], $0x20, s2, s5, $0xb8;
	[tilespmem:$0x10100] =	vst v63  }
0xcd: {  	_ =	swait.ge [sflag:s6], $0x2000  }
0xce: {  	[sflag:s6] =	ssyncset.done $0x0  }
0xcf: {  	[sflag:s6] =	ssyncadd.s32 $0xFFFFE000  }
0xd0: {  	[hbm4b:s24+s2] =	stream.linear.scatter [tilespmem:s15], [sflag:$0x2], $0x8000, $0x38;
	[tilespmem:$0x10100] =	vst v63  }
0xd1: {  	_ =	swait.ge [sflag:s3], $0x8000  }
0xd2: {  	[sflag:s3] =	ssyncset.done $0x0  }
0xd3: {  	[sflag:s3] =	ssyncadd.s32 $0xFFFF8000  }
0xd4: {  	[tilespmem:s2], [sflag:$0x2] =	stream.strided.gather [hbm4b:s25+s12], $0x100, s13, s12, $0x38;
	[tilespmem:$0x10100] =	vst v63  }
0xd5: {  	_ =	swait.ge [sflag:s3], $0x100  }
0xd6: {  	[sflag:s3] =	ssyncset.done $0x0  }
0xd7: {  	[sflag:s3] =	ssyncadd.s32 $0xFFFFFF00  }
0xd8: {  	[tilespmem:s15], [sflag:$0x1] =	stream.indirect.gather [hbm4b:s14+s5], $0x20, s2, s5, $0xb8;
	[tilespmem:$0x10100] =	vst v63  }
0xd9: {  	_ =	swait.ge [sflag:s6], $0x2000  }
0xda: {  	[sflag:s6] =	ssyncset.done $0x0  }
0xdb: {  	[sflag:s6] =	ssyncadd.s32 $0xFFFFE000  }
0xdc: {  	[hbm4b:s26+s2] =	stream.linear.scatter [tilespmem:s15], [sflag:$0x2], $0x8000, $0x38;
	[tilespmem:$0x10100] =	vst v63  }
0xdd: {  	_ =	swait.ge [sflag:s3], $0x8000  }
0xde: {  	[sflag:s3] =	ssyncset.done $0x0  }
0xdf: {  	[sflag:s3] =	ssyncadd.s32 $0xFFFF8000  }
0xe0: {  	[tilespmem:s2], [sflag:$0x2] =	stream.strided.gather [hbm4b:s28+s12], $0x100, s13, s12, $0x38;
	[tilespmem:$0x10100] =	vst v63  }
0xe1: {  	_ =	swait.ge [sflag:s3], $0x100  }
0xe2: {  	[sflag:s3] =	ssyncset.done $0x0  }
0xe3: {  	[sflag:s3] =	ssyncadd.s32 $0xFFFFFF00  }
0xe4: {  	[tilespmem:s15], [sflag:$0x1] =	stream.indirect.gather [hbm4b:s14+s5], $0x20, s2, s5, $0xb8;
	[tilespmem:$0x10100] =	vst v63  }
0xe5: {  	_ =	swait.ge [sflag:s6], $0x2000  }
0xe6: {  	[sflag:s6] =	ssyncset.done $0x0  }
0xe7: {  	[sflag:s6] =	ssyncadd.s32 $0xFFFFE000  }
0xe8: {  	[hbm4b:s29+s2] =	stream.linear.scatter [tilespmem:s15], [sflag:$0x2], $0x8000, $0x38;
	[tilespmem:$0x10100] =	vst v63  }
0xe9: {  	_ =	swait.ge [sflag:s3], $0x8000  }
0xea: {  	[sflag:s3] =	ssyncset.done $0x0  }
0xeb: {  	[sflag:s3] =	ssyncadd.s32 $0xFFFF8000  }
0xec: {  	[tilespmem:s2], [sflag:$0x2] =	stream.strided.gather [hbm4b:s30+s12], $0x100, s13, s12, $0x38;
	[tilespmem:$0x10100] =	vst v63  }
0xed: {  	_ =	swait.ge [sflag:s3], $0x100  }
0xee: {  	[sflag:s3] =	ssyncset.done $0x0  }
0xef: {  	[sflag:s3] =	ssyncadd.s32 $0xFFFFFF00  }
0xf0: {  	[tilespmem:s15], [sflag:$0x1] =	stream.indirect.gather [hbm4b:s14+s5], $0x20, s2, s5, $0xb8;
	[tilespmem:$0x10100] =	vst v63  }
0xf1: {  	p0 =	sne.s32 s1, $0x1;
	_ =	swait.ge [sflag:s6], $0x2000  }
.Ltmp1:
0xf2: {  	[sflag:s6] =	ssyncset.done $0x0;
	(pc) =	sbr.rel @p0 .LBB2_1-.Ltmp1, $4  }
0xf3: {  	[sflag:s6] =	ssyncadd.s32 $0xFFFFE000  }
0xf4: {  	[hbm4b:s31+s2] =	stream.linear.scatter [tilespmem:s15], [sflag:$0x2], $0x8000, $0x38;
	[tilespmem:$0x10100] =	vst v63  }
0xf5: {  	_ =	swait.ge [sflag:s3], $0x8000  }
0xf6: {  	s1 =	sadd.s32 $0xFFFFFFFF, s1;
	[sflag:s3] =	ssyncset.done $0x0  }
.LBB2_2:
0xf7: {  	[sflag:s3] =	ssyncadd.s32 $0xFFFF8000  }
0xf8: {  	_ =	sfence.sel $0x180000  }
0xf9: {  	[bflag:$0x0] =	sbarrier.arrive $0xFFFF  }
0xfa: {  	_ =	strace $0x90000047  }
0xfb: {  	s0 =	stileid.u32;
	[bflag:$0x2] =	sbarrier.arrive $0xFFFF  }
0xfc: {  	p0 =	sne.s32 s0, $0x0;
	s0 =	rddreg [dreg:$0x1]  }
0xfd: {  	s0 =	sadd.s32 @!p0 $0x100000, s0  }
0xfe: {  	[sflag:s0] =	ssyncadd.tile.s32 @!p0 $0x1;
	_ =	shalt  }
.Lfunc_end2:
_tile_overlayer_lowered:
.L_overlay_start_2:
0xff: {  	(tag) =	ssettag $0x2  }
0x100: {  	s0 =	rddreg [dreg:$0x0];
	s2 =	stileid.u32  }
0x101: {  	s1 =	rddreg [dreg:$0x1];
	p0 =	sne.s32 s2, $0x0  }
0x102: {  	s3 =	rddreg [dreg:$0x2];
	[bflag:$0x3] =	sbarrier.arrive $0xFFFF;
	s2 =	simm.s32 @!p0 $0x1C02  }
0x103: {  	[timem:s3], [sflag:s2] =	dma.local @!p0 [hbm:s0], s1  }
0x104: {  	s0 =	simm.s32 @!p0 $0x2  }
0x105: {  	_ =	swait.ge @!p0 [sflag:s0], s1  }
0x106: {  	s1 =	ssub.s32 @!p0 $0x0, s1;
	[sflag:s0] =	ssyncset.done @!p0 $0x0  }
0x107: {  	[sflag:s0] =	ssyncadd.s32 @!p0 s1  }
0x108: {  	[bflag:$0x3] =	sbarrier.arrive $0xFFFF  }
0x109: {  	_ =	shalt  }

</sc_bundles>
